<compile_context>
chip_gen: v7x
topology: tpu7x:2x2x1
jax: 0.10.2.dev20260603
libtpu: 0.0.44.dev20260713+nightly
codegen_flags: <defaults>
</compile_context>

<pallas_src>
import functools

import jax
import jax.numpy as jnp
from jax import lax
from jax.experimental import pallas as pl
from jax.experimental.pallas import tpu as pltpu
from jax.experimental.pallas import tpu_sc as plsc

F32 = jnp.float32
B, P, N, CIN = 4, 12000, 32, 8
C1 = 64
CW = 128
W = 282
CELLS = W * W
HPAD = 288
CP = HPAD * W
DUMP = CP - 1
M9 = B * P * N
TMG = 7680
TP = 600
NPT = (B * P) // TP
OH1 = 278
TH1 = 20
NT1 = 14
PH1 = 139
C2 = 16
OH2 = 136
TH2 = 34
NT2 = 4
PH2 = 68
NCHUNK, CHUNK = 125, 96
CELLSP = 79536
EPS = 1e-5



def _pfn_stats_body(x_ref, w_ref, b_ref, o_ref):
    i = pl.program_id(0)

    @pl.when(i == 0)
    def _():
        o_ref[...] = jnp.zeros_like(o_ref)

    y = jnp.dot(x_ref[...].reshape(TP * N, CIN), w_ref[...],
                preferred_element_type=F32) + b_ref[...]
    o_ref[0:1, :] += jnp.sum(y, axis=0, keepdims=True)
    o_ref[1:2, :] += jnp.sum(y * y, axis=0, keepdims=True)


def _pfn_stats(x3, w8, b):
    return pl.pallas_call(
        _pfn_stats_body,
        grid=(NPT,),
        in_specs=[
            pl.BlockSpec((TP, N, CIN), lambda i: (i, 0, 0)),
            pl.BlockSpec((CIN, C1), lambda i: (0, 0)),
            pl.BlockSpec((1, C1), lambda i: (0, 0)),
        ],
        out_specs=pl.BlockSpec((2, C1), lambda i: (0, 0)),
        out_shape=jax.ShapeDtypeStruct((2, C1), F32),
    )(x3, w8, b)



def _pfn_body(x_ref, co_ref, w_ref, a_ref, c_ref, f_ref, i_ref):
    x = x_ref[...].reshape(TP * N, CIN)
    y = jnp.dot(x, w_ref[...], preferred_element_type=F32)
    z = jnp.maximum(y * a_ref[...] + c_ref[...], 0.0)
    f = jnp.max(z.reshape(TP, N, C1), axis=1)
    f_ref[...] = jnp.concatenate([f, jnp.zeros((TP, CW - C1), F32)], axis=1)
    xg = jnp.floor((co_ref[0, 0, :] + 22.0) / 0.16)
    yg = jnp.floor((co_ref[0, 1, :] + 22.0) / 0.16)
    raw = (xg * 282.0 + yg).astype(jnp.int32)
    ok = (raw >= 0) & (raw < CELLS)
    i_ref[0, 0, :] = jnp.where(ok, raw, DUMP)


def _pfn(x3, coords, w8, a, c):
    return pl.pallas_call(
        _pfn_body,
        grid=(NPT,),
        in_specs=[
            pl.BlockSpec((TP, N, CIN), lambda i: (i, 0, 0)),
            pl.BlockSpec((1, 2, TP), lambda i: (i, 0, 0)),
            pl.BlockSpec((CIN, C1), lambda i: (0, 0)),
            pl.BlockSpec((1, C1), lambda i: (0, 0)),
            pl.BlockSpec((1, C1), lambda i: (0, 0)),
        ],
        out_specs=[
            pl.BlockSpec((TP, CW), lambda i: (i, 0)),
            pl.BlockSpec((1, 1, TP), lambda i: (i, 0, 0)),
        ],
        out_shape=[
            jax.ShapeDtypeStruct((B * P, CW), F32),
            jax.ShapeDtypeStruct((NPT, 1, TP), jnp.int32),
        ],
    )(x3, coords, w8, a, c)



_sc_mesh = plsc.VectorSubcoreMesh(core_axis_name="c", subcore_axis_name="s")


@functools.partial(
    pl.kernel,
    out_type=(jax.ShapeDtypeStruct((B, CP, CW), F32),
              jax.ShapeDtypeStruct((B, CP, CW), F32)),
    mesh=_sc_mesh,
    scratch_types=[
        pltpu.VMEM((432, CW), F32),
        pltpu.VMEM((NCHUNK, CHUNK), jnp.int32),
        pltpu.VMEM((CHUNK, CW), F32),
        pltpu.SemaphoreType.DMA,
        pltpu.SemaphoreType.DMA,
    ],
)
def _scatter_sc(feat_s, idx_s, feat_m, idx_m, zrow,
                can_s, can_m, zbuf, ibuf, fbuf, zsem, ssem):
    core = lax.axis_index("c")
    sub = lax.axis_index("s")
    b = sub // 4
    role = sub % 4
    pltpu.sync_copy(zrow, zbuf)

    def _zero(can):
        def zloop(j, carry):
            dst = can.at[b, pl.ds((role * 47 + j) * 432, 432), :]
            pltpu.async_copy(zbuf, dst, zsem).wait()
            return carry
        lax.fori_loop(0, 47, zloop, 0)

    @pl.when(core == 0)
    def _():
        _zero(can_s)

    @pl.when(core == 1)
    def _():
        _zero(can_m)

    plsc.subcore_barrier()

    def _scat(feat, idx, can):
        pltpu.sync_copy(idx.at[b], ibuf)

        def scat_loop(cc, carry):
            pltpu.sync_copy(feat.at[b, pl.ds(cc * CHUNK, CHUNK), :], fbuf)
            pltpu.async_copy(fbuf, can.at[b].at[ibuf.at[cc]], ssem).wait()
            return carry
        lax.fori_loop(0, NCHUNK, scat_loop, 0)

    @pl.when((core == 0) & (role == 0))
    def _():
        _scat(feat_s, idx_s, can_s)

    @pl.when((core == 1) & (role == 0))
    def _():
        _scat(feat_m, idx_m, can_m)



def _conv1_body(occ_ref, cs_ref, cm_ref, ws_ref, wm_ref, b_ref, y_ref,
                st_ref, slab_s, slab_m, acc_ref, sem_s, sem_m):
    b = pl.program_id(0)
    i = pl.program_id(1)
    acc_ref[...] = jnp.zeros((TH1 * OH1, C1), F32) + b_ref[...]

    @pl.when(occ_ref[0, 0, 0] > 0)
    def _():
        cps = pltpu.make_async_copy(
            cs_ref.at[b, pl.ds(i * TH1, TH1 + 4), :, :], slab_s, sem_s)
        cpm = pltpu.make_async_copy(
            cm_ref.at[b, pl.ds(i * TH1, TH1 + 4), :, :], slab_m, sem_m)
        cps.start()
        cpm.start()
        cps.wait()
        cpm.wait()
        for slab, wk in ((slab_s, ws_ref), (slab_m, wm_ref)):
            def tap(t, carry, slab=slab, wk=wk):
                ky = t // 5
                kx = t % 5
                sh = slab[pl.ds(ky, TH1), pl.ds(kx, OH1), 0:C1]
                acc_ref[...] += jnp.dot(sh.reshape(TH1 * OH1, C1),
                                        wk[ky, kx],
                                        preferred_element_type=F32)
                return carry
            lax.fori_loop(0, 25, tap, 0)
    acc = acc_ref[...]
    y_ref[...] = acc.reshape(1, TH1, OH1, C1)
    y3 = acc.reshape(TH1, OH1, C1)
    rid = lax.broadcasted_iota(jnp.int32, (TH1, 1, 1), 0) + i * TH1
    ym = jnp.where(rid < OH1, y3, 0.0)
    st_ref[0, 0] = jnp.stack(
        [jnp.sum(ym, axis=(0, 1)), jnp.sum(ym * ym, axis=(0, 1))])


def _conv1(occ, can_s, can_m, ws, wm, b1):
    return pl.pallas_call(
        _conv1_body,
        grid=(B, NT1),
        in_specs=[
            pl.BlockSpec((1, 1, 1), lambda b, i: (b * NT1 + i, 0, 0)),
            pl.BlockSpec(memory_space=pl.ANY),
            pl.BlockSpec(memory_space=pl.ANY),
            pl.BlockSpec((5, 5, C1, C1), lambda b, i: (0, 0, 0, 0)),
            pl.BlockSpec((5, 5, C1, C1), lambda b, i: (0, 0, 0, 0)),
            pl.BlockSpec((1, C1), lambda b, i: (0, 0)),
        ],
        out_specs=[
            pl.BlockSpec((1, TH1, OH1, C1), lambda b, i: (b, i, 0, 0)),
            pl.BlockSpec((1, 1, 2, C1), lambda b, i: (b, i, 0, 0)),
        ],
        out_shape=[
            jax.ShapeDtypeStruct((B, TH1 * NT1, OH1, C1), F32),
            jax.ShapeDtypeStruct((B, NT1, 2, C1), F32),
        ],
        scratch_shapes=[
            pltpu.VMEM((TH1 + 4, W, CW), F32),
            pltpu.VMEM((TH1 + 4, W, CW), F32),
            pltpu.VMEM((TH1 * OH1, C1), F32),
            pltpu.SemaphoreType.DMA,
            pltpu.SemaphoreType.DMA,
        ],
    )(occ, can_s, can_m, ws, wm, b1)



def _bnpool1_body(a_ref, c_ref, y_ref, o_ref):
    t = y_ref[0]
    z = jnp.maximum(t * a_ref[...] + c_ref[...], 0.0)
    z = jnp.max(z.reshape(10, 2, OH1, C1), axis=1)
    z = jnp.max(z.reshape(10, PH1, 2, C1), axis=2)
    o_ref[0] = z


def _bnpool1(a, c, y1):
    return pl.pallas_call(
        _bnpool1_body,
        grid=(B, NT1),
        in_specs=[
            pl.BlockSpec((1, C1), lambda b, i: (0, 0)),
            pl.BlockSpec((1, C1), lambda b, i: (0, 0)),
            pl.BlockSpec((1, TH1, OH1, C1), lambda b, i: (b, i, 0, 0)),
        ],
        out_specs=pl.BlockSpec((1, 10, PH1, C1), lambda b, i: (b, i, 0, 0)),
        out_shape=jax.ShapeDtypeStruct((B, 10 * NT1, PH1, C1), F32),
    )(a, c, y1)



def _conv2_body(occ_ref, p_ref, w_ref, b_ref, kbg_ref, y_ref, st_ref,
                slab, acc_ref, sem):
    b = pl.program_id(0)
    i = pl.program_id(1)
    occ = occ_ref[0, 0, 0]

    @pl.when(occ == 0)
    def _():
        acc_ref[...] = jnp.zeros((TH2 * OH2, C2), F32) + b_ref[...] \
            + kbg_ref[...]

    @pl.when(occ > 0)
    def _():
        cp = pltpu.make_async_copy(
            p_ref.at[b, pl.ds(i * TH2, TH2 + 3), :, :], slab, sem)
        cp.start()
        cp.wait()
        acc_ref[...] = jnp.zeros((TH2 * OH2, C2), F32) + b_ref[...]

        def tap(t, carry):
            ky = t // 4
            kx = t % 4
            sh = slab[pl.ds(ky, TH2), pl.ds(kx, OH2), :]
            acc_ref[...] += jnp.dot(sh.reshape(TH2 * OH2, C1),
                                    w_ref[ky, kx],
                                    preferred_element_type=F32)
            return carry
        lax.fori_loop(0, 16, tap, 0)
    acc = acc_ref[...]
    y_ref[...] = acc.reshape(1, TH2, OH2, C2)
    y3 = acc.reshape(TH2, OH2, C2)
    st_ref[0, 0] = jnp.stack(
        [jnp.sum(y3, axis=(0, 1)), jnp.sum(y3 * y3, axis=(0, 1))])


def _conv2(occ, p1, w2, b2, kbg):
    return pl.pallas_call(
        _conv2_body,
        grid=(B, NT2),
        in_specs=[
            pl.BlockSpec((1, 1, 1), lambda b, i: (b * NT2 + i, 0, 0)),
            pl.BlockSpec(memory_space=pl.ANY),
            pl.BlockSpec((4, 4, C1, C2), lambda b, i: (0, 0, 0, 0)),
            pl.BlockSpec((1, C2), lambda b, i: (0, 0)),
            pl.BlockSpec((1, C2), lambda b, i: (0, 0)),
        ],
        out_specs=[
            pl.BlockSpec((1, TH2, OH2, C2), lambda b, i: (b, i, 0, 0)),
            pl.BlockSpec((1, 1, 2, C2), lambda b, i: (b, i, 0, 0)),
        ],
        out_shape=[
            jax.ShapeDtypeStruct((B, OH2, OH2, C2), F32),
            jax.ShapeDtypeStruct((B, NT2, 2, C2), F32),
        ],
        scratch_shapes=[
            pltpu.VMEM(((TH2 + 3), PH1, C1), F32),
            pltpu.VMEM((TH2 * OH2, C2), F32),
            pltpu.SemaphoreType.DMA,
        ],
    )(occ, p1, w2, b2, kbg)


def _bnpool2_body(a_ref, c_ref, y_ref, o_ref):
    t = y_ref[0]
    z = jnp.maximum(t * a_ref[...] + c_ref[...], 0.0)
    z = jnp.max(z.reshape(PH2, 2, OH2, C2), axis=1)
    z = jnp.max(z.reshape(PH2, PH2, 2, C2), axis=2)
    o_ref[...] = z.reshape(1, PH2, PH2, C2)


def _bnpool2(a, c, y2):
    return pl.pallas_call(
        _bnpool2_body,
        grid=(B,),
        in_specs=[
            pl.BlockSpec((1, C2), lambda b: (0, 0)),
            pl.BlockSpec((1, C2), lambda b: (0, 0)),
            pl.BlockSpec((1, OH2, OH2, C2), lambda b: (b, 0, 0, 0)),
        ],
        out_specs=pl.BlockSpec((1, PH2, PH2, C2), lambda b: (b, 0, 0, 0)),
        out_shape=jax.ShapeDtypeStruct((B, PH2, PH2, C2), F32),
    )(a, c, y2)



def _fc_body(x_ref, w_ref, b_ref, g_ref, bt_ref, wo_ref, bo_ref, o_ref):
    y = lax.dot_general(x_ref[...], w_ref[...], (((1,), (1,)), ((), ())),
                        preferred_element_type=F32) + b_ref[...]
    mu = jnp.mean(y, axis=0, keepdims=True)
    va = jnp.mean((y - mu) ** 2, axis=0, keepdims=True)
    z = g_ref[...] * (y - mu) / jnp.sqrt(va + EPS) + bt_ref[...]
    t = jnp.tanh(z)
    o_ref[...] = lax.dot_general(t, wo_ref[...], (((1,), (1,)), ((), ())),
                                 preferred_element_type=F32) + bo_ref[...]


def _fc(x, w1p, b1, g1, bt1, wo, bo):
    return pl.pallas_call(
        _fc_body,
        out_shape=jax.ShapeDtypeStruct((B, 3), F32),
    )(x, w1p, b1, g1, bt1, wo, bo)



def kernel(sweep, map, sw_w, sw_b, sw_g, sw_beta, mp_w, mp_b, mp_g, mp_beta,
           c1_w, c1_b, c1_g, c1_beta, c2_w, c2_b, c2_g, c2_beta,
           f1_w, f1_b, f1_g, f1_beta, fo_w, fo_b):
    outs = []
    feats = []
    idxs = []
    for x, wc, bc, gc, btc in ((sweep, sw_w, sw_b, sw_g, sw_beta),
                               (map, mp_w, mp_b, mp_g, mp_beta)):
        xt = x.transpose(0, 2, 3, 1)
        x3 = xt.reshape(B * P, N, CIN)
        w8 = wc.reshape(C1, CIN).T
        st = _pfn_stats(x3, w8, bc.reshape(1, C1))
        mean = st[0] / M9
        var = st[1] / M9 - mean * mean
        a = gc / jnp.sqrt(var + EPS)
        c = btc - a * mean
        coords = x[:, 0:2, :, 0].transpose(1, 0, 2).reshape(
            2, NPT, TP).transpose(1, 0, 2)
        feat, idx = _pfn(x3, coords, w8, a.reshape(1, C1), c.reshape(1, C1))
        feats.append(feat.reshape(B, P, CW))
        ib = idx.reshape(B, P)
        pid = jnp.arange(P, dtype=jnp.int32)
        def _fix(ii):
            i2 = jnp.minimum(ii, CELLS)
            cl = jnp.full((CELLS + 1,), -1, jnp.int32).at[i2].set(pid)
            win = cl[i2] == pid
            return jnp.where(win & (ii < CELLS), ii, DUMP)
        idxs.append(jax.vmap(_fix)(ib).reshape(B, NCHUNK, CHUNK))

    zrow = jnp.zeros((432, CW), F32)
    sc_in = lax.optimization_barrier(
        (feats[0], idxs[0], feats[1], idxs[1], zrow))
    can_s, can_m = lax.optimization_barrier(_scatter_sc(*sc_in))
    can_s = can_s.reshape(B, HPAD, W, CW)
    can_m = can_m.reshape(B, HPAD, W, CW)

    allidx = jnp.concatenate([idxs[0].reshape(B, P), idxs[1].reshape(B, P)],
                             axis=1)
    rows = allidx // W
    def _occ(nt, th, halo):
        i_hi = rows // th
        i_lo = (rows - halo) // th
        def per_b(ih, il):
            o = jnp.zeros((nt,), jnp.int32)
            return o.at[ih].set(1).at[il].set(1)
        return jax.vmap(per_b)(i_hi, i_lo).reshape(B * nt, 1, 1)
    occ1 = _occ(NT1, TH1, 4)
    prow_hi = rows // 2
    prow_lo = (rows - 4) // 2
    def _occ2():
        i_hi = prow_hi // TH2
        i_lo = (prow_lo - 3) // TH2
        def per_b(ih, il):
            o = jnp.zeros((NT2,), jnp.int32)
            return o.at[ih].set(1).at[il].set(1)
        return jax.vmap(per_b)(i_hi, i_lo).reshape(B * NT2, 1, 1)
    occ2 = _occ2()

    wt = c1_w.transpose(2, 3, 1, 0)
    ws = wt[:, :, :C1, :]
    wm = wt[:, :, C1:, :]
    y1, st1 = _conv1(occ1, can_s, can_m, ws, wm, c1_b.reshape(1, C1))
    s = jnp.sum(st1, axis=(0, 1))
    cnt1 = float(B * OH1 * OH1)
    mean1 = s[0] / cnt1
    var1 = s[1] / cnt1 - mean1 * mean1
    a1 = c1_g / jnp.sqrt(var1 + EPS)
    cc1 = c1_beta - a1 * mean1
    p1 = _bnpool1(a1.reshape(1, C1), cc1.reshape(1, C1), y1)

    w2 = c2_w.transpose(2, 3, 1, 0)
    bg1 = jnp.maximum(a1 * c1_b + cc1, 0.0)
    kbg = jnp.tensordot(bg1, w2.sum((0, 1)), axes=[[0], [0]])
    y2, st2 = _conv2(occ2, p1, w2, c2_b.reshape(1, C2), kbg.reshape(1, C2))
    s = jnp.sum(st2, axis=(0, 1))
    cnt2 = float(B * OH2 * OH2)
    mean2 = s[0] / cnt2
    var2 = s[1] / cnt2 - mean2 * mean2
    a2 = c2_g / jnp.sqrt(var2 + EPS)
    cc2 = c2_beta - a2 * mean2
    p2 = _bnpool2(a2.reshape(1, C2), cc2.reshape(1, C2), y2)

    w1p = f1_w.reshape(32, C2, PH2, PH2).transpose(0, 2, 3, 1).reshape(
        32, PH2 * PH2 * C2)
    return _fc(p2.reshape(B, PH2 * PH2 * C2), w1p, f1_b.reshape(1, 32),
               f1_g.reshape(1, 32), f1_beta.reshape(1, 32), fo_w,
               fo_b.reshape(1, 3))

# --- scband reference (transcript-rebuilt; emitter-appended) ---
"""Pipeline reference for scband-point-pillars-9964324127114 (READ-ONLY COPY).

The authoritative reference and input builder live on the scoring server;
editing this copy changes nothing except your own understanding.
"""

import jax, jax.numpy as jnp
import numpy as np


def conv2d(x, w, b):
    y = jax.lax.conv_general_dilated(x, w, (1, 1), 'VALID', dimension_numbers=('NCHW', 'OIHW', 'NCHW'))
    return y + b[None, :, None, None]


def batchnorm(x, gamma, beta, axes=(0, 2, 3), eps=1e-5):
    mean = jnp.mean(x, axis=axes, keepdims=True)
    var = jnp.var(x, axis=axes, keepdims=True)
    shape = [1] * x.ndim
    shape[1] = -1
    return gamma.reshape(shape) * (x - mean) / jnp.sqrt(var + eps) + beta.reshape(shape)


def batchnorm1d(x, gamma, beta, eps=1e-5):
    mean = jnp.mean(x, axis=0, keepdims=True)
    var = jnp.var(x, axis=0, keepdims=True)
    return gamma[None, :] * (x - mean) / jnp.sqrt(var + eps) + beta[None, :]


def maxpool2(x):
    return jax.lax.reduce_window(x, -jnp.inf, jax.lax.max, (1, 1, 2, 2), (1, 1, 2, 2), 'VALID')


def pfn_layer(x, w, b, g, bt):
    y = jax.nn.relu(batchnorm(conv2d(x, w, b), g, bt))
    return jnp.max(y, axis=3)


def scatter_canvas(pfn_in, pfn_out):
    width = 282
    pillar_size = 0.16
    rng = 22.0
    xg = jnp.floor((pfn_in[:, 0, :, 0] + rng) / pillar_size)
    yg = jnp.floor((pfn_in[:, 1, :, 0] + rng) / pillar_size)
    idx = (xg * width + yg).astype(jnp.int32)

    def per_batch(i, po):
        canvas = jnp.zeros((64, 282 * 282), dtype=po.dtype)
        canvas = canvas.at[:, i].set(po)
        return canvas.reshape(64, 282, 282)

    return jax.vmap(per_batch)(idx, pfn_out)


def setup_inputs(seed: int = 0):
    key = jax.random.key(seed)
    ks = jax.random.split(key, 12)
    B, P, N = 4, 12000, 32
    inp = {}
    inp['sweep'] = jax.random.normal(ks[0], (B, 8, P, N), dtype=jnp.float32)
    inp['map'] = jax.random.normal(ks[1], (B, 8, P, N), dtype=jnp.float32)
    inp['sw_w'] = jax.random.normal(ks[2], (64, 8, 1, 1), dtype=jnp.float32) * 0.1
    inp['sw_b'] = jnp.zeros((64,), dtype=jnp.float32)
    inp['sw_g'] = jnp.ones((64,), dtype=jnp.float32)
    inp['sw_beta'] = jnp.zeros((64,), dtype=jnp.float32)
    inp['mp_w'] = jax.random.normal(ks[3], (64, 8, 1, 1), dtype=jnp.float32) * 0.1
    inp['mp_b'] = jnp.zeros((64,), dtype=jnp.float32)
    inp['mp_g'] = jnp.ones((64,), dtype=jnp.float32)
    inp['mp_beta'] = jnp.zeros((64,), dtype=jnp.float32)
    inp['c1_w'] = jax.random.normal(ks[4], (64, 128, 5, 5), dtype=jnp.float32) * 0.02
    inp['c1_b'] = jnp.zeros((64,), dtype=jnp.float32)
    inp['c1_g'] = jnp.ones((64,), dtype=jnp.float32)
    inp['c1_beta'] = jnp.zeros((64,), dtype=jnp.float32)
    inp['c2_w'] = jax.random.normal(ks[5], (16, 64, 4, 4), dtype=jnp.float32) * 0.03
    inp['c2_b'] = jnp.zeros((16,), dtype=jnp.float32)
    inp['c2_g'] = jnp.ones((16,), dtype=jnp.float32)
    inp['c2_beta'] = jnp.zeros((16,), dtype=jnp.float32)
    inp['f1_w'] = jax.random.normal(ks[6], (32, 16 * 68 * 68), dtype=jnp.float32) * 0.003
    inp['f1_b'] = jnp.zeros((32,), dtype=jnp.float32)
    inp['f1_g'] = jnp.ones((32,), dtype=jnp.float32)
    inp['f1_beta'] = jnp.zeros((32,), dtype=jnp.float32)
    inp['fo_w'] = jax.random.normal(ks[7], (3, 32), dtype=jnp.float32) * 0.1
    inp['fo_b'] = jnp.zeros((3,), dtype=jnp.float32)
    return inp


def reference(sweep, map, sw_w, sw_b, sw_g, sw_beta, mp_w, mp_b, mp_g, mp_beta, c1_w, c1_b, c1_g, c1_beta, c2_w, c2_b, c2_g, c2_beta, f1_w, f1_b, f1_g, f1_beta, fo_w, fo_b):
    sweep_out = pfn_layer(sweep, sw_w, sw_b, sw_g, sw_beta)
    map_out = pfn_layer(map, mp_w, mp_b, mp_g, mp_beta)
    sweep_canvas = scatter_canvas(sweep, sweep_out)
    map_canvas = scatter_canvas(map, map_out)
    concat = jnp.concatenate([sweep_canvas, map_canvas], axis=1)
    x = jax.nn.relu(batchnorm(conv2d(concat, c1_w, c1_b), c1_g, c1_beta))
    x = maxpool2(x)
    x = jax.nn.relu(batchnorm(conv2d(x, c2_w, c2_b), c2_g, c2_beta))
    x = maxpool2(x)
    x = x.reshape(-1, 16 * 68 * 68)
    x = jnp.tanh(batchnorm1d(x @ f1_w.T + f1_b, f1_g, f1_beta))
    x = x @ fo_w.T + fo_b
    return x

if __name__ == "__main__":
    import jax
    _d = setup_inputs()
    print(jax.jit(kernel)(*tuple(_d.values())))

</pallas_src>

<mosaic_0001>
#map = affine_map<(d0, d1) -> (0, 0, 0)>
#map1 = affine_map<(d0, d1) -> (0, 0)>
module attributes {stable_mosaic.version = 14 : i64} {
  func.func @_scatter_sc(%arg0: i32, %arg1: i32, %arg2: memref<4x12000x128xf32, #tpu.memory_space<hbm>>, %arg3: memref<4x125x96xi32, #tpu.memory_space<hbm>>, %arg4: memref<4x12000x128xf32, #tpu.memory_space<hbm>>, %arg5: memref<4x125x96xi32, #tpu.memory_space<hbm>>, %arg6: memref<432x128xf32, #tpu.memory_space<hbm>>, %arg7: memref<4x81216x128xf32, #tpu.memory_space<hbm>>, %arg8: memref<4x81216x128xf32, #tpu.memory_space<hbm>>, %arg9: memref<432x128xf32, #tpu.memory_space<vmem>>, %arg10: memref<125x96xi32, #tpu.memory_space<vmem>>, %arg11: memref<96x128xf32, #tpu.memory_space<vmem>>, %arg12: memref<!tpu.dma_semaphore, #tpu.memory_space<semaphore_mem>>, %arg13: memref<!tpu.dma_semaphore, #tpu.memory_space<semaphore_mem>>) attributes {dimension_semantics = [#tpu.dimension_semantics<core_parallel>, #tpu.dimension_semantics<subcore_parallel>], iteration_bounds = array<i64: 2, 16>, scalar_prefetch = 0 : i64, scratch_operands = 5 : i64, tpu.core_type = #tpu.core_type<sc_vector_subcore>, window_params = [{transform_indices = #map}, {transform_indices = #map}, {transform_indices = #map}, {transform_indices = #map}, {transform_indices = #map1}, {transform_indices = #map}, {transform_indices = #map}]} {
    %jit3A = arith.constant 4 : i32
    %div3A = arith.divsi %arg1, %jit3A : i32
    %sign3A = arith.constant 0 : i32
    %sign3A_0 = arith.cmpi sgt, %arg1, %sign3A : i32
    %sign3A_1 = arith.extui %sign3A_0 : i1 to i32
    %sign3A_2 = arith.constant 0 : i32
    %sign3A_3 = arith.cmpi slt, %arg1, %sign3A_2 : i32
    %sign3A_4 = arith.extui %sign3A_3 : i1 to i32
    %sign3A_5 = arith.subi %sign3A_1, %sign3A_4 : i32
    %sign3A_6 = arith.constant 0 : i32
    %sign3A_7 = arith.cmpi sgt, %jit3A, %sign3A_6 : i32
    %sign3A_8 = arith.extui %sign3A_7 : i1 to i32
    %sign3A_9 = arith.constant 0 : i32
    %sign3A_10 = arith.cmpi slt, %jit3A, %sign3A_9 : i32
    %sign3A_11 = arith.extui %sign3A_10 : i1 to i32
    %sign3A_12 = arith.subi %sign3A_8, %sign3A_11 : i32
    %ne3A = arith.cmpi ne, %sign3A_5, %sign3A_12 : i32
    %rem3A = arith.remsi %arg1, %jit3A : i32
    %ne3A_13 = arith.constant 0 : i32
    %ne3A_14 = arith.cmpi ne, %rem3A, %ne3A_13 : i32
    %and3A = arith.andi %ne3A, %ne3A_14 : i1
    %sub3A = arith.constant 1 : i32
    %sub3A_15 = arith.subi %div3A, %sub3A : i32
    %select_n3A = arith.select %and3A, %sub3A_15, %div3A : i32
    %jit3A_16 = arith.constant 4 : i32
    %eq3A = arith.constant 0 : i32
    %eq3A_17 = arith.cmpi eq, %jit3A_16, %eq3A : i32
    %jit3A_18 = arith.constant 1 : i32
    %select_n3A_19 = arith.select %eq3A_17, %jit3A_18, %jit3A_16 : i32
    %rem3A_20 = arith.remsi %arg1, %select_n3A_19 : i32
    %ne3A_21 = arith.constant 0 : i32
    %ne3A_22 = arith.cmpi ne, %rem3A_20, %ne3A_21 : i32
    %lt3A = arith.constant 0 : i32
    %lt3A_23 = arith.cmpi slt, %rem3A_20, %lt3A : i32
    %lt3A_24 = arith.constant 0 : i32
    %lt3A_25 = arith.cmpi slt, %select_n3A_19, %lt3A_24 : i32
    %ne3A_26 = arith.xori %lt3A_23, %lt3A_25 : i1
    %and3A_27 = arith.andi %ne3A_26, %ne3A_22 : i1
    %add3A = arith.addi %rem3A_20, %select_n3A_19 : i32
    %select_n3A_28 = arith.select %and3A_27, %add3A, %rem3A_20 : i32
    "tpu.region"() ({
      %run_scoped3A = tpu.sem_alloc : memref<!tpu.dma_semaphore, #tpu.memory_space<semaphore_mem>>
      tpu.enqueue_dma source(%arg6 : memref<432x128xf32, #tpu.memory_space<hbm>>) target(%arg9 : memref<432x128xf32, #tpu.memory_space<vmem>>) target_semaphore(%run_scoped3A : memref<!tpu.dma_semaphore, #tpu.memory_space<semaphore_mem>>)
      tpu.wait_dma2 semaphore(%run_scoped3A : memref<!tpu.dma_semaphore, #tpu.memory_space<semaphore_mem>>) src(%arg6 : memref<432x128xf32, #tpu.memory_space<hbm>>) dst(%arg9 : memref<432x128xf32, #tpu.memory_space<vmem>>)
      tpu.yield
    }) : () -> ()
    %eq3A_29 = arith.constant 0 : i32
    %eq3A_30 = arith.cmpi eq, %arg0, %eq3A_29 : i32
    %convert_element_type3A = arith.extui %eq3A_30 : i1 to i32
    %cond3A = arith.constant 0 : i32
    %cond3A_31 = arith.cmpi ne, %convert_element_type3A, %cond3A : i32
    scf.if %cond3A_31 {
      %scan3A = arith.constant 0 : i32
      %scan3A_53 = arith.constant 0 : i32
      %scan3A_54 = arith.constant 47 : i32
      %scan3A_55 = arith.addi %scan3A_53, %scan3A_54 : i32
      %scan3A_56 = arith.constant 1 : i32
      scf.for %scan3A_58 = %scan3A_53 to %scan3A_55 step %scan3A_56  : i32 {
        %mul3A = arith.constant 47 : i32
        %mul3A_59 = arith.muli %select_n3A_28, %mul3A : i32
        %add3A_60 = arith.addi %mul3A_59, %scan3A_58 : i32
        %mul3A_61 = arith.constant 432 : i32
        %mul3A_62 = arith.muli %add3A_60, %mul3A_61 : i32
        %dma_start3A = arith.constant 0 : i32
        %dma_start3A_63 = tpu.memref_slice %arg7[%select_n3A, %mul3A_62, %dma_start3A] : memref<4x81216x128xf32, #tpu.memory_space<hbm>> -> memref<1x432x128xf32, #tpu.memory_space<hbm>>
        %dma_start3A_64 = tpu.memref_squeeze %dma_start3A_63 : memref<1x432x128xf32, #tpu.memory_space<hbm>> -> memref<432x128xf32, #tpu.memory_space<hbm>>
        %dma_start3A_65 = arith.constant 0 : i32
        %dma_start3A_66 = tpu.memref_slice %arg7[%select_n3A, %mul3A_62, %dma_start3A_65] : memref<4x81216x128xf32, #tpu.memory_space<hbm>> -> memref<1x432x128xf32, #tpu.memory_space<hbm>>
        %dma_start3A_67 = tpu.memref_squeeze %dma_start3A_66 : memref<1x432x128xf32, #tpu.memory_space<hbm>> -> memref<432x128xf32, #tpu.memory_space<hbm>>
        tpu.enqueue_dma source(%arg9 : memref<432x128xf32, #tpu.memory_space<vmem>>) target(%dma_start3A_67 : memref<432x128xf32, #tpu.memory_space<hbm>>) target_semaphore(%arg12 : memref<!tpu.dma_semaphore, #tpu.memory_space<semaphore_mem>>)
        %dma_wait3A = arith.constant 0 : i32
        %dma_wait3A_68 = tpu.memref_slice %arg7[%select_n3A, %mul3A_62, %dma_wait3A] : memref<4x81216x128xf32, #tpu.memory_space<hbm>> -> memref<1x432x128xf32, #tpu.memory_space<hbm>>
        %dma_wait3A_69 = tpu.memref_squeeze %dma_wait3A_68 : memref<1x432x128xf32, #tpu.memory_space<hbm>> -> memref<432x128xf32, #tpu.memory_space<hbm>>
        %dma_wait3A_70 = arith.constant 0 : i32
        %dma_wait3A_71 = tpu.memref_slice %arg7[%select_n3A, %mul3A_62, %dma_wait3A_70] : memref<4x81216x128xf32, #tpu.memory_space<hbm>> -> memref<1x432x128xf32, #tpu.memory_space<hbm>>
        %dma_wait3A_72 = tpu.memref_squeeze %dma_wait3A_71 : memref<1x432x128xf32, #tpu.memory_space<hbm>> -> memref<432x128xf32, #tpu.memory_space<hbm>>
        tpu.wait_dma2 semaphore(%arg12 : memref<!tpu.dma_semaphore, #tpu.memory_space<semaphore_mem>>) src(%arg9 : memref<432x128xf32, #tpu.memory_space<vmem>>) dst(%dma_wait3A_72 : memref<432x128xf32, #tpu.memory_space<hbm>>)
      }
      %scan3A_57 = arith.constant 47 : i32
    } else {
    }
    %eq3A_32 = arith.constant 1 : i32
    %eq3A_33 = arith.cmpi eq, %arg0, %eq3A_32 : i32
    %convert_element_type3A_34 = arith.extui %eq3A_33 : i1 to i32
    %cond3A_35 = arith.constant 0 : i32
    %cond3A_36 = arith.cmpi ne, %convert_element_type3A_34, %cond3A_35 : i32
    scf.if %cond3A_36 {
      %scan3A = arith.constant 0 : i32
      %scan3A_53 = arith.constant 0 : i32
      %scan3A_54 = arith.constant 47 : i32
      %scan3A_55 = arith.addi %scan3A_53, %scan3A_54 : i32
      %scan3A_56 = arith.constant 1 : i32
      scf.for %scan3A_58 = %scan3A_53 to %scan3A_55 step %scan3A_56  : i32 {
        %mul3A = arith.constant 47 : i32
        %mul3A_59 = arith.muli %select_n3A_28, %mul3A : i32
        %add3A_60 = arith.addi %mul3A_59, %scan3A_58 : i32
        %mul3A_61 = arith.constant 432 : i32
        %mul3A_62 = arith.muli %add3A_60, %mul3A_61 : i32
        %dma_start3A = arith.constant 0 : i32
        %dma_start3A_63 = tpu.memref_slice %arg8[%select_n3A, %mul3A_62, %dma_start3A] : memref<4x81216x128xf32, #tpu.memory_space<hbm>> -> memref<1x432x128xf32, #tpu.memory_space<hbm>>
        %dma_start3A_64 = tpu.memref_squeeze %dma_start3A_63 : memref<1x432x128xf32, #tpu.memory_space<hbm>> -> memref<432x128xf32, #tpu.memory_space<hbm>>
        %dma_start3A_65 = arith.constant 0 : i32
        %dma_start3A_66 = tpu.memref_slice %arg8[%select_n3A, %mul3A_62, %dma_start3A_65] : memref<4x81216x128xf32, #tpu.memory_space<hbm>> -> memref<1x432x128xf32, #tpu.memory_space<hbm>>
        %dma_start3A_67 = tpu.memref_squeeze %dma_start3A_66 : memref<1x432x128xf32, #tpu.memory_space<hbm>> -> memref<432x128xf32, #tpu.memory_space<hbm>>
        tpu.enqueue_dma source(%arg9 : memref<432x128xf32, #tpu.memory_space<vmem>>) target(%dma_start3A_67 : memref<432x128xf32, #tpu.memory_space<hbm>>) target_semaphore(%arg12 : memref<!tpu.dma_semaphore, #tpu.memory_space<semaphore_mem>>)
        %dma_wait3A = arith.constant 0 : i32
        %dma_wait3A_68 = tpu.memref_slice %arg8[%select_n3A, %mul3A_62, %dma_wait3A] : memref<4x81216x128xf32, #tpu.memory_space<hbm>> -> memref<1x432x128xf32, #tpu.memory_space<hbm>>
        %dma_wait3A_69 = tpu.memref_squeeze %dma_wait3A_68 : memref<1x432x128xf32, #tpu.memory_space<hbm>> -> memref<432x128xf32, #tpu.memory_space<hbm>>
        %dma_wait3A_70 = arith.constant 0 : i32
        %dma_wait3A_71 = tpu.memref_slice %arg8[%select_n3A, %mul3A_62, %dma_wait3A_70] : memref<4x81216x128xf32, #tpu.memory_space<hbm>> -> memref<1x432x128xf32, #tpu.memory_space<hbm>>
        %dma_wait3A_72 = tpu.memref_squeeze %dma_wait3A_71 : memref<1x432x128xf32, #tpu.memory_space<hbm>> -> memref<432x128xf32, #tpu.memory_space<hbm>>
        tpu.wait_dma2 semaphore(%arg12 : memref<!tpu.dma_semaphore, #tpu.memory_space<semaphore_mem>>) src(%arg9 : memref<432x128xf32, #tpu.memory_space<vmem>>) dst(%dma_wait3A_72 : memref<432x128xf32, #tpu.memory_space<hbm>>)
      }
      %scan3A_57 = arith.constant 47 : i32
    } else {
    }
    %barrier3A = arith.constant 0 : index
    tpu.barrier barrier_id(%barrier3A)
    %eq3A_37 = arith.constant 0 : i32
    %eq3A_38 = arith.cmpi eq, %arg0, %eq3A_37 : i32
    %eq3A_39 = arith.constant 0 : i32
    %eq3A_40 = arith.cmpi eq, %select_n3A_28, %eq3A_39 : i32
    %and3A_41 = arith.andi %eq3A_38, %eq3A_40 : i1
    %convert_element_type3A_42 = arith.extui %and3A_41 : i1 to i32
    %cond3A_43 = arith.constant 0 : i32
    %cond3A_44 = arith.cmpi ne, %convert_element_type3A_42, %cond3A_43 : i32
    scf.if %cond3A_44 {
      "tpu.region"() ({
        %run_scoped3A = tpu.sem_alloc : memref<!tpu.dma_semaphore, #tpu.memory_space<semaphore_mem>>
        %dma_start3A = arith.constant 0 : i32
        %dma_start3A_58 = arith.constant 0 : i32
        %dma_start3A_59 = tpu.memref_slice %arg3[%select_n3A, %dma_start3A, %dma_start3A_58] : memref<4x125x96xi32, #tpu.memory_space<hbm>> -> memref<1x125x96xi32, #tpu.memory_space<hbm>>
        %dma_start3A_60 = tpu.memref_squeeze %dma_start3A_59 : memref<1x125x96xi32, #tpu.memory_space<hbm>> -> memref<125x96xi32, #tpu.memory_space<hbm>>
        %dma_start3A_61 = arith.constant 0 : i32
        %dma_start3A_62 = arith.constant 0 : i32
        %dma_start3A_63 = tpu.memref_slice %arg3[%select_n3A, %dma_start3A_61, %dma_start3A_62] : memref<4x125x96xi32, #tpu.memory_space<hbm>> -> memref<1x125x96xi32, #tpu.memory_space<hbm>>
        %dma_start3A_64 = tpu.memref_squeeze %dma_start3A_63 : memref<1x125x96xi32, #tpu.memory_space<hbm>> -> memref<125x96xi32, #tpu.memory_space<hbm>>
        tpu.enqueue_dma source(%dma_start3A_64 : memref<125x96xi32, #tpu.memory_space<hbm>>) target(%arg10 : memref<125x96xi32, #tpu.memory_space<vmem>>) target_semaphore(%run_scoped3A : memref<!tpu.dma_semaphore, #tpu.memory_space<semaphore_mem>>)
        %dma_wait3A = arith.constant 0 : i32
        %dma_wait3A_65 = arith.constant 0 : i32
        %dma_wait3A_66 = tpu.memref_slice %arg3[%select_n3A, %dma_wait3A, %dma_wait3A_65] : memref<4x125x96xi32, #tpu.memory_space<hbm>> -> memref<1x125x96xi32, #tpu.memory_space<hbm>>
        %dma_wait3A_67 = tpu.memref_squeeze %dma_wait3A_66 : memref<1x125x96xi32, #tpu.memory_space<hbm>> -> memref<125x96xi32, #tpu.memory_space<hbm>>
        %dma_wait3A_68 = arith.constant 0 : i32
        %dma_wait3A_69 = arith.constant 0 : i32
        %dma_wait3A_70 = tpu.memref_slice %arg3[%select_n3A, %dma_wait3A_68, %dma_wait3A_69] : memref<4x125x96xi32, #tpu.memory_space<hbm>> -> memref<1x125x96xi32, #tpu.memory_space<hbm>>
        %dma_wait3A_71 = tpu.memref_squeeze %dma_wait3A_70 : memref<1x125x96xi32, #tpu.memory_space<hbm>> -> memref<125x96xi32, #tpu.memory_space<hbm>>
        tpu.wait_dma2 semaphore(%run_scoped3A : memref<!tpu.dma_semaphore, #tpu.memory_space<semaphore_mem>>) src(%dma_wait3A_71 : memref<125x96xi32, #tpu.memory_space<hbm>>) dst(%arg10 : memref<125x96xi32, #tpu.memory_space<vmem>>)
        tpu.yield
      }) : () -> ()
      %scan3A = arith.constant 0 : i32
      %scan3A_53 = arith.constant 0 : i32
      %scan3A_54 = arith.constant 125 : i32
      %scan3A_55 = arith.addi %scan3A_53, %scan3A_54 : i32
      %scan3A_56 = arith.constant 1 : i32
      scf.for %scan3A_58 = %scan3A_53 to %scan3A_55 step %scan3A_56  : i32 {
        %mul3A = arith.constant 96 : i32
        %mul3A_59 = arith.muli %scan3A_58, %mul3A : i32
        "tpu.region"() ({
          %run_scoped3A = tpu.sem_alloc : memref<!tpu.dma_semaphore, #tpu.memory_space<semaphore_mem>>
          %dma_start3A_78 = arith.constant 0 : i32
          %dma_start3A_79 = tpu.memref_slice %arg2[%select_n3A, %mul3A_59, %dma_start3A_78] : memref<4x12000x128xf32, #tpu.memory_space<hbm>> -> memref<1x96x128xf32, #tpu.memory_space<hbm>>
          %dma_start3A_80 = tpu.memref_squeeze %dma_start3A_79 : memref<1x96x128xf32, #tpu.memory_space<hbm>> -> memref<96x128xf32, #tpu.memory_space<hbm>>
          %dma_start3A_81 = arith.constant 0 : i32
          %dma_start3A_82 = tpu.memref_slice %arg2[%select_n3A, %mul3A_59, %dma_start3A_81] : memref<4x12000x128xf32, #tpu.memory_space<hbm>> -> memref<1x96x128xf32, #tpu.memory_space<hbm>>
          %dma_start3A_83 = tpu.memref_squeeze %dma_start3A_82 : memref<1x96x128xf32, #tpu.memory_space<hbm>> -> memref<96x128xf32, #tpu.memory_space<hbm>>
          tpu.enqueue_dma source(%dma_start3A_83 : memref<96x128xf32, #tpu.memory_space<hbm>>) target(%arg11 : memref<96x128xf32, #tpu.memory_space<vmem>>) target_semaphore(%run_scoped3A : memref<!tpu.dma_semaphore, #tpu.memory_space<semaphore_mem>>)
          %dma_wait3A_84 = arith.constant 0 : i32
          %dma_wait3A_85 = tpu.memref_slice %arg2[%select_n3A, %mul3A_59, %dma_wait3A_84] : memref<4x12000x128xf32, #tpu.memory_space<hbm>> -> memref<1x96x128xf32, #tpu.memory_space<hbm>>
          %dma_wait3A_86 = tpu.memref_squeeze %dma_wait3A_85 : memref<1x96x128xf32, #tpu.memory_space<hbm>> -> memref<96x128xf32, #tpu.memory_space<hbm>>
          %dma_wait3A_87 = arith.constant 0 : i32
          %dma_wait3A_88 = tpu.memref_slice %arg2[%select_n3A, %mul3A_59, %dma_wait3A_87] : memref<4x12000x128xf32, #tpu.memory_space<hbm>> -> memref<1x96x128xf32, #tpu.memory_space<hbm>>
          %dma_wait3A_89 = tpu.memref_squeeze %dma_wait3A_88 : memref<1x96x128xf32, #tpu.memory_space<hbm>> -> memref<96x128xf32, #tpu.memory_space<hbm>>
          tpu.wait_dma2 semaphore(%run_scoped3A : memref<!tpu.dma_semaphore, #tpu.memory_space<semaphore_mem>>) src(%dma_wait3A_89 : memref<96x128xf32, #tpu.memory_space<hbm>>) dst(%arg11 : memref<96x128xf32, #tpu.memory_space<vmem>>)
          tpu.yield
        }) : () -> ()
        %dma_start3A = arith.constant 0 : i32
        %dma_start3A_60 = tpu.memref_slice %arg10[%scan3A_58, %dma_start3A] : memref<125x96xi32, #tpu.memory_space<vmem>> -> memref<1x96xi32, #tpu.memory_space<vmem>>
        %dma_start3A_61 = tpu.memref_squeeze %dma_start3A_60 : memref<1x96xi32, #tpu.memory_space<vmem>> -> memref<96xi32, #tpu.memory_space<vmem>>
        %dma_start3A_62 = arith.constant 0 : i32
        %dma_start3A_63 = arith.constant 0 : i32
        %dma_start3A_64 = tpu.memref_slice %arg7[%select_n3A, %dma_start3A_62, %dma_start3A_63] : memref<4x81216x128xf32, #tpu.memory_space<hbm>> -> memref<1x81216x128xf32, #tpu.memory_space<hbm>>
        %dma_start3A_65 = tpu.memref_squeeze %dma_start3A_64 : memref<1x81216x128xf32, #tpu.memory_space<hbm>> -> memref<81216x128xf32, #tpu.memory_space<hbm>>
        %dma_start3A_66 = arith.constant 0 : i32
        %dma_start3A_67 = arith.constant 0 : i32
        %dma_start3A_68 = tpu.memref_slice %dma_start3A_65[%dma_start3A_66, %dma_start3A_67] : memref<81216x128xf32, #tpu.memory_space<hbm>> -> memref<81216x128xf32, #tpu.memory_space<hbm>>
        tpu.enqueue_indirect_dma source(%arg11 : memref<96x128xf32, #tpu.memory_space<vmem>>) target(%dma_start3A_68 : memref<81216x128xf32, #tpu.memory_space<hbm>>) offsets(%dma_start3A_61 : memref<96xi32, #tpu.memory_space<vmem>>) semaphore(%arg13 : memref<!tpu.dma_semaphore, #tpu.memory_space<semaphore_mem>>)
        %dma_wait3A = arith.constant 0 : i32
        %dma_wait3A_69 = tpu.memref_slice %arg10[%scan3A_58, %dma_wait3A] : memref<125x96xi32, #tpu.memory_space<vmem>> -> memref<1x96xi32, #tpu.memory_space<vmem>>
        %dma_wait3A_70 = tpu.memref_squeeze %dma_wait3A_69 : memref<1x96xi32, #tpu.memory_space<vmem>> -> memref<96xi32, #tpu.memory_space<vmem>>
        %dma_wait3A_71 = arith.constant 0 : i32
        %dma_wait3A_72 = arith.constant 0 : i32
        %dma_wait3A_73 = tpu.memref_slice %arg7[%select_n3A, %dma_wait3A_71, %dma_wait3A_72] : memref<4x81216x128xf32, #tpu.memory_space<hbm>> -> memref<1x81216x128xf32, #tpu.memory_space<hbm>>
        %dma_wait3A_74 = tpu.memref_squeeze %dma_wait3A_73 : memref<1x81216x128xf32, #tpu.memory_space<hbm>> -> memref<81216x128xf32, #tpu.memory_space<hbm>>
        %dma_wait3A_75 = arith.constant 0 : i32
        %dma_wait3A_76 = arith.constant 0 : i32
        %dma_wait3A_77 = tpu.memref_slice %dma_wait3A_74[%dma_wait3A_75, %dma_wait3A_76] : memref<81216x128xf32, #tpu.memory_space<hbm>> -> memref<81216x128xf32, #tpu.memory_space<hbm>>
        tpu.wait_indirect_dma semaphore(%arg13 : memref<!tpu.dma_semaphore, #tpu.memory_space<semaphore_mem>>) src(%arg11 : memref<96x128xf32, #tpu.memory_space<vmem>>) dst(%dma_wait3A_77 : memref<81216x128xf32, #tpu.memory_space<hbm>>)
      }
      %scan3A_57 = arith.constant 125 : i32
    } else {
    }
    %eq3A_45 = arith.constant 1 : i32
    %eq3A_46 = arith.cmpi eq, %arg0, %eq3A_45 : i32
    %eq3A_47 = arith.constant 0 : i32
    %eq3A_48 = arith.cmpi eq, %select_n3A_28, %eq3A_47 : i32
    %and3A_49 = arith.andi %eq3A_46, %eq3A_48 : i1
    %convert_element_type3A_50 = arith.extui %and3A_49 : i1 to i32
    %cond3A_51 = arith.constant 0 : i32
    %cond3A_52 = arith.cmpi ne, %convert_element_type3A_50, %cond3A_51 : i32
    scf.if %cond3A_52 {
      "tpu.region"() ({
        %run_scoped3A = tpu.sem_alloc : memref<!tpu.dma_semaphore, #tpu.memory_space<semaphore_mem>>
        %dma_start3A = arith.constant 0 : i32
        %dma_start3A_58 = arith.constant 0 : i32
        %dma_start3A_59 = tpu.memref_slice %arg5[%select_n3A, %dma_start3A, %dma_start3A_58] : memref<4x125x96xi32, #tpu.memory_space<hbm>> -> memref<1x125x96xi32, #tpu.memory_space<hbm>>
        %dma_start3A_60 = tpu.memref_squeeze %dma_start3A_59 : memref<1x125x96xi32, #tpu.memory_space<hbm>> -> memref<125x96xi32, #tpu.memory_space<hbm>>
        %dma_start3A_61 = arith.constant 0 : i32
        %dma_start3A_62 = arith.constant 0 : i32
        %dma_start3A_63 = tpu.memref_slice %arg5[%select_n3A, %dma_start3A_61, %dma_start3A_62] : memref<4x125x96xi32, #tpu.memory_space<hbm>> -> memref<1x125x96xi32, #tpu.memory_space<hbm>>
        %dma_start3A_64 = tpu.memref_squeeze %dma_start3A_63 : memref<1x125x96xi32, #tpu.memory_space<hbm>> -> memref<125x96xi32, #tpu.memory_space<hbm>>
        tpu.enqueue_dma source(%dma_start3A_64 : memref<125x96xi32, #tpu.memory_space<hbm>>) target(%arg10 : memref<125x96xi32, #tpu.memory_space<vmem>>) target_semaphore(%run_scoped3A : memref<!tpu.dma_semaphore, #tpu.memory_space<semaphore_mem>>)
        %dma_wait3A = arith.constant 0 : i32
        %dma_wait3A_65 = arith.constant 0 : i32
        %dma_wait3A_66 = tpu.memref_slice %arg5[%select_n3A, %dma_wait3A, %dma_wait3A_65] : memref<4x125x96xi32, #tpu.memory_space<hbm>> -> memref<1x125x96xi32, #tpu.memory_space<hbm>>
        %dma_wait3A_67 = tpu.memref_squeeze %dma_wait3A_66 : memref<1x125x96xi32, #tpu.memory_space<hbm>> -> memref<125x96xi32, #tpu.memory_space<hbm>>
        %dma_wait3A_68 = arith.constant 0 : i32
        %dma_wait3A_69 = arith.constant 0 : i32
        %dma_wait3A_70 = tpu.memref_slice %arg5[%select_n3A, %dma_wait3A_68, %dma_wait3A_69] : memref<4x125x96xi32, #tpu.memory_space<hbm>> -> memref<1x125x96xi32, #tpu.memory_space<hbm>>
        %dma_wait3A_71 = tpu.memref_squeeze %dma_wait3A_70 : memref<1x125x96xi32, #tpu.memory_space<hbm>> -> memref<125x96xi32, #tpu.memory_space<hbm>>
        tpu.wait_dma2 semaphore(%run_scoped3A : memref<!tpu.dma_semaphore, #tpu.memory_space<semaphore_mem>>) src(%dma_wait3A_71 : memref<125x96xi32, #tpu.memory_space<hbm>>) dst(%arg10 : memref<125x96xi32, #tpu.memory_space<vmem>>)
        tpu.yield
      }) : () -> ()
      %scan3A = arith.constant 0 : i32
      %scan3A_53 = arith.constant 0 : i32
      %scan3A_54 = arith.constant 125 : i32
      %scan3A_55 = arith.addi %scan3A_53, %scan3A_54 : i32
      %scan3A_56 = arith.constant 1 : i32
      scf.for %scan3A_58 = %scan3A_53 to %scan3A_55 step %scan3A_56  : i32 {
        %mul3A = arith.constant 96 : i32
        %mul3A_59 = arith.muli %scan3A_58, %mul3A : i32
        "tpu.region"() ({
          %run_scoped3A = tpu.sem_alloc : memref<!tpu.dma_semaphore, #tpu.memory_space<semaphore_mem>>
          %dma_start3A_78 = arith.constant 0 : i32
          %dma_start3A_79 = tpu.memref_slice %arg4[%select_n3A, %mul3A_59, %dma_start3A_78] : memref<4x12000x128xf32, #tpu.memory_space<hbm>> -> memref<1x96x128xf32, #tpu.memory_space<hbm>>
          %dma_start3A_80 = tpu.memref_squeeze %dma_start3A_79 : memref<1x96x128xf32, #tpu.memory_space<hbm>> -> memref<96x128xf32, #tpu.memory_space<hbm>>
          %dma_start3A_81 = arith.constant 0 : i32
          %dma_start3A_82 = tpu.memref_slice %arg4[%select_n3A, %mul3A_59, %dma_start3A_81] : memref<4x12000x128xf32, #tpu.memory_space<hbm>> -> memref<1x96x128xf32, #tpu.memory_space<hbm>>
          %dma_start3A_83 = tpu.memref_squeeze %dma_start3A_82 : memref<1x96x128xf32, #tpu.memory_space<hbm>> -> memref<96x128xf32, #tpu.memory_space<hbm>>
          tpu.enqueue_dma source(%dma_start3A_83 : memref<96x128xf32, #tpu.memory_space<hbm>>) target(%arg11 : memref<96x128xf32, #tpu.memory_space<vmem>>) target_semaphore(%run_scoped3A : memref<!tpu.dma_semaphore, #tpu.memory_space<semaphore_mem>>)
          %dma_wait3A_84 = arith.constant 0 : i32
          %dma_wait3A_85 = tpu.memref_slice %arg4[%select_n3A, %mul3A_59, %dma_wait3A_84] : memref<4x12000x128xf32, #tpu.memory_space<hbm>> -> memref<1x96x128xf32, #tpu.memory_space<hbm>>
          %dma_wait3A_86 = tpu.memref_squeeze %dma_wait3A_85 : memref<1x96x128xf32, #tpu.memory_space<hbm>> -> memref<96x128xf32, #tpu.memory_space<hbm>>
          %dma_wait3A_87 = arith.constant 0 : i32
          %dma_wait3A_88 = tpu.memref_slice %arg4[%select_n3A, %mul3A_59, %dma_wait3A_87] : memref<4x12000x128xf32, #tpu.memory_space<hbm>> -> memref<1x96x128xf32, #tpu.memory_space<hbm>>
          %dma_wait3A_89 = tpu.memref_squeeze %dma_wait3A_88 : memref<1x96x128xf32, #tpu.memory_space<hbm>> -> memref<96x128xf32, #tpu.memory_space<hbm>>
          tpu.wait_dma2 semaphore(%run_scoped3A : memref<!tpu.dma_semaphore, #tpu.memory_space<semaphore_mem>>) src(%dma_wait3A_89 : memref<96x128xf32, #tpu.memory_space<hbm>>) dst(%arg11 : memref<96x128xf32, #tpu.memory_space<vmem>>)
          tpu.yield
        }) : () -> ()
        %dma_start3A = arith.constant 0 : i32
        %dma_start3A_60 = tpu.memref_slice %arg10[%scan3A_58, %dma_start3A] : memref<125x96xi32, #tpu.memory_space<vmem>> -> memref<1x96xi32, #tpu.memory_space<vmem>>
        %dma_start3A_61 = tpu.memref_squeeze %dma_start3A_60 : memref<1x96xi32, #tpu.memory_space<vmem>> -> memref<96xi32, #tpu.memory_space<vmem>>
        %dma_start3A_62 = arith.constant 0 : i32
        %dma_start3A_63 = arith.constant 0 : i32
        %dma_start3A_64 = tpu.memref_slice %arg8[%select_n3A, %dma_start3A_62, %dma_start3A_63] : memref<4x81216x128xf32, #tpu.memory_space<hbm>> -> memref<1x81216x128xf32, #tpu.memory_space<hbm>>
        %dma_start3A_65 = tpu.memref_squeeze %dma_start3A_64 : memref<1x81216x128xf32, #tpu.memory_space<hbm>> -> memref<81216x128xf32, #tpu.memory_space<hbm>>
        %dma_start3A_66 = arith.constant 0 : i32
        %dma_start3A_67 = arith.constant 0 : i32
        %dma_start3A_68 = tpu.memref_slice %dma_start3A_65[%dma_start3A_66, %dma_start3A_67] : memref<81216x128xf32, #tpu.memory_space<hbm>> -> memref<81216x128xf32, #tpu.memory_space<hbm>>
        tpu.enqueue_indirect_dma source(%arg11 : memref<96x128xf32, #tpu.memory_space<vmem>>) target(%dma_start3A_68 : memref<81216x128xf32, #tpu.memory_space<hbm>>) offsets(%dma_start3A_61 : memref<96xi32, #tpu.memory_space<vmem>>) semaphore(%arg13 : memref<!tpu.dma_semaphore, #tpu.memory_space<semaphore_mem>>)
        %dma_wait3A = arith.constant 0 : i32
        %dma_wait3A_69 = tpu.memref_slice %arg10[%scan3A_58, %dma_wait3A] : memref<125x96xi32, #tpu.memory_space<vmem>> -> memref<1x96xi32, #tpu.memory_space<vmem>>
        %dma_wait3A_70 = tpu.memref_squeeze %dma_wait3A_69 : memref<1x96xi32, #tpu.memory_space<vmem>> -> memref<96xi32, #tpu.memory_space<vmem>>
        %dma_wait3A_71 = arith.constant 0 : i32
        %dma_wait3A_72 = arith.constant 0 : i32
        %dma_wait3A_73 = tpu.memref_slice %arg8[%select_n3A, %dma_wait3A_71, %dma_wait3A_72] : memref<4x81216x128xf32, #tpu.memory_space<hbm>> -> memref<1x81216x128xf32, #tpu.memory_space<hbm>>
        %dma_wait3A_74 = tpu.memref_squeeze %dma_wait3A_73 : memref<1x81216x128xf32, #tpu.memory_space<hbm>> -> memref<81216x128xf32, #tpu.memory_space<hbm>>
        %dma_wait3A_75 = arith.constant 0 : i32
        %dma_wait3A_76 = arith.constant 0 : i32
        %dma_wait3A_77 = tpu.memref_slice %dma_wait3A_74[%dma_wait3A_75, %dma_wait3A_76] : memref<81216x128xf32, #tpu.memory_space<hbm>> -> memref<81216x128xf32, #tpu.memory_space<hbm>>
        tpu.wait_indirect_dma semaphore(%arg13 : memref<!tpu.dma_semaphore, #tpu.memory_space<semaphore_mem>>) src(%arg11 : memref<96x128xf32, #tpu.memory_space<vmem>>) dst(%dma_wait3A_77 : memref<81216x128xf32, #tpu.memory_space<hbm>>)
      }
      %scan3A_57 = arith.constant 125 : i32
    } else {
    }
    return
  }
}

module attributes {stable_mosaic.version = 14 : i64} {
  func.func @_pfn_stats_body(%arg0: i32, %arg1: memref<600x32x8xf32, #tpu.memory_space<vmem>>, %arg2: memref<8x64xf32, #tpu.memory_space<vmem>>, %arg3: memref<1x64xf32, #tpu.memory_space<vmem>>, %arg4: memref<2x64xf32, #tpu.memory_space<vmem>>) attributes {dimension_semantics = [#tpu.dimension_semantics<arbitrary>], iteration_bounds = array<i64: 80>, scalar_prefetch = 0 : i64, scratch_operands = 0 : i64, tpu.core_type = #tpu.core_type<tc>, window_params = [{transform_indices = @transform_0, window_bounds = array<i64: 600, 32, 8>}, {pipeline_mode = #tpu.pipeline_mode<synchronous>, transform_indices = @transform_1, window_bounds = array<i64: 8, 64>}, {pipeline_mode = #tpu.pipeline_mode<synchronous>, transform_indices = @transform_2, window_bounds = array<i64: 1, 64>}, {pipeline_mode = #tpu.pipeline_mode<synchronous>, transform_indices = @transform_3, window_bounds = array<i64: 2, 64>}]} {
    %eq3A = arith.constant 0 : i32
    %eq3A_0 = arith.cmpi eq, %arg0, %eq3A : i32
    %convert_element_type3A = arith.extui %eq3A_0 : i1 to i32
    %cond3A = arith.constant 0 : i32
    %cond3A_1 = arith.cmpi ne, %convert_element_type3A, %cond3A : i32
    scf.if %cond3A_1 {
      %broadcast_in_dim3A_30 = arith.constant 0.000000e+00 : f32
      %broadcast_in_dim3A_31 = vector.broadcast %broadcast_in_dim3A_30 : f32 to vector<2x64xf32>
      %swap3A_32 = arith.constant 0 : index
      %swap3A_33 = arith.constant 0 : index
      %swap3A_34 = vector.load %arg4[%swap3A_32, %swap3A_33] : memref<2x64xf32, #tpu.memory_space<vmem>>, vector<2x64xf32>
      tpu.vector_store %arg4[%swap3A_32, %swap3A_33], %broadcast_in_dim3A_31 {strides = array<i32>} : memref<2x64xf32, #tpu.memory_space<vmem>>, vector<2x64xf32>,
    } else {
    }
    %get3A = arith.constant 0 : index
    %get3A_2 = arith.constant 0 : index
    %get3A_3 = arith.constant 0 : index
    %get3A_4 = vector.load %arg1[%get3A, %get3A_2, %get3A_3] : memref<600x32x8xf32, #tpu.memory_space<vmem>>, vector<600x32x8xf32>
    %reshape3A = vector.shape_cast %get3A_4 : vector<600x32x8xf32> to vector<19200x8xf32>
    %get3A_5 = arith.constant 0 : index
    %get3A_6 = arith.constant 0 : index
    %get3A_7 = vector.load %arg2[%get3A_5, %get3A_6] : memref<8x64xf32, #tpu.memory_space<vmem>>, vector<8x64xf32>
    %dot_general3A = arith.constant dense<0.000000e+00> : vector<19200x64xf32>
    %dot_general3A_8 = tpu.matmul %reshape3A, %get3A_7, %dot_general3A {dimension_numbers = #tpu.dot_dimension_numbers<[1], [0], [0], [1], [0, 0, 1, 1], [], []>, transpose_lhs_hint = false} : vector<19200x8xf32>, vector<8x64xf32>, vector<19200x64xf32> -> vector<19200x64xf32>
    %get3A_9 = arith.constant 0 : index
    %get3A_10 = arith.constant 0 : index
    %get3A_11 = vector.load %arg3[%get3A_9, %get3A_10] : memref<1x64xf32, #tpu.memory_space<vmem>>, vector<1x64xf32>
    %add3A = vector.broadcast %get3A_11 : vector<1x64xf32> to vector<19200x64xf32>
    %add3A_12 = arith.addf %dot_general3A_8, %add3A : vector<19200x64xf32>
    %get3A_13 = arith.constant 0 : index
    %get3A_14 = arith.constant 0 : index
    %get3A_15 = vector.load %arg4[%get3A_13, %get3A_14] : memref<2x64xf32, #tpu.memory_space<vmem>>, vector<1x64xf32>
    %reduce_sum3A = arith.constant dense<0.000000e+00> : vector<64xf32>
    %reduce_sum3A_16 = vector.multi_reduction <add>, %add3A_12, %reduce_sum3A [0] : vector<19200x64xf32> to vector<64xf32>
    %broadcast_in_dim3A = vector.shape_cast %reduce_sum3A_16 : vector<64xf32> to vector<1x64xf32>
    %add3A_17 = arith.addf %get3A_15, %broadcast_in_dim3A : vector<1x64xf32>
    %swap3A = arith.constant 0 : index
    %swap3A_18 = arith.constant 0 : index
    %swap3A_19 = vector.load %arg4[%swap3A, %swap3A_18] : memref<2x64xf32, #tpu.memory_space<vmem>>, vector<1x64xf32>
    tpu.vector_store %arg4[%swap3A, %swap3A_18], %add3A_17 {strides = array<i32>} : memref<2x64xf32, #tpu.memory_space<vmem>>, vector<1x64xf32>,
    %get3A_20 = arith.constant 1 : index
    %get3A_21 = arith.constant 0 : index
    %get3A_22 = vector.load %arg4[%get3A_20, %get3A_21] : memref<2x64xf32, #tpu.memory_space<vmem>>, vector<1x64xf32>
    %mul3A = arith.mulf %add3A_12, %add3A_12 : vector<19200x64xf32>
    %reduce_sum3A_23 = arith.constant dense<0.000000e+00> : vector<64xf32>
    %reduce_sum3A_24 = vector.multi_reduction <add>, %mul3A, %reduce_sum3A_23 [0] : vector<19200x64xf32> to vector<64xf32>
    %broadcast_in_dim3A_25 = vector.shape_cast %reduce_sum3A_24 : vector<64xf32> to vector<1x64xf32>
    %add3A_26 = arith.addf %get3A_22, %broadcast_in_dim3A_25 : vector<1x64xf32>
    %swap3A_27 = arith.constant 1 : index
    %swap3A_28 = arith.constant 0 : index
    %swap3A_29 = vector.load %arg4[%swap3A_27, %swap3A_28] : memref<2x64xf32, #tpu.memory_space<vmem>>, vector<1x64xf32>
    tpu.vector_store %arg4[%swap3A_27, %swap3A_28], %add3A_26 {strides = array<i32>} : memref<2x64xf32, #tpu.memory_space<vmem>>, vector<1x64xf32>,
    return
  }
  func.func @transform_0(%arg0: i32) -> (i32, i32, i32) {
    %c0_i32 = arith.constant 0 : i32
    %c0_i32_0 = arith.constant 0 : i32
    %c0_i32_1 = arith.constant 0 : i32
    return %arg0, %c0_i32, %c0_i32_0 : i32, i32, i32
  }
  func.func @transform_1(%arg0: i32) -> (i32, i32) {
    %c0_i32 = arith.constant 0 : i32
    %c0_i32_0 = arith.constant 0 : i32
    %c0_i32_1 = arith.constant 0 : i32
    return %c0_i32, %c0_i32_0 : i32, i32
  }
  func.func @transform_2(%arg0: i32) -> (i32, i32) {
    %c0_i32 = arith.constant 0 : i32
    %c0_i32_0 = arith.constant 0 : i32
    %c0_i32_1 = arith.constant 0 : i32
    return %c0_i32, %c0_i32_0 : i32, i32
  }
  func.func @transform_3(%arg0: i32) -> (i32, i32) {
    %c0_i32 = arith.constant 0 : i32
    %c0_i32_0 = arith.constant 0 : i32
    %c0_i32_1 = arith.constant 0 : i32
    return %c0_i32, %c0_i32_0 : i32, i32
  }
}

module attributes {stable_mosaic.version = 14 : i64} {
  func.func @_pfn_body(%arg0: i32, %arg1: memref<600x32x8xf32, #tpu.memory_space<vmem>>, %arg2: memref<1x2x600xf32, #tpu.memory_space<vmem>>, %arg3: memref<8x64xf32, #tpu.memory_space<vmem>>, %arg4: memref<1x64xf32, #tpu.memory_space<vmem>>, %arg5: memref<1x64xf32, #tpu.memory_space<vmem>>, %arg6: memref<600x128xf32, #tpu.memory_space<vmem>>, %arg7: memref<1x1x600xi32, #tpu.memory_space<vmem>>) attributes {dimension_semantics = [#tpu.dimension_semantics<arbitrary>], iteration_bounds = array<i64: 80>, scalar_prefetch = 0 : i64, scratch_operands = 0 : i64, tpu.core_type = #tpu.core_type<tc>, window_params = [{transform_indices = @transform_0, window_bounds = array<i64: 600, 32, 8>}, {transform_indices = @transform_1, window_bounds = array<i64: 1, 2, 600>}, {pipeline_mode = #tpu.pipeline_mode<synchronous>, transform_indices = @transform_2, window_bounds = array<i64: 8, 64>}, {pipeline_mode = #tpu.pipeline_mode<synchronous>, transform_indices = @transform_3, window_bounds = array<i64: 1, 64>}, {pipeline_mode = #tpu.pipeline_mode<synchronous>, transform_indices = @transform_4, window_bounds = array<i64: 1, 64>}, {transform_indices = @transform_5, window_bounds = array<i64: 600, 128>}, {transform_indices = @transform_6, window_bounds = array<i64: 1, 1, 600>}]} {
    %get3A = arith.constant 0 : index
    %get3A_0 = arith.constant 0 : index
    %get3A_1 = arith.constant 0 : index
    %get3A_2 = vector.load %arg1[%get3A, %get3A_0, %get3A_1] : memref<600x32x8xf32, #tpu.memory_space<vmem>>, vector<600x32x8xf32>
    %reshape3A = vector.shape_cast %get3A_2 : vector<600x32x8xf32> to vector<19200x8xf32>
    %get3A_3 = arith.constant 0 : index
    %get3A_4 = arith.constant 0 : index
    %get3A_5 = vector.load %arg3[%get3A_3, %get3A_4] : memref<8x64xf32, #tpu.memory_space<vmem>>, vector<8x64xf32>
    %dot_general3A = arith.constant dense<0.000000e+00> : vector<19200x64xf32>
    %dot_general3A_6 = tpu.matmul %reshape3A, %get3A_5, %dot_general3A {dimension_numbers = #tpu.dot_dimension_numbers<[1], [0], [0], [1], [0, 0, 1, 1], [], []>, transpose_lhs_hint = false} : vector<19200x8xf32>, vector<8x64xf32>, vector<19200x64xf32> -> vector<19200x64xf32>
    %get3A_7 = arith.constant 0 : index
    %get3A_8 = arith.constant 0 : index
    %get3A_9 = vector.load %arg4[%get3A_7, %get3A_8] : memref<1x64xf32, #tpu.memory_space<vmem>>, vector<1x64xf32>
    %mul3A = vector.broadcast %get3A_9 : vector<1x64xf32> to vector<19200x64xf32>
    %mul3A_10 = arith.mulf %dot_general3A_6, %mul3A : vector<19200x64xf32>
    %get3A_11 = arith.constant 0 : index
    %get3A_12 = arith.constant 0 : index
    %get3A_13 = vector.load %arg5[%get3A_11, %get3A_12] : memref<1x64xf32, #tpu.memory_space<vmem>>, vector<1x64xf32>
    %add3A = vector.broadcast %get3A_13 : vector<1x64xf32> to vector<19200x64xf32>
    %add3A_14 = arith.addf %mul3A_10, %add3A : vector<19200x64xf32>
    %max3A = arith.constant 0.000000e+00 : f32
    %max3A_15 = vector.broadcast %max3A : f32 to vector<19200x64xf32>
    %max3A_16 = arith.maximumf %add3A_14, %max3A_15 : vector<19200x64xf32>
    %reshape3A_17 = vector.shape_cast %max3A_16 : vector<19200x64xf32> to vector<600x32x64xf32>
    %reduce_max3A = arith.constant dense<0xFF800000> : vector<600x64xf32>
    %reduce_max3A_18 = vector.multi_reduction <maximumf>, %reshape3A_17, %reduce_max3A [1] : vector<600x32x64xf32> to vector<600x64xf32>
    %broadcast_in_dim3A = arith.constant 0.000000e+00 : f32
    %broadcast_in_dim3A_19 = vector.broadcast %broadcast_in_dim3A : f32 to vector<600x64xf32>
    %concatenate3A = tpu.concatenate %reduce_max3A_18, %broadcast_in_dim3A_19 in 1 : vector<600x64xf32>, vector<600x64xf32> -> vector<600x128xf32>
    %swap3A = arith.constant 0 : index
    %swap3A_20 = arith.constant 0 : index
    %swap3A_21 = vector.load %arg6[%swap3A, %swap3A_20] : memref<600x128xf32, #tpu.memory_space<vmem>>, vector<600x128xf32>
    tpu.vector_store %arg6[%swap3A, %swap3A_20], %concatenate3A {strides = array<i32>} : memref<600x128xf32, #tpu.memory_space<vmem>>, vector<600x128xf32>,
    %get3A_22 = arith.constant 0 : index
    %get3A_23 = arith.constant 0 : index
    %get3A_24 = arith.constant 0 : index
    %get3A_25 = vector.load %arg2[%get3A_22, %get3A_23, %get3A_24] : memref<1x2x600xf32, #tpu.memory_space<vmem>>, vector<1x1x600xf32>
    %get3A_26 = vector.shape_cast %get3A_25 : vector<1x1x600xf32> to vector<600xf32>
    %add3A_27 = arith.constant 2.200000e+01 : f32
    %add3A_28 = vector.broadcast %add3A_27 : f32 to vector<600xf32>
    %add3A_29 = arith.addf %get3A_26, %add3A_28 : vector<600xf32>
    %div3A = arith.constant 1.600000e-01 : f32
    %div3A_30 = vector.broadcast %div3A : f32 to vector<600xf32>
    %div3A_31 = arith.divf %add3A_29, %div3A_30 : vector<600xf32>
    %floor3A = math.floor %div3A_31 : vector<600xf32>
    %get3A_32 = arith.constant 0 : index
    %get3A_33 = arith.constant 1 : index
    %get3A_34 = arith.constant 0 : index
    %get3A_35 = vector.load %arg2[%get3A_32, %get3A_33, %get3A_34] : memref<1x2x600xf32, #tpu.memory_space<vmem>>, vector<1x1x600xf32>
    %get3A_36 = vector.shape_cast %get3A_35 : vector<1x1x600xf32> to vector<600xf32>
    %add3A_37 = arith.constant 2.200000e+01 : f32
    %add3A_38 = vector.broadcast %add3A_37 : f32 to vector<600xf32>
    %add3A_39 = arith.addf %get3A_36, %add3A_38 : vector<600xf32>
    %div3A_40 = arith.constant 1.600000e-01 : f32
    %div3A_41 = vector.broadcast %div3A_40 : f32 to vector<600xf32>
    %div3A_42 = arith.divf %add3A_39, %div3A_41 : vector<600xf32>
    %floor3A_43 = math.floor %div3A_42 : vector<600xf32>
    %mul3A_44 = arith.constant 2.820000e+02 : f32
    %mul3A_45 = vector.broadcast %mul3A_44 : f32 to vector<600xf32>
    %mul3A_46 = arith.mulf %floor3A, %mul3A_45 : vector<600xf32>
    %add3A_47 = arith.addf %mul3A_46, %floor3A_43 : vector<600xf32>
    %convert_element_type3A = arith.fptosi %add3A_47 : vector<600xf32> to vector<600xi32>
    %ge3A = arith.constant 0 : i32
    %ge3A_48 = vector.broadcast %ge3A : i32 to vector<600xi32>
    %ge3A_49 = arith.cmpi sge, %convert_element_type3A, %ge3A_48 : vector<600xi32>
    %lt3A = arith.constant 79524 : i32
    %lt3A_50 = vector.broadcast %lt3A : i32 to vector<600xi32>
    %lt3A_51 = arith.cmpi slt, %convert_element_type3A, %lt3A_50 : vector<600xi32>
    %and3A = arith.andi %ge3A_49, %lt3A_51 : vector<600xi1>
    %jit3A = arith.constant 81215 : i32
    %broadcast_in_dim3A_52 = vector.broadcast %jit3A : i32 to vector<600xi32>
    %select_n3A = arith.select %and3A, %convert_element_type3A, %broadcast_in_dim3A_52 : vector<600xi1>, vector<600xi32>
    %swap3A_53 = arith.constant 0 : index
    %swap3A_54 = arith.constant 0 : index
    %swap3A_55 = arith.constant 0 : index
    %swap3A_56 = vector.load %arg7[%swap3A_53, %swap3A_54, %swap3A_55] : memref<1x1x600xi32, #tpu.memory_space<vmem>>, vector<1x1x600xi32>
    %swap3A_57 = vector.shape_cast %swap3A_56 : vector<1x1x600xi32> to vector<600xi32>
    %swap3A_58 = vector.shape_cast %select_n3A : vector<600xi32> to vector<1x1x600xi32>
    tpu.vector_store %arg7[%swap3A_53, %swap3A_54, %swap3A_55], %swap3A_58 {strides = array<i32>} : memref<1x1x600xi32, #tpu.memory_space<vmem>>, vector<1x1x600xi32>,
    return
  }
  func.func @transform_0(%arg0: i32) -> (i32, i32, i32) {
    %c0_i32 = arith.constant 0 : i32
    %c0_i32_0 = arith.constant 0 : i32
    %c0_i32_1 = arith.constant 0 : i32
    return %arg0, %c0_i32, %c0_i32_0 : i32, i32, i32
  }
  func.func @transform_1(%arg0: i32) -> (i32, i32, i32) {
    %c0_i32 = arith.constant 0 : i32
    %c0_i32_0 = arith.constant 0 : i32
    %c0_i32_1 = arith.constant 0 : i32
    return %arg0, %c0_i32, %c0_i32_0 : i32, i32, i32
  }
  func.func @transform_2(%arg0: i32) -> (i32, i32) {
    %c0_i32 = arith.constant 0 : i32
    %c0_i32_0 = arith.constant 0 : i32
    %c0_i32_1 = arith.constant 0 : i32
    return %c0_i32, %c0_i32_0 : i32, i32
  }
  func.func @transform_3(%arg0: i32) -> (i32, i32) {
    %c0_i32 = arith.constant 0 : i32
    %c0_i32_0 = arith.constant 0 : i32
    %c0_i32_1 = arith.constant 0 : i32
    return %c0_i32, %c0_i32_0 : i32, i32
  }
  func.func @transform_4(%arg0: i32) -> (i32, i32) {
    %c0_i32 = arith.constant 0 : i32
    %c0_i32_0 = arith.constant 0 : i32
    %c0_i32_1 = arith.constant 0 : i32
    return %c0_i32, %c0_i32_0 : i32, i32
  }
  func.func @transform_5(%arg0: i32) -> (i32, i32) {
    %c0_i32 = arith.constant 0 : i32
    %c0_i32_0 = arith.constant 0 : i32
    return %arg0, %c0_i32 : i32, i32
  }
  func.func @transform_6(%arg0: i32) -> (i32, i32, i32) {
    %c0_i32 = arith.constant 0 : i32
    %c0_i32_0 = arith.constant 0 : i32
    %c0_i32_1 = arith.constant 0 : i32
    return %arg0, %c0_i32, %c0_i32_0 : i32, i32, i32
  }
}

module attributes {stable_mosaic.version = 14 : i64} {
  func.func @_conv1_body(%arg0: i32, %arg1: i32, %arg2: memref<1x1x1xi32, #tpu.memory_space<vmem>>, %arg3: memref<4x288x282x128xf32, #tpu.memory_space<any>>, %arg4: memref<4x288x282x128xf32, #tpu.memory_space<any>>, %arg5: memref<5x5x64x64xf32, #tpu.memory_space<vmem>>, %arg6: memref<5x5x64x64xf32, #tpu.memory_space<vmem>>, %arg7: memref<1x64xf32, #tpu.memory_space<vmem>>, %arg8: memref<1x20x278x64xf32, #tpu.memory_space<vmem>>, %arg9: memref<1x1x2x64xf32, #tpu.memory_space<vmem>>, %arg10: memref<24x282x128xf32, #tpu.memory_space<vmem>>, %arg11: memref<24x282x128xf32, #tpu.memory_space<vmem>>, %arg12: memref<5560x64xf32, #tpu.memory_space<vmem>>, %arg13: memref<!tpu.dma_semaphore, #tpu.memory_space<semaphore_mem>>, %arg14: memref<!tpu.dma_semaphore, #tpu.memory_space<semaphore_mem>>) attributes {dimension_semantics = [#tpu.dimension_semantics<arbitrary>, #tpu.dimension_semantics<arbitrary>], iteration_bounds = array<i64: 4, 14>, scalar_prefetch = 0 : i64, scratch_operands = 5 : i64, tpu.core_type = #tpu.core_type<tc>, window_params = [{transform_indices = @transform_0, window_bounds = array<i64: 1, 1, 1>}, {}, {}, {pipeline_mode = #tpu.pipeline_mode<synchronous>, transform_indices = @transform_3, window_bounds = array<i64: 5, 5, 64, 64>}, {pipeline_mode = #tpu.pipeline_mode<synchronous>, transform_indices = @transform_4, window_bounds = array<i64: 5, 5, 64, 64>}, {pipeline_mode = #tpu.pipeline_mode<synchronous>, transform_indices = @transform_5, window_bounds = array<i64: 1, 64>}, {transform_indices = @transform_6, window_bounds = array<i64: 1, 20, 278, 64>}, {transform_indices = @transform_7, window_bounds = array<i64: 1, 1, 2, 64>}]} {
    %broadcast_in_dim3A = arith.constant 0.000000e+00 : f32
    %broadcast_in_dim3A_0 = vector.broadcast %broadcast_in_dim3A : f32 to vector<5560x64xf32>
    %get3A = arith.constant 0 : index
    %get3A_1 = arith.constant 0 : index
    %get3A_2 = vector.load %arg7[%get3A, %get3A_1] : memref<1x64xf32, #tpu.memory_space<vmem>>, vector<1x64xf32>
    %add3A = vector.broadcast %get3A_2 : vector<1x64xf32> to vector<5560x64xf32>
    %add3A_3 = arith.addf %broadcast_in_dim3A_0, %add3A : vector<5560x64xf32>
    %swap3A = arith.constant 0 : index
    %swap3A_4 = arith.constant 0 : index
    %swap3A_5 = vector.load %arg12[%swap3A, %swap3A_4] : memref<5560x64xf32, #tpu.memory_space<vmem>>, vector<5560x64xf32>
    tpu.vector_store %arg12[%swap3A, %swap3A_4], %add3A_3 {strides = array<i32>} : memref<5560x64xf32, #tpu.memory_space<vmem>>, vector<5560x64xf32>,
    %get3A_6 = arith.constant 0 : index
    %get3A_7 = arith.constant 0 : index
    %get3A_8 = arith.constant 0 : index
    %get3A_9 = vector.load %arg2[%get3A_6, %get3A_7, %get3A_8] : memref<1x1x1xi32, #tpu.memory_space<vmem>>, vector<1x1x1xi32>
    %get3A_10 = vector.extract %get3A_9[0, 0, 0] : i32 from vector<1x1x1xi32>
    %gt3A = arith.constant 0 : i32
    %gt3A_11 = arith.cmpi sgt, %get3A_10, %gt3A : i32
    %convert_element_type3A = arith.extui %gt3A_11 : i1 to i32
    %cond3A = arith.constant 0 : i32
    %cond3A_12 = arith.cmpi ne, %convert_element_type3A, %cond3A : i32
    scf.if %cond3A_12 {
      %mul3A_43 = arith.constant 20 : i32
      %mul3A_44 = arith.muli %arg1, %mul3A_43 : i32
      %mul3A_45 = arith.constant 20 : i32
      %mul3A_46 = arith.muli %arg1, %mul3A_45 : i32
      %dma_start3A = arith.constant 0 : i32
      %dma_start3A_47 = arith.constant 0 : i32
      %dma_start3A_48 = tpu.memref_slice %arg3[%arg0, %mul3A_44, %dma_start3A, %dma_start3A_47] : memref<4x288x282x128xf32, #tpu.memory_space<any>> -> memref<1x24x282x128xf32, #tpu.memory_space<any>>
      %dma_start3A_49 = tpu.memref_squeeze %dma_start3A_48 : memref<1x24x282x128xf32, #tpu.memory_space<any>> -> memref<24x282x128xf32, #tpu.memory_space<any>>
      tpu.enqueue_dma source(%dma_start3A_49 : memref<24x282x128xf32, #tpu.memory_space<any>>) target(%arg10 : memref<24x282x128xf32, #tpu.memory_space<vmem>>) target_semaphore(%arg13 : memref<!tpu.dma_semaphore, #tpu.memory_space<semaphore_mem>>)
      %dma_start3A_50 = arith.constant 0 : i32
      %dma_start3A_51 = arith.constant 0 : i32
      %dma_start3A_52 = tpu.memref_slice %arg4[%arg0, %mul3A_46, %dma_start3A_50, %dma_start3A_51] : memref<4x288x282x128xf32, #tpu.memory_space<any>> -> memref<1x24x282x128xf32, #tpu.memory_space<any>>
      %dma_start3A_53 = tpu.memref_squeeze %dma_start3A_52 : memref<1x24x282x128xf32, #tpu.memory_space<any>> -> memref<24x282x128xf32, #tpu.memory_space<any>>
      tpu.enqueue_dma source(%dma_start3A_53 : memref<24x282x128xf32, #tpu.memory_space<any>>) target(%arg11 : memref<24x282x128xf32, #tpu.memory_space<vmem>>) target_semaphore(%arg14 : memref<!tpu.dma_semaphore, #tpu.memory_space<semaphore_mem>>)
      %dma_wait3A = arith.constant 0 : i32
      %dma_wait3A_54 = arith.constant 0 : i32
      %dma_wait3A_55 = tpu.memref_slice %arg3[%arg0, %mul3A_44, %dma_wait3A, %dma_wait3A_54] : memref<4x288x282x128xf32, #tpu.memory_space<any>> -> memref<1x24x282x128xf32, #tpu.memory_space<any>>
      %dma_wait3A_56 = tpu.memref_squeeze %dma_wait3A_55 : memref<1x24x282x128xf32, #tpu.memory_space<any>> -> memref<24x282x128xf32, #tpu.memory_space<any>>
      tpu.wait_dma2 semaphore(%arg13 : memref<!tpu.dma_semaphore, #tpu.memory_space<semaphore_mem>>) src(%dma_wait3A_56 : memref<24x282x128xf32, #tpu.memory_space<any>>) dst(%arg10 : memref<24x282x128xf32, #tpu.memory_space<vmem>>)
      %dma_wait3A_57 = arith.constant 0 : i32
      %dma_wait3A_58 = arith.constant 0 : i32
      %dma_wait3A_59 = tpu.memref_slice %arg4[%arg0, %mul3A_46, %dma_wait3A_57, %dma_wait3A_58] : memref<4x288x282x128xf32, #tpu.memory_space<any>> -> memref<1x24x282x128xf32, #tpu.memory_space<any>>
      %dma_wait3A_60 = tpu.memref_squeeze %dma_wait3A_59 : memref<1x24x282x128xf32, #tpu.memory_space<any>> -> memref<24x282x128xf32, #tpu.memory_space<any>>
      tpu.wait_dma2 semaphore(%arg14 : memref<!tpu.dma_semaphore, #tpu.memory_space<semaphore_mem>>) src(%dma_wait3A_60 : memref<24x282x128xf32, #tpu.memory_space<any>>) dst(%arg11 : memref<24x282x128xf32, #tpu.memory_space<vmem>>)
      %scan3A = arith.constant 0 : i32
      %scan3A_61 = arith.constant 25 : i32
      %scan3A_62 = arith.addi %scan3A, %scan3A_61 : i32
      %scan3A_63 = arith.constant 1 : i32
      scf.for %scan3A_70 = %scan3A to %scan3A_62 step %scan3A_63  : i32 {
        %jit3A_71 = arith.constant 5 : i32
        %div3A = arith.divsi %scan3A_70, %jit3A_71 : i32
        %sign3A = arith.constant 0 : i32
        %sign3A_72 = arith.cmpi sgt, %scan3A_70, %sign3A : i32
        %sign3A_73 = arith.extui %sign3A_72 : i1 to i32
        %sign3A_74 = arith.constant 0 : i32
        %sign3A_75 = arith.cmpi slt, %scan3A_70, %sign3A_74 : i32
        %sign3A_76 = arith.extui %sign3A_75 : i1 to i32
        %sign3A_77 = arith.subi %sign3A_73, %sign3A_76 : i32
        %sign3A_78 = arith.constant 0 : i32
        %sign3A_79 = arith.cmpi sgt, %jit3A_71, %sign3A_78 : i32
        %sign3A_80 = arith.extui %sign3A_79 : i1 to i32
        %sign3A_81 = arith.constant 0 : i32
        %sign3A_82 = arith.cmpi slt, %jit3A_71, %sign3A_81 : i32
        %sign3A_83 = arith.extui %sign3A_82 : i1 to i32
        %sign3A_84 = arith.subi %sign3A_80, %sign3A_83 : i32
        %ne3A = arith.cmpi ne, %sign3A_77, %sign3A_84 : i32
        %rem3A = arith.remsi %scan3A_70, %jit3A_71 : i32
        %ne3A_85 = arith.constant 0 : i32
        %ne3A_86 = arith.cmpi ne, %rem3A, %ne3A_85 : i32
        %and3A = arith.andi %ne3A, %ne3A_86 : i1
        %sub3A = arith.constant 1 : i32
        %sub3A_87 = arith.subi %div3A, %sub3A : i32
        %select_n3A_88 = arith.select %and3A, %sub3A_87, %div3A : i32
        %jit3A_89 = arith.constant 5 : i32
        %eq3A = arith.constant 0 : i32
        %eq3A_90 = arith.cmpi eq, %jit3A_89, %eq3A : i32
        %jit3A_91 = arith.constant 1 : i32
        %select_n3A_92 = arith.select %eq3A_90, %jit3A_91, %jit3A_89 : i32
        %rem3A_93 = arith.remsi %scan3A_70, %select_n3A_92 : i32
        %ne3A_94 = arith.constant 0 : i32
        %ne3A_95 = arith.cmpi ne, %rem3A_93, %ne3A_94 : i32
        %lt3A_96 = arith.constant 0 : i32
        %lt3A_97 = arith.cmpi slt, %rem3A_93, %lt3A_96 : i32
        %lt3A_98 = arith.constant 0 : i32
        %lt3A_99 = arith.cmpi slt, %select_n3A_92, %lt3A_98 : i32
        %ne3A_100 = arith.xori %lt3A_97, %lt3A_99 : i1
        %and3A_101 = arith.andi %ne3A_100, %ne3A_95 : i1
        %add3A_102 = arith.addi %rem3A_93, %select_n3A_92 : i32
        %select_n3A_103 = arith.select %and3A_101, %add3A_102, %rem3A_93 : i32
        %get3A_104 = arith.index_cast %select_n3A_88 : i32 to index
        %get3A_105 = arith.index_cast %select_n3A_103 : i32 to index
        %get3A_106 = arith.constant 0 : index
        %get3A_107 = vector.load %arg10[%get3A_104, %get3A_105, %get3A_106] : memref<24x282x128xf32, #tpu.memory_space<vmem>>, vector<20x278x64xf32>
        %get3A_108 = arith.constant 0 : index
        %get3A_109 = arith.constant 0 : index
        %get3A_110 = vector.load %arg12[%get3A_108, %get3A_109] : memref<5560x64xf32, #tpu.memory_space<vmem>>, vector<5560x64xf32>
        %reshape3A_111 = vector.shape_cast %get3A_107 : vector<20x278x64xf32> to vector<5560x64xf32>
        %get3A_112 = arith.index_cast %select_n3A_88 : i32 to index
        %get3A_113 = arith.index_cast %select_n3A_103 : i32 to index
        %get3A_114 = arith.constant 0 : index
        %get3A_115 = arith.constant 0 : index
        %get3A_116 = vector.load %arg5[%get3A_112, %get3A_113, %get3A_114, %get3A_115] : memref<5x5x64x64xf32, #tpu.memory_space<vmem>>, vector<1x1x64x64xf32>
        %get3A_117 = vector.shape_cast %get3A_116 : vector<1x1x64x64xf32> to vector<64x64xf32>
        %dot_general3A = arith.constant dense<0.000000e+00> : vector<5560x64xf32>
        %dot_general3A_118 = tpu.matmul %reshape3A_111, %get3A_117, %dot_general3A {dimension_numbers = #tpu.dot_dimension_numbers<[1], [0], [0], [1], [0, 0, 1, 1], [], []>, transpose_lhs_hint = false} : vector<5560x64xf32>, vector<64x64xf32>, vector<5560x64xf32> -> vector<5560x64xf32>
        %add3A_119 = arith.addf %get3A_110, %dot_general3A_118 : vector<5560x64xf32>
        %swap3A_120 = arith.constant 0 : index
        %swap3A_121 = arith.constant 0 : index
        %swap3A_122 = vector.load %arg12[%swap3A_120, %swap3A_121] : memref<5560x64xf32, #tpu.memory_space<vmem>>, vector<5560x64xf32>
        tpu.vector_store %arg12[%swap3A_120, %swap3A_121], %add3A_119 {strides = array<i32>} : memref<5560x64xf32, #tpu.memory_space<vmem>>, vector<5560x64xf32>,
      }
      %scan3A_64 = arith.constant 25 : i32
      %scan3A_65 = arith.constant 0 : i32
      %scan3A_66 = arith.constant 25 : i32
      %scan3A_67 = arith.addi %scan3A_65, %scan3A_66 : i32
      %scan3A_68 = arith.constant 1 : i32
      scf.for %scan3A_70 = %scan3A_65 to %scan3A_67 step %scan3A_68  : i32 {
        %jit3A_71 = arith.constant 5 : i32
        %div3A = arith.divsi %scan3A_70, %jit3A_71 : i32
        %sign3A = arith.constant 0 : i32
        %sign3A_72 = arith.cmpi sgt, %scan3A_70, %sign3A : i32
        %sign3A_73 = arith.extui %sign3A_72 : i1 to i32
        %sign3A_74 = arith.constant 0 : i32
        %sign3A_75 = arith.cmpi slt, %scan3A_70, %sign3A_74 : i32
        %sign3A_76 = arith.extui %sign3A_75 : i1 to i32
        %sign3A_77 = arith.subi %sign3A_73, %sign3A_76 : i32
        %sign3A_78 = arith.constant 0 : i32
        %sign3A_79 = arith.cmpi sgt, %jit3A_71, %sign3A_78 : i32
        %sign3A_80 = arith.extui %sign3A_79 : i1 to i32
        %sign3A_81 = arith.constant 0 : i32
        %sign3A_82 = arith.cmpi slt, %jit3A_71, %sign3A_81 : i32
        %sign3A_83 = arith.extui %sign3A_82 : i1 to i32
        %sign3A_84 = arith.subi %sign3A_80, %sign3A_83 : i32
        %ne3A = arith.cmpi ne, %sign3A_77, %sign3A_84 : i32
        %rem3A = arith.remsi %scan3A_70, %jit3A_71 : i32
        %ne3A_85 = arith.constant 0 : i32
        %ne3A_86 = arith.cmpi ne, %rem3A, %ne3A_85 : i32
        %and3A = arith.andi %ne3A, %ne3A_86 : i1
        %sub3A = arith.constant 1 : i32
        %sub3A_87 = arith.subi %div3A, %sub3A : i32
        %select_n3A_88 = arith.select %and3A, %sub3A_87, %div3A : i32
        %jit3A_89 = arith.constant 5 : i32
        %eq3A = arith.constant 0 : i32
        %eq3A_90 = arith.cmpi eq, %jit3A_89, %eq3A : i32
        %jit3A_91 = arith.constant 1 : i32
        %select_n3A_92 = arith.select %eq3A_90, %jit3A_91, %jit3A_89 : i32
        %rem3A_93 = arith.remsi %scan3A_70, %select_n3A_92 : i32
        %ne3A_94 = arith.constant 0 : i32
        %ne3A_95 = arith.cmpi ne, %rem3A_93, %ne3A_94 : i32
        %lt3A_96 = arith.constant 0 : i32
        %lt3A_97 = arith.cmpi slt, %rem3A_93, %lt3A_96 : i32
        %lt3A_98 = arith.constant 0 : i32
        %lt3A_99 = arith.cmpi slt, %select_n3A_92, %lt3A_98 : i32
        %ne3A_100 = arith.xori %lt3A_97, %lt3A_99 : i1
        %and3A_101 = arith.andi %ne3A_100, %ne3A_95 : i1
        %add3A_102 = arith.addi %rem3A_93, %select_n3A_92 : i32
        %select_n3A_103 = arith.select %and3A_101, %add3A_102, %rem3A_93 : i32
        %get3A_104 = arith.index_cast %select_n3A_88 : i32 to index
        %get3A_105 = arith.index_cast %select_n3A_103 : i32 to index
        %get3A_106 = arith.constant 0 : index
        %get3A_107 = vector.load %arg11[%get3A_104, %get3A_105, %get3A_106] : memref<24x282x128xf32, #tpu.memory_space<vmem>>, vector<20x278x64xf32>
        %get3A_108 = arith.constant 0 : index
        %get3A_109 = arith.constant 0 : index
        %get3A_110 = vector.load %arg12[%get3A_108, %get3A_109] : memref<5560x64xf32, #tpu.memory_space<vmem>>, vector<5560x64xf32>
        %reshape3A_111 = vector.shape_cast %get3A_107 : vector<20x278x64xf32> to vector<5560x64xf32>
        %get3A_112 = arith.index_cast %select_n3A_88 : i32 to index
        %get3A_113 = arith.index_cast %select_n3A_103 : i32 to index
        %get3A_114 = arith.constant 0 : index
        %get3A_115 = arith.constant 0 : index
        %get3A_116 = vector.load %arg6[%get3A_112, %get3A_113, %get3A_114, %get3A_115] : memref<5x5x64x64xf32, #tpu.memory_space<vmem>>, vector<1x1x64x64xf32>
        %get3A_117 = vector.shape_cast %get3A_116 : vector<1x1x64x64xf32> to vector<64x64xf32>
        %dot_general3A = arith.constant dense<0.000000e+00> : vector<5560x64xf32>
        %dot_general3A_118 = tpu.matmul %reshape3A_111, %get3A_117, %dot_general3A {dimension_numbers = #tpu.dot_dimension_numbers<[1], [0], [0], [1], [0, 0, 1, 1], [], []>, transpose_lhs_hint = false} : vector<5560x64xf32>, vector<64x64xf32>, vector<5560x64xf32> -> vector<5560x64xf32>
        %add3A_119 = arith.addf %get3A_110, %dot_general3A_118 : vector<5560x64xf32>
        %swap3A_120 = arith.constant 0 : index
        %swap3A_121 = arith.constant 0 : index
        %swap3A_122 = vector.load %arg12[%swap3A_120, %swap3A_121] : memref<5560x64xf32, #tpu.memory_space<vmem>>, vector<5560x64xf32>
        tpu.vector_store %arg12[%swap3A_120, %swap3A_121], %add3A_119 {strides = array<i32>} : memref<5560x64xf32, #tpu.memory_space<vmem>>, vector<5560x64xf32>,
      }
      %scan3A_69 = arith.constant 25 : i32
    } else {
    }
    %get3A_13 = arith.constant 0 : index
    %get3A_14 = arith.constant 0 : index
    %get3A_15 = vector.load %arg12[%get3A_13, %get3A_14] : memref<5560x64xf32, #tpu.memory_space<vmem>>, vector<5560x64xf32>
    %reshape3A = vector.shape_cast %get3A_15 : vector<5560x64xf32> to vector<1x20x278x64xf32>
    %swap3A_16 = arith.constant 0 : index
    %swap3A_17 = arith.constant 0 : index
    %swap3A_18 = arith.constant 0 : index
    %swap3A_19 = arith.constant 0 : index
    %swap3A_20 = vector.load %arg8[%swap3A_16, %swap3A_17, %swap3A_18, %swap3A_19] : memref<1x20x278x64xf32, #tpu.memory_space<vmem>>, vector<1x20x278x64xf32>
    tpu.vector_store %arg8[%swap3A_16, %swap3A_17, %swap3A_18, %swap3A_19], %reshape3A {strides = array<i32>} : memref<1x20x278x64xf32, #tpu.memory_space<vmem>>, vector<1x20x278x64xf32>,
    %reshape3A_21 = vector.shape_cast %get3A_15 : vector<5560x64xf32> to vector<20x278x64xf32>
    %iota3A = tpu.iota {dimensions = array<i32: 0>} : vector<20x1x1xi32>
    %mul3A = arith.constant 20 : i32
    %mul3A_22 = arith.muli %arg1, %mul3A : i32
    %add3A_23 = vector.broadcast %mul3A_22 : i32 to vector<20x1x1xi32>
    %add3A_24 = arith.addi %iota3A, %add3A_23 : vector<20x1x1xi32>
    %lt3A = arith.constant 278 : i32
    %lt3A_25 = vector.broadcast %lt3A : i32 to vector<20x1x1xi32>
    %lt3A_26 = arith.cmpi slt, %add3A_24, %lt3A_25 : vector<20x1x1xi32>
    %jit3A = arith.constant 0.000000e+00 : f32
    %broadcast_in_dim3A_27 = vector.shape_cast %lt3A_26 : vector<20x1x1xi1> to vector<20x1x1xi1>
    %broadcast_in_dim3A_28 = vector.broadcast %broadcast_in_dim3A_27 : vector<20x1x1xi1> to vector<20x278x64xi1>
    %broadcast_in_dim3A_29 = vector.broadcast %jit3A : f32 to vector<20x278x64xf32>
    %select_n3A = arith.select %broadcast_in_dim3A_28, %reshape3A_21, %broadcast_in_dim3A_29 : vector<20x278x64xi1>, vector<20x278x64xf32>
    %reduce_sum3A = arith.constant dense<0.000000e+00> : vector<64xf32>
    %reduce_sum3A_30 = vector.multi_reduction <add>, %select_n3A, %reduce_sum3A [0, 1] : vector<20x278x64xf32> to vector<64xf32>
    %mul3A_31 = arith.mulf %select_n3A, %select_n3A : vector<20x278x64xf32>
    %reduce_sum3A_32 = arith.constant dense<0.000000e+00> : vector<64xf32>
    %reduce_sum3A_33 = vector.multi_reduction <add>, %mul3A_31, %reduce_sum3A_32 [0, 1] : vector<20x278x64xf32> to vector<64xf32>
    %stack3A = vector.shape_cast %reduce_sum3A_30 : vector<64xf32> to vector<1x64xf32>
    %stack3A_34 = vector.shape_cast %reduce_sum3A_33 : vector<64xf32> to vector<1x64xf32>
    %stack3A_35 = tpu.concatenate %stack3A, %stack3A_34 in 0 : vector<1x64xf32>, vector<1x64xf32> -> vector<2x64xf32>
    %swap3A_36 = arith.constant 0 : index
    %swap3A_37 = arith.constant 0 : index
    %swap3A_38 = arith.constant 0 : index
    %swap3A_39 = arith.constant 0 : index
    %swap3A_40 = vector.load %arg9[%swap3A_36, %swap3A_37, %swap3A_38, %swap3A_39] : memref<1x1x2x64xf32, #tpu.memory_space<vmem>>, vector<1x1x2x64xf32>
    %swap3A_41 = vector.shape_cast %swap3A_40 : vector<1x1x2x64xf32> to vector<2x64xf32>
    %swap3A_42 = vector.shape_cast %stack3A_35 : vector<2x64xf32> to vector<1x1x2x64xf32>
    tpu.vector_store %arg9[%swap3A_36, %swap3A_37, %swap3A_38, %swap3A_39], %swap3A_42 {strides = array<i32>} : memref<1x1x2x64xf32, #tpu.memory_space<vmem>>, vector<1x1x2x64xf32>,
    return
  }
  func.func @transform_0(%arg0: i32, %arg1: i32) -> (i32, i32, i32) {
    %mul3A = arith.constant 14 : i32
    %mul3A_0 = arith.muli %arg0, %mul3A : i32
    %add3A = arith.addi %mul3A_0, %arg1 : i32
    %c0_i32 = arith.constant 0 : i32
    %c0_i32_1 = arith.constant 0 : i32
    %c0_i32_2 = arith.constant 0 : i32
    return %add3A, %c0_i32, %c0_i32_1 : i32, i32, i32
  }
  func.func @transform_3(%arg0: i32, %arg1: i32) -> (i32, i32, i32, i32) {
    %c0_i32 = arith.constant 0 : i32
    %c0_i32_0 = arith.constant 0 : i32
    %c0_i32_1 = arith.constant 0 : i32
    %c0_i32_2 = arith.constant 0 : i32
    %c0_i32_3 = arith.constant 0 : i32
    return %c0_i32, %c0_i32_0, %c0_i32_1, %c0_i32_2 : i32, i32, i32, i32
  }
  func.func @transform_4(%arg0: i32, %arg1: i32) -> (i32, i32, i32, i32) {
    %c0_i32 = arith.constant 0 : i32
    %c0_i32_0 = arith.constant 0 : i32
    %c0_i32_1 = arith.constant 0 : i32
    %c0_i32_2 = arith.constant 0 : i32
    %c0_i32_3 = arith.constant 0 : i32
    return %c0_i32, %c0_i32_0, %c0_i32_1, %c0_i32_2 : i32, i32, i32, i32
  }
  func.func @transform_5(%arg0: i32, %arg1: i32) -> (i32, i32) {
    %c0_i32 = arith.constant 0 : i32
    %c0_i32_0 = arith.constant 0 : i32
    %c0_i32_1 = arith.constant 0 : i32
    return %c0_i32, %c0_i32_0 : i32, i32
  }
  func.func @transform_6(%arg0: i32, %arg1: i32) -> (i32, i32, i32, i32) {
    %c0_i32 = arith.constant 0 : i32
    %c0_i32_0 = arith.constant 0 : i32
    %c0_i32_1 = arith.constant 0 : i32
    return %arg0, %arg1, %c0_i32, %c0_i32_0 : i32, i32, i32, i32
  }
  func.func @transform_7(%arg0: i32, %arg1: i32) -> (i32, i32, i32, i32) {
    %c0_i32 = arith.constant 0 : i32
    %c0_i32_0 = arith.constant 0 : i32
    %c0_i32_1 = arith.constant 0 : i32
    return %arg0, %arg1, %c0_i32, %c0_i32_0 : i32, i32, i32, i32
  }
}

module attributes {stable_mosaic.version = 14 : i64} {
  func.func @_bnpool1_body(%arg0: i32, %arg1: i32, %arg2: memref<1x64xf32, #tpu.memory_space<vmem>>, %arg3: memref<1x64xf32, #tpu.memory_space<vmem>>, %arg4: memref<1x20x278x64xf32, #tpu.memory_space<vmem>>, %arg5: memref<1x10x139x64xf32, #tpu.memory_space<vmem>>) attributes {dimension_semantics = [#tpu.dimension_semantics<arbitrary>, #tpu.dimension_semantics<arbitrary>], iteration_bounds = array<i64: 4, 14>, scalar_prefetch = 0 : i64, scratch_operands = 0 : i64, tpu.core_type = #tpu.core_type<tc>, window_params = [{pipeline_mode = #tpu.pipeline_mode<synchronous>, transform_indices = @transform_0, window_bounds = array<i64: 1, 64>}, {pipeline_mode = #tpu.pipeline_mode<synchronous>, transform_indices = @transform_1, window_bounds = array<i64: 1, 64>}, {transform_indices = @transform_2, window_bounds = array<i64: 1, 20, 278, 64>}, {transform_indices = @transform_3, window_bounds = array<i64: 1, 10, 139, 64>}]} {
    %get3A = arith.constant 0 : index
    %get3A_0 = arith.constant 0 : index
    %get3A_1 = arith.constant 0 : index
    %get3A_2 = arith.constant 0 : index
    %get3A_3 = vector.load %arg4[%get3A, %get3A_0, %get3A_1, %get3A_2] : memref<1x20x278x64xf32, #tpu.memory_space<vmem>>, vector<1x20x278x64xf32>
    %get3A_4 = vector.shape_cast %get3A_3 : vector<1x20x278x64xf32> to vector<20x278x64xf32>
    %get3A_5 = arith.constant 0 : index
    %get3A_6 = arith.constant 0 : index
    %get3A_7 = vector.load %arg2[%get3A_5, %get3A_6] : memref<1x64xf32, #tpu.memory_space<vmem>>, vector<1x64xf32>
    %broadcast_in_dim3A = vector.shape_cast %get3A_7 : vector<1x64xf32> to vector<1x1x64xf32>
    %mul3A = vector.broadcast %broadcast_in_dim3A : vector<1x1x64xf32> to vector<20x278x64xf32>
    %mul3A_8 = arith.mulf %get3A_4, %mul3A : vector<20x278x64xf32>
    %get3A_9 = arith.constant 0 : index
    %get3A_10 = arith.constant 0 : index
    %get3A_11 = vector.load %arg3[%get3A_9, %get3A_10] : memref<1x64xf32, #tpu.memory_space<vmem>>, vector<1x64xf32>
    %broadcast_in_dim3A_12 = vector.shape_cast %get3A_11 : vector<1x64xf32> to vector<1x1x64xf32>
    %add3A = vector.broadcast %broadcast_in_dim3A_12 : vector<1x1x64xf32> to vector<20x278x64xf32>
    %add3A_13 = arith.addf %mul3A_8, %add3A : vector<20x278x64xf32>
    %max3A = arith.constant 0.000000e+00 : f32
    %max3A_14 = vector.broadcast %max3A : f32 to vector<20x278x64xf32>
    %max3A_15 = arith.maximumf %add3A_13, %max3A_14 : vector<20x278x64xf32>
    %reshape3A = vector.shape_cast %max3A_15 : vector<20x278x64xf32> to vector<10x2x278x64xf32>
    %reduce_max3A = arith.constant dense<0xFF800000> : vector<10x278x64xf32>
    %reduce_max3A_16 = vector.multi_reduction <maximumf>, %reshape3A, %reduce_max3A [1] : vector<10x2x278x64xf32> to vector<10x278x64xf32>
    %reshape3A_17 = vector.shape_cast %reduce_max3A_16 : vector<10x278x64xf32> to vector<10x139x2x64xf32>
    %reduce_max3A_18 = arith.constant dense<0xFF800000> : vector<10x139x64xf32>
    %reduce_max3A_19 = vector.multi_reduction <maximumf>, %reshape3A_17, %reduce_max3A_18 [2] : vector<10x139x2x64xf32> to vector<10x139x64xf32>
    %swap3A = arith.constant 0 : index
    %swap3A_20 = arith.constant 0 : index
    %swap3A_21 = arith.constant 0 : index
    %swap3A_22 = arith.constant 0 : index
    %swap3A_23 = vector.load %arg5[%swap3A, %swap3A_20, %swap3A_21, %swap3A_22] : memref<1x10x139x64xf32, #tpu.memory_space<vmem>>, vector<1x10x139x64xf32>
    %swap3A_24 = vector.shape_cast %swap3A_23 : vector<1x10x139x64xf32> to vector<10x139x64xf32>
    %swap3A_25 = vector.shape_cast %reduce_max3A_19 : vector<10x139x64xf32> to vector<1x10x139x64xf32>
    tpu.vector_store %arg5[%swap3A, %swap3A_20, %swap3A_21, %swap3A_22], %swap3A_25 {strides = array<i32>} : memref<1x10x139x64xf32, #tpu.memory_space<vmem>>, vector<1x10x139x64xf32>,
    return
  }
  func.func @transform_0(%arg0: i32, %arg1: i32) -> (i32, i32) {
    %c0_i32 = arith.constant 0 : i32
    %c0_i32_0 = arith.constant 0 : i32
    %c0_i32_1 = arith.constant 0 : i32
    return %c0_i32, %c0_i32_0 : i32, i32
  }
  func.func @transform_1(%arg0: i32, %arg1: i32) -> (i32, i32) {
    %c0_i32 = arith.constant 0 : i32
    %c0_i32_0 = arith.constant 0 : i32
    %c0_i32_1 = arith.constant 0 : i32
    return %c0_i32, %c0_i32_0 : i32, i32
  }
  func.func @transform_2(%arg0: i32, %arg1: i32) -> (i32, i32, i32, i32) {
    %c0_i32 = arith.constant 0 : i32
    %c0_i32_0 = arith.constant 0 : i32
    %c0_i32_1 = arith.constant 0 : i32
    return %arg0, %arg1, %c0_i32, %c0_i32_0 : i32, i32, i32, i32
  }
  func.func @transform_3(%arg0: i32, %arg1: i32) -> (i32, i32, i32, i32) {
    %c0_i32 = arith.constant 0 : i32
    %c0_i32_0 = arith.constant 0 : i32
    %c0_i32_1 = arith.constant 0 : i32
    return %arg0, %arg1, %c0_i32, %c0_i32_0 : i32, i32, i32, i32
  }
}

module attributes {stable_mosaic.version = 14 : i64} {
  func.func @_conv2_body(%arg0: i32, %arg1: i32, %arg2: memref<1x1x1xi32, #tpu.memory_space<vmem>>, %arg3: memref<4x140x139x64xf32, #tpu.memory_space<any>>, %arg4: memref<4x4x64x16xf32, #tpu.memory_space<vmem>>, %arg5: memref<1x16xf32, #tpu.memory_space<vmem>>, %arg6: memref<1x16xf32, #tpu.memory_space<vmem>>, %arg7: memref<1x34x136x16xf32, #tpu.memory_space<vmem>>, %arg8: memref<1x1x2x16xf32, #tpu.memory_space<vmem>>, %arg9: memref<37x139x64xf32, #tpu.memory_space<vmem>>, %arg10: memref<4624x16xf32, #tpu.memory_space<vmem>>, %arg11: memref<!tpu.dma_semaphore, #tpu.memory_space<semaphore_mem>>) attributes {dimension_semantics = [#tpu.dimension_semantics<arbitrary>, #tpu.dimension_semantics<arbitrary>], iteration_bounds = array<i64: 4, 4>, scalar_prefetch = 0 : i64, scratch_operands = 3 : i64, tpu.core_type = #tpu.core_type<tc>, window_params = [{transform_indices = @transform_0, window_bounds = array<i64: 1, 1, 1>}, {}, {pipeline_mode = #tpu.pipeline_mode<synchronous>, transform_indices = @transform_2, window_bounds = array<i64: 4, 4, 64, 16>}, {pipeline_mode = #tpu.pipeline_mode<synchronous>, transform_indices = @transform_3, window_bounds = array<i64: 1, 16>}, {pipeline_mode = #tpu.pipeline_mode<synchronous>, transform_indices = @transform_4, window_bounds = array<i64: 1, 16>}, {transform_indices = @transform_5, window_bounds = array<i64: 1, 34, 136, 16>}, {transform_indices = @transform_6, window_bounds = array<i64: 1, 1, 2, 16>}]} {
    %get3A = arith.constant 0 : index
    %get3A_0 = arith.constant 0 : index
    %get3A_1 = arith.constant 0 : index
    %get3A_2 = vector.load %arg2[%get3A, %get3A_0, %get3A_1] : memref<1x1x1xi32, #tpu.memory_space<vmem>>, vector<1x1x1xi32>
    %get3A_3 = vector.extract %get3A_2[0, 0, 0] : i32 from vector<1x1x1xi32>
    %eq3A = arith.constant 0 : i32
    %eq3A_4 = arith.cmpi eq, %get3A_3, %eq3A : i32
    %convert_element_type3A = arith.extui %eq3A_4 : i1 to i32
    %cond3A = arith.constant 0 : i32
    %cond3A_5 = arith.cmpi ne, %convert_element_type3A, %cond3A : i32
    scf.if %cond3A_5 {
      %broadcast_in_dim3A = arith.constant 0.000000e+00 : f32
      %broadcast_in_dim3A_30 = vector.broadcast %broadcast_in_dim3A : f32 to vector<4624x16xf32>
      %get3A_31 = arith.constant 0 : index
      %get3A_32 = arith.constant 0 : index
      %get3A_33 = vector.load %arg5[%get3A_31, %get3A_32] : memref<1x16xf32, #tpu.memory_space<vmem>>, vector<1x16xf32>
      %add3A = vector.broadcast %get3A_33 : vector<1x16xf32> to vector<4624x16xf32>
      %add3A_34 = arith.addf %broadcast_in_dim3A_30, %add3A : vector<4624x16xf32>
      %get3A_35 = arith.constant 0 : index
      %get3A_36 = arith.constant 0 : index
      %get3A_37 = vector.load %arg6[%get3A_35, %get3A_36] : memref<1x16xf32, #tpu.memory_space<vmem>>, vector<1x16xf32>
      %add3A_38 = vector.broadcast %get3A_37 : vector<1x16xf32> to vector<4624x16xf32>
      %add3A_39 = arith.addf %add3A_34, %add3A_38 : vector<4624x16xf32>
      %swap3A_40 = arith.constant 0 : index
      %swap3A_41 = arith.constant 0 : index
      %swap3A_42 = vector.load %arg10[%swap3A_40, %swap3A_41] : memref<4624x16xf32, #tpu.memory_space<vmem>>, vector<4624x16xf32>
      tpu.vector_store %arg10[%swap3A_40, %swap3A_41], %add3A_39 {strides = array<i32>} : memref<4624x16xf32, #tpu.memory_space<vmem>>, vector<4624x16xf32>,
    } else {
    }
    %gt3A = arith.constant 0 : i32
    %gt3A_6 = arith.cmpi sgt, %get3A_3, %gt3A : i32
    %convert_element_type3A_7 = arith.extui %gt3A_6 : i1 to i32
    %cond3A_8 = arith.constant 0 : i32
    %cond3A_9 = arith.cmpi ne, %convert_element_type3A_7, %cond3A_8 : i32
    scf.if %cond3A_9 {
      %mul3A_30 = arith.constant 34 : i32
      %mul3A_31 = arith.muli %arg1, %mul3A_30 : i32
      %dma_start3A = arith.constant 0 : i32
      %dma_start3A_32 = arith.constant 0 : i32
      %dma_start3A_33 = tpu.memref_slice %arg3[%arg0, %mul3A_31, %dma_start3A, %dma_start3A_32] : memref<4x140x139x64xf32, #tpu.memory_space<any>> -> memref<1x37x139x64xf32, #tpu.memory_space<any>>
      %dma_start3A_34 = tpu.memref_squeeze %dma_start3A_33 : memref<1x37x139x64xf32, #tpu.memory_space<any>> -> memref<37x139x64xf32, #tpu.memory_space<any>>
      tpu.enqueue_dma source(%dma_start3A_34 : memref<37x139x64xf32, #tpu.memory_space<any>>) target(%arg9 : memref<37x139x64xf32, #tpu.memory_space<vmem>>) target_semaphore(%arg11 : memref<!tpu.dma_semaphore, #tpu.memory_space<semaphore_mem>>)
      %dma_wait3A = arith.constant 0 : i32
      %dma_wait3A_35 = arith.constant 0 : i32
      %dma_wait3A_36 = tpu.memref_slice %arg3[%arg0, %mul3A_31, %dma_wait3A, %dma_wait3A_35] : memref<4x140x139x64xf32, #tpu.memory_space<any>> -> memref<1x37x139x64xf32, #tpu.memory_space<any>>
      %dma_wait3A_37 = tpu.memref_squeeze %dma_wait3A_36 : memref<1x37x139x64xf32, #tpu.memory_space<any>> -> memref<37x139x64xf32, #tpu.memory_space<any>>
      tpu.wait_dma2 semaphore(%arg11 : memref<!tpu.dma_semaphore, #tpu.memory_space<semaphore_mem>>) src(%dma_wait3A_37 : memref<37x139x64xf32, #tpu.memory_space<any>>) dst(%arg9 : memref<37x139x64xf32, #tpu.memory_space<vmem>>)
      %broadcast_in_dim3A = arith.constant 0.000000e+00 : f32
      %broadcast_in_dim3A_38 = vector.broadcast %broadcast_in_dim3A : f32 to vector<4624x16xf32>
      %get3A_39 = arith.constant 0 : index
      %get3A_40 = arith.constant 0 : index
      %get3A_41 = vector.load %arg5[%get3A_39, %get3A_40] : memref<1x16xf32, #tpu.memory_space<vmem>>, vector<1x16xf32>
      %add3A = vector.broadcast %get3A_41 : vector<1x16xf32> to vector<4624x16xf32>
      %add3A_42 = arith.addf %broadcast_in_dim3A_38, %add3A : vector<4624x16xf32>
      %swap3A_43 = arith.constant 0 : index
      %swap3A_44 = arith.constant 0 : index
      %swap3A_45 = vector.load %arg10[%swap3A_43, %swap3A_44] : memref<4624x16xf32, #tpu.memory_space<vmem>>, vector<4624x16xf32>
      tpu.vector_store %arg10[%swap3A_43, %swap3A_44], %add3A_42 {strides = array<i32>} : memref<4624x16xf32, #tpu.memory_space<vmem>>, vector<4624x16xf32>,
      %scan3A = arith.constant 0 : i32
      %scan3A_46 = arith.constant 16 : i32
      %scan3A_47 = arith.addi %scan3A, %scan3A_46 : i32
      %scan3A_48 = arith.constant 1 : i32
      scf.for %scan3A_50 = %scan3A to %scan3A_47 step %scan3A_48  : i32 {
        %jit3A = arith.constant 4 : i32
        %div3A = arith.divsi %scan3A_50, %jit3A : i32
        %sign3A = arith.constant 0 : i32
        %sign3A_51 = arith.cmpi sgt, %scan3A_50, %sign3A : i32
        %sign3A_52 = arith.extui %sign3A_51 : i1 to i32
        %sign3A_53 = arith.constant 0 : i32
        %sign3A_54 = arith.cmpi slt, %scan3A_50, %sign3A_53 : i32
        %sign3A_55 = arith.extui %sign3A_54 : i1 to i32
        %sign3A_56 = arith.subi %sign3A_52, %sign3A_55 : i32
        %sign3A_57 = arith.constant 0 : i32
        %sign3A_58 = arith.cmpi sgt, %jit3A, %sign3A_57 : i32
        %sign3A_59 = arith.extui %sign3A_58 : i1 to i32
        %sign3A_60 = arith.constant 0 : i32
        %sign3A_61 = arith.cmpi slt, %jit3A, %sign3A_60 : i32
        %sign3A_62 = arith.extui %sign3A_61 : i1 to i32
        %sign3A_63 = arith.subi %sign3A_59, %sign3A_62 : i32
        %ne3A = arith.cmpi ne, %sign3A_56, %sign3A_63 : i32
        %rem3A = arith.remsi %scan3A_50, %jit3A : i32
        %ne3A_64 = arith.constant 0 : i32
        %ne3A_65 = arith.cmpi ne, %rem3A, %ne3A_64 : i32
        %and3A = arith.andi %ne3A, %ne3A_65 : i1
        %sub3A = arith.constant 1 : i32
        %sub3A_66 = arith.subi %div3A, %sub3A : i32
        %select_n3A = arith.select %and3A, %sub3A_66, %div3A : i32
        %jit3A_67 = arith.constant 4 : i32
        %eq3A_68 = arith.constant 0 : i32
        %eq3A_69 = arith.cmpi eq, %jit3A_67, %eq3A_68 : i32
        %jit3A_70 = arith.constant 1 : i32
        %select_n3A_71 = arith.select %eq3A_69, %jit3A_70, %jit3A_67 : i32
        %rem3A_72 = arith.remsi %scan3A_50, %select_n3A_71 : i32
        %ne3A_73 = arith.constant 0 : i32
        %ne3A_74 = arith.cmpi ne, %rem3A_72, %ne3A_73 : i32
        %lt3A = arith.constant 0 : i32
        %lt3A_75 = arith.cmpi slt, %rem3A_72, %lt3A : i32
        %lt3A_76 = arith.constant 0 : i32
        %lt3A_77 = arith.cmpi slt, %select_n3A_71, %lt3A_76 : i32
        %ne3A_78 = arith.xori %lt3A_75, %lt3A_77 : i1
        %and3A_79 = arith.andi %ne3A_78, %ne3A_74 : i1
        %add3A_80 = arith.addi %rem3A_72, %select_n3A_71 : i32
        %select_n3A_81 = arith.select %and3A_79, %add3A_80, %rem3A_72 : i32
        %get3A_82 = arith.index_cast %select_n3A : i32 to index
        %get3A_83 = arith.index_cast %select_n3A_81 : i32 to index
        %get3A_84 = arith.constant 0 : index
        %get3A_85 = vector.load %arg9[%get3A_82, %get3A_83, %get3A_84] : memref<37x139x64xf32, #tpu.memory_space<vmem>>, vector<34x136x64xf32>
        %get3A_86 = arith.constant 0 : index
        %get3A_87 = arith.constant 0 : index
        %get3A_88 = vector.load %arg10[%get3A_86, %get3A_87] : memref<4624x16xf32, #tpu.memory_space<vmem>>, vector<4624x16xf32>
        %reshape3A_89 = vector.shape_cast %get3A_85 : vector<34x136x64xf32> to vector<4624x64xf32>
        %get3A_90 = arith.index_cast %select_n3A : i32 to index
        %get3A_91 = arith.index_cast %select_n3A_81 : i32 to index
        %get3A_92 = arith.constant 0 : index
        %get3A_93 = arith.constant 0 : index
        %get3A_94 = vector.load %arg4[%get3A_90, %get3A_91, %get3A_92, %get3A_93] : memref<4x4x64x16xf32, #tpu.memory_space<vmem>>, vector<1x1x64x16xf32>
        %get3A_95 = vector.shape_cast %get3A_94 : vector<1x1x64x16xf32> to vector<64x16xf32>
        %dot_general3A = arith.constant dense<0.000000e+00> : vector<4624x16xf32>
        %dot_general3A_96 = tpu.matmul %reshape3A_89, %get3A_95, %dot_general3A {dimension_numbers = #tpu.dot_dimension_numbers<[1], [0], [0], [1], [0, 0, 1, 1], [], []>, transpose_lhs_hint = false} : vector<4624x64xf32>, vector<64x16xf32>, vector<4624x16xf32> -> vector<4624x16xf32>
        %add3A_97 = arith.addf %get3A_88, %dot_general3A_96 : vector<4624x16xf32>
        %swap3A_98 = arith.constant 0 : index
        %swap3A_99 = arith.constant 0 : index
        %swap3A_100 = vector.load %arg10[%swap3A_98, %swap3A_99] : memref<4624x16xf32, #tpu.memory_space<vmem>>, vector<4624x16xf32>
        tpu.vector_store %arg10[%swap3A_98, %swap3A_99], %add3A_97 {strides = array<i32>} : memref<4624x16xf32, #tpu.memory_space<vmem>>, vector<4624x16xf32>,
      }
      %scan3A_49 = arith.constant 16 : i32
    } else {
    }
    %get3A_10 = arith.constant 0 : index
    %get3A_11 = arith.constant 0 : index
    %get3A_12 = vector.load %arg10[%get3A_10, %get3A_11] : memref<4624x16xf32, #tpu.memory_space<vmem>>, vector<4624x16xf32>
    %reshape3A = vector.shape_cast %get3A_12 : vector<4624x16xf32> to vector<1x34x136x16xf32>
    %swap3A = arith.constant 0 : index
    %swap3A_13 = arith.constant 0 : index
    %swap3A_14 = arith.constant 0 : index
    %swap3A_15 = arith.constant 0 : index
    %swap3A_16 = vector.load %arg7[%swap3A, %swap3A_13, %swap3A_14, %swap3A_15] : memref<1x34x136x16xf32, #tpu.memory_space<vmem>>, vector<1x34x136x16xf32>
    tpu.vector_store %arg7[%swap3A, %swap3A_13, %swap3A_14, %swap3A_15], %reshape3A {strides = array<i32>} : memref<1x34x136x16xf32, #tpu.memory_space<vmem>>, vector<1x34x136x16xf32>,
    %reshape3A_17 = vector.shape_cast %get3A_12 : vector<4624x16xf32> to vector<34x136x16xf32>
    %reduce_sum3A = arith.constant dense<0.000000e+00> : vector<16xf32>
    %reduce_sum3A_18 = vector.multi_reduction <add>, %reshape3A_17, %reduce_sum3A [0, 1] : vector<34x136x16xf32> to vector<16xf32>
    %mul3A = arith.mulf %reshape3A_17, %reshape3A_17 : vector<34x136x16xf32>
    %reduce_sum3A_19 = arith.constant dense<0.000000e+00> : vector<16xf32>
    %reduce_sum3A_20 = vector.multi_reduction <add>, %mul3A, %reduce_sum3A_19 [0, 1] : vector<34x136x16xf32> to vector<16xf32>
    %stack3A = vector.shape_cast %reduce_sum3A_18 : vector<16xf32> to vector<1x16xf32>
    %stack3A_21 = vector.shape_cast %reduce_sum3A_20 : vector<16xf32> to vector<1x16xf32>
    %stack3A_22 = tpu.concatenate %stack3A, %stack3A_21 in 0 : vector<1x16xf32>, vector<1x16xf32> -> vector<2x16xf32>
    %swap3A_23 = arith.constant 0 : index
    %swap3A_24 = arith.constant 0 : index
    %swap3A_25 = arith.constant 0 : index
    %swap3A_26 = arith.constant 0 : index
    %swap3A_27 = vector.load %arg8[%swap3A_23, %swap3A_24, %swap3A_25, %swap3A_26] : memref<1x1x2x16xf32, #tpu.memory_space<vmem>>, vector<1x1x2x16xf32>
    %swap3A_28 = vector.shape_cast %swap3A_27 : vector<1x1x2x16xf32> to vector<2x16xf32>
    %swap3A_29 = vector.shape_cast %stack3A_22 : vector<2x16xf32> to vector<1x1x2x16xf32>
    tpu.vector_store %arg8[%swap3A_23, %swap3A_24, %swap3A_25, %swap3A_26], %swap3A_29 {strides = array<i32>} : memref<1x1x2x16xf32, #tpu.memory_space<vmem>>, vector<1x1x2x16xf32>,
    return
  }
  func.func @transform_0(%arg0: i32, %arg1: i32) -> (i32, i32, i32) {
    %mul3A = arith.constant 4 : i32
    %mul3A_0 = arith.muli %arg0, %mul3A : i32
    %add3A = arith.addi %mul3A_0, %arg1 : i32
    %c0_i32 = arith.constant 0 : i32
    %c0_i32_1 = arith.constant 0 : i32
    %c0_i32_2 = arith.constant 0 : i32
    return %add3A, %c0_i32, %c0_i32_1 : i32, i32, i32
  }
  func.func @transform_2(%arg0: i32, %arg1: i32) -> (i32, i32, i32, i32) {
    %c0_i32 = arith.constant 0 : i32
    %c0_i32_0 = arith.constant 0 : i32
    %c0_i32_1 = arith.constant 0 : i32
    %c0_i32_2 = arith.constant 0 : i32
    %c0_i32_3 = arith.constant 0 : i32
    return %c0_i32, %c0_i32_0, %c0_i32_1, %c0_i32_2 : i32, i32, i32, i32
  }
  func.func @transform_3(%arg0: i32, %arg1: i32) -> (i32, i32) {
    %c0_i32 = arith.constant 0 : i32
    %c0_i32_0 = arith.constant 0 : i32
    %c0_i32_1 = arith.constant 0 : i32
    return %c0_i32, %c0_i32_0 : i32, i32
  }
  func.func @transform_4(%arg0: i32, %arg1: i32) -> (i32, i32) {
    %c0_i32 = arith.constant 0 : i32
    %c0_i32_0 = arith.constant 0 : i32
    %c0_i32_1 = arith.constant 0 : i32
    return %c0_i32, %c0_i32_0 : i32, i32
  }
  func.func @transform_5(%arg0: i32, %arg1: i32) -> (i32, i32, i32, i32) {
    %c0_i32 = arith.constant 0 : i32
    %c0_i32_0 = arith.constant 0 : i32
    %c0_i32_1 = arith.constant 0 : i32
    return %arg0, %arg1, %c0_i32, %c0_i32_0 : i32, i32, i32, i32
  }
  func.func @transform_6(%arg0: i32, %arg1: i32) -> (i32, i32, i32, i32) {
    %c0_i32 = arith.constant 0 : i32
    %c0_i32_0 = arith.constant 0 : i32
    %c0_i32_1 = arith.constant 0 : i32
    return %arg0, %arg1, %c0_i32, %c0_i32_0 : i32, i32, i32, i32
  }
}

module attributes {stable_mosaic.version = 14 : i64} {
  func.func @_bnpool2_body(%arg0: i32, %arg1: memref<1x16xf32, #tpu.memory_space<vmem>>, %arg2: memref<1x16xf32, #tpu.memory_space<vmem>>, %arg3: memref<1x136x136x16xf32, #tpu.memory_space<vmem>>, %arg4: memref<1x68x68x16xf32, #tpu.memory_space<vmem>>) attributes {dimension_semantics = [#tpu.dimension_semantics<arbitrary>], iteration_bounds = array<i64: 4>, scalar_prefetch = 0 : i64, scratch_operands = 0 : i64, tpu.core_type = #tpu.core_type<tc>, window_params = [{pipeline_mode = #tpu.pipeline_mode<synchronous>, transform_indices = @transform_0, window_bounds = array<i64: 1, 16>}, {pipeline_mode = #tpu.pipeline_mode<synchronous>, transform_indices = @transform_1, window_bounds = array<i64: 1, 16>}, {transform_indices = @transform_2, window_bounds = array<i64: 1, 136, 136, 16>}, {transform_indices = @transform_3, window_bounds = array<i64: 1, 68, 68, 16>}]} {
    %get3A = arith.constant 0 : index
    %get3A_0 = arith.constant 0 : index
    %get3A_1 = arith.constant 0 : index
    %get3A_2 = arith.constant 0 : index
    %get3A_3 = vector.load %arg3[%get3A, %get3A_0, %get3A_1, %get3A_2] : memref<1x136x136x16xf32, #tpu.memory_space<vmem>>, vector<1x136x136x16xf32>
    %get3A_4 = vector.shape_cast %get3A_3 : vector<1x136x136x16xf32> to vector<136x136x16xf32>
    %get3A_5 = arith.constant 0 : index
    %get3A_6 = arith.constant 0 : index
    %get3A_7 = vector.load %arg1[%get3A_5, %get3A_6] : memref<1x16xf32, #tpu.memory_space<vmem>>, vector<1x16xf32>
    %broadcast_in_dim3A = vector.shape_cast %get3A_7 : vector<1x16xf32> to vector<1x1x16xf32>
    %mul3A = vector.broadcast %broadcast_in_dim3A : vector<1x1x16xf32> to vector<136x136x16xf32>
    %mul3A_8 = arith.mulf %get3A_4, %mul3A : vector<136x136x16xf32>
    %get3A_9 = arith.constant 0 : index
    %get3A_10 = arith.constant 0 : index
    %get3A_11 = vector.load %arg2[%get3A_9, %get3A_10] : memref<1x16xf32, #tpu.memory_space<vmem>>, vector<1x16xf32>
    %broadcast_in_dim3A_12 = vector.shape_cast %get3A_11 : vector<1x16xf32> to vector<1x1x16xf32>
    %add3A = vector.broadcast %broadcast_in_dim3A_12 : vector<1x1x16xf32> to vector<136x136x16xf32>
    %add3A_13 = arith.addf %mul3A_8, %add3A : vector<136x136x16xf32>
    %max3A = arith.constant 0.000000e+00 : f32
    %max3A_14 = vector.broadcast %max3A : f32 to vector<136x136x16xf32>
    %max3A_15 = arith.maximumf %add3A_13, %max3A_14 : vector<136x136x16xf32>
    %reshape3A = vector.shape_cast %max3A_15 : vector<136x136x16xf32> to vector<68x2x136x16xf32>
    %reduce_max3A = arith.constant dense<0xFF800000> : vector<68x136x16xf32>
    %reduce_max3A_16 = vector.multi_reduction <maximumf>, %reshape3A, %reduce_max3A [1] : vector<68x2x136x16xf32> to vector<68x136x16xf32>
    %reshape3A_17 = vector.shape_cast %reduce_max3A_16 : vector<68x136x16xf32> to vector<68x68x2x16xf32>
    %reduce_max3A_18 = arith.constant dense<0xFF800000> : vector<68x68x16xf32>
    %reduce_max3A_19 = vector.multi_reduction <maximumf>, %reshape3A_17, %reduce_max3A_18 [2] : vector<68x68x2x16xf32> to vector<68x68x16xf32>
    %reshape3A_20 = vector.shape_cast %reduce_max3A_19 : vector<68x68x16xf32> to vector<1x68x68x16xf32>
    %swap3A = arith.constant 0 : index
    %swap3A_21 = arith.constant 0 : index
    %swap3A_22 = arith.constant 0 : index
    %swap3A_23 = arith.constant 0 : index
    %swap3A_24 = vector.load %arg4[%swap3A, %swap3A_21, %swap3A_22, %swap3A_23] : memref<1x68x68x16xf32, #tpu.memory_space<vmem>>, vector<1x68x68x16xf32>
    tpu.vector_store %arg4[%swap3A, %swap3A_21, %swap3A_22, %swap3A_23], %reshape3A_20 {strides = array<i32>} : memref<1x68x68x16xf32, #tpu.memory_space<vmem>>, vector<1x68x68x16xf32>,
    return
  }
  func.func @transform_0(%arg0: i32) -> (i32, i32) {
    %c0_i32 = arith.constant 0 : i32
    %c0_i32_0 = arith.constant 0 : i32
    %c0_i32_1 = arith.constant 0 : i32
    return %c0_i32, %c0_i32_0 : i32, i32
  }
  func.func @transform_1(%arg0: i32) -> (i32, i32) {
    %c0_i32 = arith.constant 0 : i32
    %c0_i32_0 = arith.constant 0 : i32
    %c0_i32_1 = arith.constant 0 : i32
    return %c0_i32, %c0_i32_0 : i32, i32
  }
  func.func @transform_2(%arg0: i32) -> (i32, i32, i32, i32) {
    %c0_i32 = arith.constant 0 : i32
    %c0_i32_0 = arith.constant 0 : i32
    %c0_i32_1 = arith.constant 0 : i32
    %c0_i32_2 = arith.constant 0 : i32
    return %arg0, %c0_i32, %c0_i32_0, %c0_i32_1 : i32, i32, i32, i32
  }
  func.func @transform_3(%arg0: i32) -> (i32, i32, i32, i32) {
    %c0_i32 = arith.constant 0 : i32
    %c0_i32_0 = arith.constant 0 : i32
    %c0_i32_1 = arith.constant 0 : i32
    %c0_i32_2 = arith.constant 0 : i32
    return %arg0, %c0_i32, %c0_i32_0, %c0_i32_1 : i32, i32, i32, i32
  }
}

module attributes {stable_mosaic.version = 14 : i64} {
  func.func @_fc_body(%arg0: memref<4x73984xf32, #tpu.memory_space<vmem>>, %arg1: memref<32x73984xf32, #tpu.memory_space<vmem>>, %arg2: memref<1x32xf32, #tpu.memory_space<vmem>>, %arg3: memref<1x32xf32, #tpu.memory_space<vmem>>, %arg4: memref<1x32xf32, #tpu.memory_space<vmem>>, %arg5: memref<3x32xf32, #tpu.memory_space<vmem>>, %arg6: memref<1x3xf32, #tpu.memory_space<vmem>>, %arg7: memref<4x3xf32, #tpu.memory_space<vmem>>) attributes {dimension_semantics = [], scalar_prefetch = 0 : i64, scratch_operands = 0 : i64, tpu.core_type = #tpu.core_type<tc>} {
    %get3A = arith.constant 0 : index
    %get3A_0 = arith.constant 0 : index
    %get3A_1 = vector.load %arg0[%get3A, %get3A_0] : memref<4x73984xf32, #tpu.memory_space<vmem>>, vector<4x73984xf32>
    %get3A_2 = arith.constant 0 : index
    %get3A_3 = arith.constant 0 : index
    %get3A_4 = vector.load %arg1[%get3A_2, %get3A_3] : memref<32x73984xf32, #tpu.memory_space<vmem>>, vector<32x73984xf32>
    %dot_general3A = arith.constant dense<0.000000e+00> : vector<4x32xf32>
    %dot_general3A_5 = tpu.matmul %get3A_1, %get3A_4, %dot_general3A {dimension_numbers = #tpu.dot_dimension_numbers<[1], [1], [0], [0], [0, 0, 1, 0], [], []>, transpose_lhs_hint = false} : vector<4x73984xf32>, vector<32x73984xf32>, vector<4x32xf32> -> vector<4x32xf32>
    %get3A_6 = arith.constant 0 : index
    %get3A_7 = arith.constant 0 : index
    %get3A_8 = vector.load %arg2[%get3A_6, %get3A_7] : memref<1x32xf32, #tpu.memory_space<vmem>>, vector<1x32xf32>
    %add3A = vector.broadcast %get3A_8 : vector<1x32xf32> to vector<4x32xf32>
    %add3A_9 = arith.addf %dot_general3A_5, %add3A : vector<4x32xf32>
    %reduce_sum3A = arith.constant dense<0.000000e+00> : vector<32xf32>
    %reduce_sum3A_10 = vector.multi_reduction <add>, %add3A_9, %reduce_sum3A [0] : vector<4x32xf32> to vector<32xf32>
    %broadcast_in_dim3A = vector.shape_cast %reduce_sum3A_10 : vector<32xf32> to vector<1x32xf32>
    %div3A = arith.constant 4.000000e+00 : f32
    %div3A_11 = vector.broadcast %div3A : f32 to vector<1x32xf32>
    %div3A_12 = arith.divf %broadcast_in_dim3A, %div3A_11 : vector<1x32xf32>
    %sub3A = vector.broadcast %div3A_12 : vector<1x32xf32> to vector<4x32xf32>
    %sub3A_13 = arith.subf %add3A_9, %sub3A : vector<4x32xf32>
    %integer_pow3A = arith.mulf %sub3A_13, %sub3A_13 : vector<4x32xf32>
    %reduce_sum3A_14 = arith.constant dense<0.000000e+00> : vector<32xf32>
    %reduce_sum3A_15 = vector.multi_reduction <add>, %integer_pow3A, %reduce_sum3A_14 [0] : vector<4x32xf32> to vector<32xf32>
    %broadcast_in_dim3A_16 = vector.shape_cast %reduce_sum3A_15 : vector<32xf32> to vector<1x32xf32>
    %div3A_17 = arith.constant 4.000000e+00 : f32
    %div3A_18 = vector.broadcast %div3A_17 : f32 to vector<1x32xf32>
    %div3A_19 = arith.divf %broadcast_in_dim3A_16, %div3A_18 : vector<1x32xf32>
    %get3A_20 = arith.constant 0 : index
    %get3A_21 = arith.constant 0 : index
    %get3A_22 = vector.load %arg3[%get3A_20, %get3A_21] : memref<1x32xf32, #tpu.memory_space<vmem>>, vector<1x32xf32>
    %sub3A_23 = vector.broadcast %div3A_12 : vector<1x32xf32> to vector<4x32xf32>
    %sub3A_24 = arith.subf %add3A_9, %sub3A_23 : vector<4x32xf32>
    %mul3A = vector.broadcast %get3A_22 : vector<1x32xf32> to vector<4x32xf32>
    %mul3A_25 = arith.mulf %mul3A, %sub3A_24 : vector<4x32xf32>
    %add3A_26 = arith.constant 9.99999974E-6 : f32
    %add3A_27 = vector.broadcast %add3A_26 : f32 to vector<1x32xf32>
    %add3A_28 = arith.addf %div3A_19, %add3A_27 : vector<1x32xf32>
    %sqrt3A = math.sqrt %add3A_28 : vector<1x32xf32>
    %div3A_29 = vector.broadcast %sqrt3A : vector<1x32xf32> to vector<4x32xf32>
    %div3A_30 = arith.divf %mul3A_25, %div3A_29 : vector<4x32xf32>
    %get3A_31 = arith.constant 0 : index
    %get3A_32 = arith.constant 0 : index
    %get3A_33 = vector.load %arg4[%get3A_31, %get3A_32] : memref<1x32xf32, #tpu.memory_space<vmem>>, vector<1x32xf32>
    %add3A_34 = vector.broadcast %get3A_33 : vector<1x32xf32> to vector<4x32xf32>
    %add3A_35 = arith.addf %div3A_30, %add3A_34 : vector<4x32xf32>
    %tanh3A = math.tanh %add3A_35 : vector<4x32xf32>
    %get3A_36 = arith.constant 0 : index
    %get3A_37 = arith.constant 0 : index
    %get3A_38 = vector.load %arg5[%get3A_36, %get3A_37] : memref<3x32xf32, #tpu.memory_space<vmem>>, vector<3x32xf32>
    %dot_general3A_39 = arith.constant dense<0.000000e+00> : vector<4x3xf32>
    %dot_general3A_40 = tpu.matmul %tanh3A, %get3A_38, %dot_general3A_39 {dimension_numbers = #tpu.dot_dimension_numbers<[1], [1], [0], [0], [0, 0, 1, 0], [], []>, transpose_lhs_hint = false} : vector<4x32xf32>, vector<3x32xf32>, vector<4x3xf32> -> vector<4x3xf32>
    %get3A_41 = arith.constant 0 : index
    %get3A_42 = arith.constant 0 : index
    %get3A_43 = vector.load %arg6[%get3A_41, %get3A_42] : memref<1x3xf32, #tpu.memory_space<vmem>>, vector<1x3xf32>
    %add3A_44 = vector.broadcast %get3A_43 : vector<1x3xf32> to vector<4x3xf32>
    %add3A_45 = arith.addf %dot_general3A_40, %add3A_44 : vector<4x3xf32>
    %swap3A = arith.constant 0 : index
    %swap3A_46 = arith.constant 0 : index
    %swap3A_47 = vector.load %arg7[%swap3A, %swap3A_46] : memref<4x3xf32, #tpu.memory_space<vmem>>, vector<4x3xf32>
    tpu.vector_store %arg7[%swap3A, %swap3A_46], %add3A_45 {strides = array<i32>} : memref<4x3xf32, #tpu.memory_space<vmem>>, vector<4x3xf32>,
    return
  }
}

</mosaic_0001>

<sc_bundles>
// kernel: gather_offload_async_start.1
scs
__scs_entry_jumppad:
0x0: {  	(pc) =	sbr.rel $0x88, $3  }
0x1: {  	(tag) =	ssettag $0x0;
	lr =	simm.s32 $0x1  }
0x2: {  	[smem:$0x3F89] =	sst lr;
	_ =	strace $0xD0000000  }
0x3: {  	_ = 	snop  }
0x4: {  	_ = 	snop  }
0x5: {  	_ = 	snop  }
0x6: {  	_ = 	snop  }
0x7: {  	_ = 	snop  }
__scs_overlays_trampoline_lowered:
0x8: {  	[smem:$0x3F98] =	sst s0  }
0x9: {  	[smem:$0x3F99] =	sst s1  }
0xa: {  	[smem:$0x3F9A] =	sst s2  }
0xb: {  	[smem:$0x3F9B] =	sst s3  }
0xc: {  	[smem:$0x3F9C] =	sst s4  }
0xd: {  	[smem:$0x3F9D] =	sst s5  }
0xe: {  	[smem:$0x3F9E] =	sst s6  }
0xf: {  	[smem:$0x3F9F] =	sst s7  }
0x10: {  	[smem:$0x3FA0] =	sst s8  }
0x11: {  	[smem:$0x3FA1] =	sst s9;
	s0 =	simm.s32 @!p0 $0x0  }
0x12: {  	s1 =	sld [smem:$0x3F87];
	s0 =	simm.s32 @p0 $0x1  }
0x13: {  	[smem:$0x3FA2] =	sst s0;
	s0 =	simm.s32 @!p1 $0x0  }
0x14: {  	s2 =	sld [smem:$0x3F86];
	s0 =	simm.s32 @p1 $0x1  }
0x15: {  	[smem:$0x3FA3] =	sst s0;
	s0 =	simm.s32 @!p2 $0x0  }
0x16: {  	s3 =	sld [smem:$0x3FDB];
	s0 =	simm.s32 @p2 $0x1  }
0x17: {  	s4 =	simm.s32 $0x1BF5;
	[smem:$0x3FA5] =	sst s0  }
0x18: {  	s0 =	sld [smem:$0x3F88];
	_ =	swait.ge [sflag:s4], $0x0  }
0x19: {  	s7 =	sld [smem:$0x3F89]  }
0x1a: {  	s8 =	sadd.s32 $0xFFFFE003, lr  }
0x1b: {  	s9 =	sadd.s32 $0xFFFFFEF7, lr;
	s5 =	simm.s32 $0xFFFFFFFF;
	p2 =	slt.u32 s8, $0xFFFFF086  }
0x1c: {  	p1 =	slt.u32 s9, $0xF7A;
	s5 =	simm.s32 @!p2 $0x0  }
0x1d: {  	s5 =	simm.s32 @p1 $0x1;
	p0 =	seq.s32 s7, s2  }
0x1e: {  	s7 =	smul.u32 @!p0 $0xF7A, s2;
	p2 =	seq.s32 @!p0 s5, $0x0  }
0x1f: {  	s9 =	smul.u32 $0xF7A, s1;
	s8 =	simm.s32 @!p0 $0x1BF5;
	p2 =	por !p2, p0  }
0x20: {  	[sflag:s8] =	ssyncset.s32 @!p0 $0xFFFFF086;
	s6 =	sadd.s32 @!p0 s3, s7;
	s7 =	simm.s32 @!p0 $0x108  }
0x21: {  	s3 =	sadd.s32 s3, s9;
	s6 =	sadd.s32 @!p0 $0x88, s6;
	s7 =	simm.s32 @p2 $0x1082  }
0x22: {  	[simem:s7], [sflag:s8] =	dma.local @!p0 [hbm:s6], $0xF7A  }
0x23: {  	s9 =	sor.u32 $0xD0000000, s2;
	s6 =	simm.s32 $0x108;
	_ =	swait.ge @!p0 [sflag:s8], $0x0  }
0x24: {  	s3 =	sadd.s32 $0x88, s3;
	s6 =	simm.s32 @!p1 $0x1082;
	[sflag:s4] =	ssyncset.s32 $0xFFFFF086  }
0x25: {  	[simem:s6], [sflag:s4] =	dma.local [hbm:s3], $0xF7A  }
0x26: {  	[smem:$0x3F89] =	sst s1;
	(tag) =	ssettag s2;
	_ =	strace s9  }
0x27: {  	s1 =	sld [smem:$0x3F99]  }
0x28: {  	s2 =	sld [smem:$0x3F9A]  }
0x29: {  	s4 =	sld [smem:$0x3F9C]  }
0x2a: {  	p0 =	seq.s32 s5, $0x0;
	s5 =	sld [smem:$0x3F9D]  }
0x2b: {  	s6 =	sld [smem:$0x3F9E]  }
0x2c: {  	s7 =	sld [smem:$0x3F9F]  }
0x2d: {  	s3 =	simm.s32 $0x108;
	s8 =	sld [smem:$0x3FA0]  }
0x2e: {  	s3 =	simm.s32 @!p0 $0x1082;
	s9 =	sld [smem:$0x3FA1]  }
0x2f: {  	lr =	sadd.s32 s0, s3;
	s0 =	sld [smem:$0x3F98]  }
0x30: {  	s3 =	sld [smem:$0x3F9B]  }
0x31: {  	[smem:$0x3FA4] =	sst s10  }
0x32: {  	s10 =	sld [smem:$0x3FA2];
	_ =	sdelay $0x3  }
0x33: {  	p0 =	seq.s32 s10, $0x1;
	s10 =	sld [smem:$0x3FA4];
	_ =	sdelay $0x3  }
0x34: {  	[smem:$0x3FA4] =	sst s10  }
0x35: {  	s10 =	sld [smem:$0x3FA3];
	_ =	sdelay $0x3  }
0x36: {  	p1 =	seq.s32 s10, $0x1;
	s10 =	sld [smem:$0x3FA4];
	_ =	sdelay $0x3  }
0x37: {  	[smem:$0x3FA4] =	sst s10  }
0x38: {  	s10 =	sld [smem:$0x3FA5]  }
0x39: {  	_ = 	snop;
	(pc) =	sbr.ind lr, $3  }
0x3a: {  	_ = 	snop  }
0x3b: {  	_ = 	snop  }
0x3c: {  	p2 =	seq.s32 s10, $0x1;
	s10 =	sld [smem:$0x3FA4]  }
0x3d: {  	_ =	shalt  }
0x3e: {  	_ =	shalt  }
0x3f: {  	_ =	shalt  }
0x40: {  	_ =	shalt  }
0x41: {  	_ =	shalt  }
0x42: {  	_ =	shalt  }
0x43: {  	_ =	shalt  }
0x44: {  	_ =	shalt  }
0x45: {  	_ =	shalt  }
0x46: {  	_ =	shalt  }
0x47: {  	_ =	shalt  }
0x48: {  	_ =	shalt  }
0x49: {  	_ =	shalt  }
0x4a: {  	_ =	shalt  }
0x4b: {  	_ =	shalt  }
0x4c: {  	_ =	shalt  }
0x4d: {  	_ =	shalt  }
0x4e: {  	_ =	shalt  }
0x4f: {  	_ =	shalt  }
0x50: {  	_ =	shalt  }
0x51: {  	_ =	shalt  }
0x52: {  	_ =	shalt  }
0x53: {  	_ =	shalt  }
0x54: {  	_ =	shalt  }
0x55: {  	_ =	shalt  }
0x56: {  	_ =	shalt  }
0x57: {  	_ =	shalt  }
0x58: {  	_ =	shalt  }
0x59: {  	_ =	shalt  }
0x5a: {  	_ =	shalt  }
0x5b: {  	_ =	shalt  }
0x5c: {  	_ =	shalt  }
0x5d: {  	_ =	shalt  }
0x5e: {  	_ =	shalt  }
0x5f: {  	_ =	shalt  }
0x60: {  	_ =	shalt  }
0x61: {  	_ =	shalt  }
0x62: {  	_ =	shalt  }
0x63: {  	_ =	shalt  }
0x64: {  	_ =	shalt  }
0x65: {  	_ =	shalt  }
0x66: {  	_ =	shalt  }
0x67: {  	_ =	shalt  }
0x68: {  	_ =	shalt  }
0x69: {  	_ =	shalt  }
0x6a: {  	_ =	shalt  }
0x6b: {  	_ =	shalt  }
0x6c: {  	_ =	shalt  }
0x6d: {  	_ =	shalt  }
0x6e: {  	_ =	shalt  }
0x6f: {  	_ =	shalt  }
0x70: {  	_ =	shalt  }
0x71: {  	_ =	shalt  }
0x72: {  	_ =	shalt  }
0x73: {  	_ =	shalt  }
0x74: {  	_ =	shalt  }
0x75: {  	_ =	shalt  }
0x76: {  	_ =	shalt  }
0x77: {  	_ =	shalt  }
0x78: {  	_ =	shalt  }
0x79: {  	_ =	shalt  }
0x7a: {  	_ =	shalt  }
0x7b: {  	_ =	shalt  }
0x7c: {  	_ =	shalt  }
0x7d: {  	_ =	shalt  }
0x7e: {  	_ =	shalt  }
0x7f: {  	_ =	shalt  }
0x80: {  	_ =	shalt  }
0x81: {  	_ =	shalt  }
0x82: {  	_ =	shalt  }
0x83: {  	_ =	shalt  }
0x84: {  	_ =	shalt  }
0x85: {  	_ =	shalt  }
0x86: {  	_ =	shalt  }
0x87: {  	_ =	shalt  }
.Lfunc_end0:
.L_simem_size_0:
called_computation.3_lowered:
.L_overlay_start_0:
0x88: {  	s2 =	sld [smem:$0x3FD9]  }
0x89: {  	s3 =	sld [smem:$0x3FFE];
	_ =	sdelay $0x1  }
0x8a: {  	s1 =	srdreg.scid  }
0x8b: {  	s0 =	sand.u32 $0x1, s1  }
0x8c: {  	s17 =	sshll.u32 s0, $0xA;
	s2 =	sadd.s32 s3, s2  }
0x8d: {  	s2 =	sadd.s32 s2, s17  }
0x8e: {  	[smem:$0x3FB0] =	sst s2  }
0x8f: {  	_ = 	snop  }
0x90: {  	(tm) =	ssettm $0x1  }
0x91: {  	s18 =	sld [smem:$0x3FFB];
	_ =	sdelay $0x3  }
0x92: {  	_ =	strace s18  }
0x93: {  	s2 =	sld [smem:$0x3FFC];
	_ =	sdelay $0x3  }
0x94: {  	_ =	strace s2  }
0x95: {  	s2 =	sld [smem:$0x3FFD];
	_ =	sdelay $0x3  }
0x96: {  	_ =	strace s2  }
0x97: {  	_ =	strace $0x8FFFFFFF  }
0x98: {  	s19 =	sld [smem:$0x3FDB];
	_ =	sdelay $0x1  }
0x99: {  	s20 =	simm.s32 $_scs_section_size  }
0x9a: {  	s4 =	simm.s32 $_size__tile_overlayer_lowered;
	s5 =	simm.s32 $_tile_overlayer_lowered  }
0x9b: {  	s6 =	simm.s32 $0x1BFF;
	s21 =	sshll.u32 s5, $0x1;
	s3 =	sadd.s32 s20, s19  }
0x9c: {  	s22 =	simm.s32 $0x0;
	s4 =	sshll.u32 s4, $0x1;
	s5 =	sadd.s32 s21, s3  }
0x9d: {  	[timem:s22], [sflag:s6] =	dma.local [hbm:s5], s4  }
0x9e: {  	_ =	swait.ge [sflag:s6], s4  }
0x9f: {  	s4 =	ssub.s32 $0x0, s4;
	[sflag:s6] =	ssyncset.done $0x0  }
0xa0: {  	[sflag:s6] =	ssyncadd.s32 s4;
	_ =	sdelay $0x1  }
0xa1: {  	s23 =	simm.s32 $0x1B8B  }
0xa2: {  	_ =	swait.ge [sflag:s23], $0x1  }
0xa3: {  	[sflag:s23] =	ssyncset.done $0x0  }
0xa4: {  	[sflag:s23] =	ssyncadd.s32 $0xFFFFFFFF  }
0xa5: {  	s4 =	sld [smem:$0x0]  }
0xa6: {  	s5 =	sand.u32 $0xFFFFFFFE, s1  }
0xa7: {  	p0 =	sne.s32 s1, s5  }
0xa8: {  	s5 =	sshll.u32 @p0 s5, $0xE  }
0xa9: {  	s5 =	sadd.s32 @p0 $0x11B8D, s5;
	s6 =	sshll.u32 @p0 s4, $0x11  }
0xaa: {  	s5 =	sor.u32 @p0 s6, s5  }
0xab: {  	[sflag:s5] =	ssyncadd.remote.s32 @p0 $0x1;
	_ =	sdelay $0x1  }
0xac: {  	s5 =	simm.s32 @p0 $0x1B8D  }
0xad: {  	_ =	swait.eq @p0 [sflag:s5], $0x1  }
0xae: {  	[sflag:s5] =	ssyncadd.s32 @p0 $0xFFFFFFFF  }
0xaf: {  	s6 =	sshll.u32 @!p0 s1, $0xE  }
0xb0: {  	s6 =	sor.u32 @!p0 $0x4000, s6;
	s5 =	simm.s32 @!p0 $0x1B8D  }
0xb1: {  	s4 =	sshll.u32 @!p0 s4, $0x11;
	s6 =	sadd.s32 @!p0 $0x11B8D, s6;
	_ =	swait.eq @!p0 [sflag:s5], $0x1  }
0xb2: {  	s4 =	sor.u32 @!p0 s4, s6;
	[sflag:s5] =	ssyncadd.s32 @!p0 $0xFFFFFFFF  }
0xb3: {  	s25 =	simm.s32 $0x1B8E;
	s24 =	sld [smem:$0x3FFE];
	[sflag:s4] =	ssyncadd.remote.s32 @!p0 $0x1  }
0xb4: {  	s26 =	simm.s32 $execute0_lowered;
	[smem:$0x3FD2] =	sst s25  }
0xb5: {  	s5 =	sshll.u32 s26, $0x1;
	_ =	strace $0x8000004F;
	[dreg:$0x1] =	wrdreg $0xFFFFFFFF  }
0xb6: {  	s28 =	simm.s32 $_size_execute0_lowered;
	s3 =	sadd.s32 s3, s5;
	[dreg:$0x0] =	wrdreg $0x0  }
0xb7: {  	s5 =	sshll.u32 s28, $0x1;
	[dreg:$0x2] =	wrdreg s3  }
0xb8: {  	[dreg:$0x3] =	wrdreg s5  }
0xb9: {  	[dreg:$0x4] =	wrdreg $0xC0  }
0xba: {  	_ =	task [dreg:s22], $0x5FFFF  }
0xbb: {  	[dreg:$0x1] =	wrdreg $0xFFFFFFFF  }
0xbc: {  	[dreg:$0x0] =	wrdreg $0x60  }
0xbd: {  	[dreg:$0x2] =	wrdreg s24  }
0xbe: {  	[dreg:$0x3] =	wrdreg $0xA  }
0xbf: {  	_ =	task.clear_ibuf [dreg:s22], $0x4FFFF;
	_ =	strace $0x9000004F  }
0xc0: {  	s29 =	simm.s32 $0xA;
	_ =	strace $0x80000051  }
0xc1: {  	_ =	swait.ge [sflag:s29], $0x1  }
0xc2: {  	[sflag:s29] =	ssyncadd.s32 $0xFFFFFFFF  }
0xc3: {  	_ =	strace $0x90000051  }
0xc4: {  	_ =	sfence  }
0xc5: {  	s30 =	sld [smem:$0x0];
	_ =	sdelay $0x2  }
0xc6: {  	s31 =	sshll.u32 s1, $0xD;
	s1 =	sshrl.u32 s1, $0x2  }
0xc7: {  	s4 =	sand.u32 $0x4000, s31;
	s1 =	sadd.s32 s1, s30  }
0xc8: {  	s0 =	sor.u32 s4, s0;
	s1 =	sshll.u32 s1, $0x11  }
0xc9: {  	s0 =	sor.u32 s1, s0  }
0xca: {  	s0 =	sadd.s32 $0x8F2B, s0  }
0xcb: {  	[sflag:s0] =	ssyncadd.remote.s32 $0x1  }
0xcc: {  	_ =	sfence.sel $0xFFFF  }
0xcd: {  	[dreg:$0x0] =	wrdreg $0xFFFFFFFF;
	(pc) =	sbr.abs _section_cstart, $3  }
0xce: {  	[dreg:$0x1] =	wrdreg $0xFFFFFFFF  }
0xcf: {  	_ =	task.clear_ibuf [dreg:s22], $0x2FFFF;
	_ =	strace $0x9FFFFFFF  }
0xd0: {  	(tm) =	ssettm $0x7FFFFFFF  }
0xd1: {  	_ =	shalt  }
tec
execute0_lowered:
.L_overlay_start_1:
0x0: {  	(tag) =	ssettag $0x1  }
0x1: {  	s8 =	rddreg [dreg:$0x0];
	s1 =	stileid.u32  }
0x2: {  	s2 =	srdreg.scid;
	s0 =	rddreg [dreg:$0x1]  }
0x3: {  	_ =	strace $0x80000050;
	s5 =	simm.s32 $0x1;
	s9 =	simm.s32 $0x1  }
0x4: {  	s10 =	simm.s32 $0x3;
	s2 =	sand.u32 $0x1, s2;
	s3 =	sshll.u32 s1, $0x1  }
0x5: {  	s13 =	simm.s32 $0x0;
	s12 =	simm.s32 $0x0;
	s6 =	sor.u32 s3, s2  }
0x6: {  	[sflag:s5] =	ssyncpa.u1 $0x0;
	s2 =	sadd.s32 $0xCD200, s8;
	s4 =	smul.u32 $0x4B0, s6  }
0x7: {  	s3 =	sadd.s32 $0xD6E00, s8;
	p0 =	slt.u32 s6, $0x9;
	s6 =	simm.s32 $0x9600  }
.Ltmp0:
0x8: {  	s6 =	simm.s32 @!p0 $0x0;
	s7 =	ssub.s32 $0xBB80, s4;
	(pc) =	sbr.rel .LBB2_1-.Ltmp0, $4  }
0x9: {  	s9 =	simm.s32 @!p0 $0x0;
	p0 =	sne.s32 s7, s6;
	s7 =	simm.s32 $0x1  }
0xa: {  	s8 =	sadd.s32 $0xDDE00, s8;
	s6 =	simm.s32 $0x2;
	s7 =	simm.s32 @!p0 $0x0  }
0xb: {  	s11 =	smov.u32 s4;
	[sflag:s6] =	ssyncpa.u1 $0x0;
	s7 =	sadd.s32 s9, s7  }
0xc: {  	vm0 =	vmmov $0xffff;
	[sflag:s10] =	ssyncpa.u1 $0x0;
	s10 =	simm.s32 $0x0;
	s9 =	sadd.s32 $0x1, s7  }
.LBB2_4:
0xd: {  	vm1 =	veq.s32 v4, $0x80000000;
	v56 =	vand.u32 $0x3, v4;
	v6 =	vand.u32 $0x1FFFF, v6  }
0xe: {  	v2 =	vor.u32 v2, v5;
	v59 =	vshrl.u32 v1, $0x2;
	v60 =	vand.u32 $0x3, v1  }
0xf: {  	v4 =	vsel vm1, $0xFFFFFFFF, v56;
	v6 =	vsel vm1, $0xFFFFFFFF, v6;
	v2 =	vor.u32 v3, v2  }
0x10: {  	vm1 =	veq.s32 v1, $0x80000000;
	v5 =	vand.u32 $0x1FFFF, v59;
	v7 =	vshrl.u32 v4, $0x2  }
0x11: {  	v57 =	vshll.u32 v6, $0x2;
	v4 =	vshll.u32 v4, $0x7;
	v1 =	vsel vm1, $0xFFFFFFFF, v60  }
0x12: {  	v5 =	vsel vm1, $0xFFFFFFFF, v5;
	v6 =	vand.u32 $0x7F, v6;
	v7 =	vmul.u32 $0x4DC00, v7  }
0x13: {  	v58 =	vand.u32 $0xFFFFFE00, v57;
	v4 =	vand.u32 $0x180, v4;
	v61 =	vshrl.u32 v1, $0x2  }
0x14: {  	v62 =	vshll.u32 v5, $0x2;
	v3 =	vadd.s32 v7, v58;
	v7 =	vmul.u32 $0x4DC00, v61  }
0x15: {  	v1 =	vshll.u32 v1, $0x7;
	v3 =	vor.u32 v4, v3;
	v4 =	vand.u32 $0xFFFFFE00, v62  }
0x16: {  	v1 =	vand.u32 $0x180, v1;
	v3 =	vor.u32 v6, v3;
	v4 =	vadd.s32 v7, v4  }
0x17: {  	[tilespmem:s16], [sflag:$0x1] =	stream.indirect_vreg.gather [hbm4b:s2+s10], $0x1, v0, vm0, $0x4038;
	v63 =	vand.u32 $0x7F, v5;
	v1 =	vor.u32 v1, v4;
	[tilespmem:$0x12C0] =	vst v63  }
0x18: {  	s15 =	sadd.s32 $0x10, s15;
	(ifvalue) =	ssetifvalue $0x7FFFFFFF;
	v0 =	vor.u32 v63, v1  }
0x19: {  	[tilespmem:s15], [sflag:$0x1] =	stream.indirect_vreg.gather [hbm4b:s2+s10], $0x1, v2, vm0, $0x4038;
	[tilespmem:$0x12C0] =	vst v63  }
0x1a: {  	s15 =	sadd.s32 $0x10, s15;
	(ifvalue) =	ssetifvalue $0x7FFFFFFF  }
0x1b: {  	[tilespmem:s15], [sflag:$0x1] =	stream.indirect_vreg.gather [hbm4b:s2+s10], $0x1, v3, vm0, $0x4038;
	[tilespmem:$0x12C0] =	vst v63  }
0x1c: {  	s15 =	sadd.s32 $0x10, s15;
	(ifvalue) =	ssetifvalue $0x7FFFFFFF  }
0x1d: {  	[tilespmem:s15], [sflag:$0x1] =	stream.indirect_vreg.gather [hbm4b:s2+s10], $0x1, v0, vm0, $0x4038;
	[tilespmem:$0x12C0] =	vst v63  }
0x1e: {  	_ =	swait.ge [sflag:s5], $0x4B0  }
0x1f: {  	s30 =	sshrl.u32 s13, $0x3;
	[sflag:s5] =	ssyncset.done $0x0  }
0x20: {  	s31 =	sand.u32 $0x7, s13;
	s15 =	sadd.s32 s8, s30;
	[sflag:s5] =	ssyncadd.s32 $0xFFFFFB50  }
0x21: {  	[hbm4b:s15+s31] =	stream.linear.scatter [tilespmem:s14], [sflag:$0x3], $0x4B0, $0x38;
	[tilespmem:$0x12C0] =	vst v63  }
.LBB2_5:
0x22: {  	s15 =	sadd.s32 $0x9600, s11  }
0x23: {  	p1 =	sgt.s32 s15, $0xBB7F  }
0x24: {  	s15 =	smov.u32 @p1 s4;
	p1 =	sne.s32 s12, s9  }
.Ltmp1:
0x25: {  	p0 =	slt.u32 s12, $0x2;
	(pc) =	sbr.rel @!p1 .LBB2_6-.Ltmp1, $4  }
0x26: {  	s14 =	simm.s32 @!p0 $0x3  }
0x27: {  	_ =	swait.ge @!p0 [sflag:s14], $0x4B0  }
0x28: {  	s16 =	sadd.s32 $0x1, s12;
	s13 =	smov.u32 s11;
	[sflag:s14] =	ssyncset.done @!p0 $0x0  }
0x29: {  	s12 =	smov.u32 s16;
	s11 =	smov.u32 s15;
	[sflag:s14] =	ssyncadd.s32 @!p0 $0xFFFFFB50  }
.LBB2_1:
0x2a: {  	p0 =	sge.u32 s12, s7  }
0x2b: {  	s14 =	sxor.u32 @!p0 $0x1, s12  }
0x2c: {  	s14 =	smul.u32 @!p0 $0x12C0, s14  }
0x2d: {  	s31 =	sadd.s32 $0xFFFFFFFF, s12;
	s15 =	sshrl.u32 @!p0 s11, $0x3  }
0x2e: {  	s16 =	sand.u32 @!p0 $0x7, s11;
	s15 =	sadd.s32 @!p0 s3, s15;
	s14 =	sshra.s32 @!p0 s14, $0x2  }
0x2f: {  	[tilespmem:s14], [sflag:$0x2] =	stream.linear.gather @!p0 [hbm4b:s15+s16], $0x4B0, $0x38;
	[tilespmem:$0x12C0] =	vst v63  }
0x30: {  	p0 =	sge.u32 s31, s7  }
.Ltmp2:
0x31: {  	_ = 	snop;
	(pc) =	sbr.rel @p0 .LBB2_5-.Ltmp2, $1  }
0x32: {  	_ =	sdelay $0x3  }
0x33: {  	s14 =	sand.u32 $0x1, s12  }
0x34: {  	_ =	swait.ge [sflag:s6], $0x4B0;
	p0 =	seq.s32 s14, $0x1;
	s14 =	simm.s32 $0x4B0  }
0x35: {  	[sflag:s6] =	ssyncset.done $0x0;
	s14 =	simm.s32 @!p0 $0x0  }
0x36: {  	[sflag:s6] =	ssyncadd.s32 $0xFFFFFB50;
	(ifvalue) =	ssetifvalue $0x7FFFFFFF;
	v0 =	vld.msk [tilespmem:s14+$0x0 ss:$0x1], $0xffff  }
0x37: {  	s15 =	sadd.s32 $0x10, s14  }
0x38: {  	v1 =	vld.msk [tilespmem:s15+$0x0 ss:$0x1], $0xffff;
	_ =	sdelay $0x2  }
0x39: {  	v2 =	vshrl.u32 v0, $0x2  }
0x3a: {  	vm1 =	veq.s32 v0, $0x80000000;
	v0 =	vand.u32 $0x3, v0;
	v2 =	vand.u32 $0x1FFFF, v2  }
0x3b: {  	v0 =	vsel vm1, $0xFFFFFFFF, v0;
	v6 =	vshrl.u32 v1, $0x2;
	v2 =	vsel vm1, $0xFFFFFFFF, v2  }
0x3c: {  	v3 =	vshrl.u32 v0, $0x2;
	v0 =	vshll.u32 v0, $0x7;
	vm1 =	veq.s32 v1, $0x80000000  }
0x3d: {  	s15 =	sadd.s32 $0x10, s15;
	v1 =	vand.u32 $0x3, v1;
	v4 =	vshll.u32 v2, $0x2;
	v3 =	vmul.u32 $0x4DC00, v3  }
0x3e: {  	v0 =	vand.u32 $0x180, v0;
	v7 =	vand.u32 $0x7F, v2;
	v5 =	vand.u32 $0xFFFFFE00, v4;
	v4 =	vld.msk [tilespmem:s15+$0x0 ss:$0x1], $0xffff  }
0x3f: {  	v1 =	vsel vm1, $0xFFFFFFFF, v1;
	v2 =	vadd.s32 v3, v5;
	v3 =	vand.u32 $0x1FFFF, v6  }
0x40: {  	v3 =	vsel vm1, $0xFFFFFFFF, v3;
	v0 =	vor.u32 v0, v2;
	v2 =	vshrl.u32 v1, $0x2  }
0x41: {  	v1 =	vshll.u32 v1, $0x7;
	v5 =	vshll.u32 v3, $0x2;
	v8 =	vmul.u32 $0x4DC00, v2  }
0x42: {  	s18 =	simm.s32 $0x30;
	s14 =	sadd.s32 $0x960, s14;
	s17 =	sadd.s32 $0x10, s15;
	v2 =	vand.u32 $0x180, v1;
	v0 =	vor.u32 v7, v0;
	v5 =	vand.u32 $0xFFFFFE00, v5  }
0x43: {  	s16 =	smov.u32 s14;
	s15 =	smov.u32 s14;
	v1 =	vld.msk [tilespmem:s17+$0x0 ss:$0x1], $0xffff;
	v3 =	vand.u32 $0x7F, v3;
	(ifvalue) =	ssetifvalue $0x7FFFFFFF;
	v6 =	vshrl.u32 v4, $0x2;
	v5 =	vadd.s32 v8, v5  }
.LBB2_3:
0x44: {  	s18 =	sadd.s32 $0x10, s18  }
0x45: {  	vm1 =	veq.s32 v4, $0x80000000;
	v4 =	vand.u32 $0x3, v4;
	v6 =	vand.u32 $0x1FFFF, v6;
	s15 =	sadd.s32 $0x10, s15;
	p0 =	slt.u32 s18, $0x4A0  }
.Ltmp3:
0x46: {  	v5 =	vor.u32 v2, v5;
	v4 =	vsel vm1, $0xFFFFFFFF, v4;
	v7 =	vsel vm1, $0xFFFFFFFF, v6;
	(pc) =	sbr.rel @p0 .LBB2_3-.Ltmp3, $4  }
0x47: {  	v2 =	vshrl.u32 v4, $0x2;
	v6 =	vshll.u32 v7, $0x2;
	v4 =	vshll.u32 v4, $0x7;
	[tilespmem:s16], [sflag:$0x1] =	stream.indirect_vreg.gather [hbm4b:s2+s10], $0x1, v0, vm0, $0x4038;
	[tilespmem:$0x12C0] =	vst v63  }
0x48: {  	v0 =	vor.u32 v3, v5;
	s16 =	smov.u32 s15;
	v8 =	vmul.u32 $0x4DC00, v2;
	v2 =	vand.u32 $0x180, v4  }
0x49: {  	s17 =	sadd.s32 $0x10, s17;
	v9 =	vand.u32 $0xFFFFFE00, v6  }
0x4a: {  	v3 =	vand.u32 $0x7F, v7;
	v6 =	vshrl.u32 v1, $0x2;
	v5 =	vadd.s32 v8, v9;
	(ifvalue) =	ssetifvalue $0x7FFFFFFF;
	v4 =	vmovc v1;
	v1 =	vld.msk [tilespmem:s17+$0x0 ss:$0x1], $0xffff  }
.Ltmp4:
0x4b: {  	_ = 	snop;
	(pc) =	sbr.rel .LBB2_4-.Ltmp4, $1  }
0x4c: {  	_ =	sdelay $0x3  }
.LBB2_6:
0x4d: {  	_ =	sfence.sel $0x180000  }
0x4e: {  	s2 =	simm.s32 $0x2;
	[bflag:$0x0] =	sbarrier.arrive $0xFFFF  }
0x4f: {  	s30 =	simm.s32 $0x3;
	[sflag:s2] =	ssyncpa.u1 $0x1  }
0x50: {  	s31 =	simm.s32 $0x1;
	[sflag:s30] =	ssyncpa.u1 $0x1  }
0x51: {  	[sflag:s31] =	ssyncpa.u1 $0x1  }
0x52: {  	p0 =	sne.s32 s1, $0x0;
	_ =	strace $0x90000050  }
0x53: {  	s0 =	sadd.s32 @!p0 $0x100000, s0;
	[bflag:$0x2] =	sbarrier.arrive $0xFFFF  }
0x54: {  	[sflag:s0] =	ssyncadd.tile.s32 @!p0 $0x1;
	_ =	shalt  }
.Lfunc_end2:
_tile_overlayer_lowered:
.L_overlay_start_2:
0x55: {  	(tag) =	ssettag $0x2  }
0x56: {  	s0 =	rddreg [dreg:$0x0];
	s2 =	stileid.u32  }
0x57: {  	s1 =	rddreg [dreg:$0x1];
	p0 =	sne.s32 s2, $0x0  }
0x58: {  	s3 =	rddreg [dreg:$0x2];
	[bflag:$0x3] =	sbarrier.arrive $0xFFFF;
	s2 =	simm.s32 @!p0 $0x1C01  }
0x59: {  	[timem:s3], [sflag:s2] =	dma.local @!p0 [hbm:s0], s1  }
0x5a: {  	s0 =	simm.s32 @!p0 $0x1  }
0x5b: {  	_ =	swait.ge @!p0 [sflag:s0], s1  }
0x5c: {  	s1 =	ssub.s32 @!p0 $0x0, s1;
	[sflag:s0] =	ssyncset.done @!p0 $0x0  }
0x5d: {  	[sflag:s0] =	ssyncadd.s32 @!p0 s1  }
0x5e: {  	[bflag:$0x3] =	sbarrier.arrive $0xFFFF  }
0x5f: {  	_ =	shalt  }

// kernel: gather_offload_async_start
scs
__scs_entry_jumppad:
0x0: {  	(pc) =	sbr.rel $0x88, $3  }
0x1: {  	(tag) =	ssettag $0x0;
	lr =	simm.s32 $0x1  }
0x2: {  	[smem:$0x3F89] =	sst lr;
	_ =	strace $0xD0000000  }
0x3: {  	_ = 	snop  }
0x4: {  	_ = 	snop  }
0x5: {  	_ = 	snop  }
0x6: {  	_ = 	snop  }
0x7: {  	_ = 	snop  }
__scs_overlays_trampoline_lowered:
0x8: {  	[smem:$0x3F98] =	sst s0  }
0x9: {  	[smem:$0x3F99] =	sst s1  }
0xa: {  	[smem:$0x3F9A] =	sst s2  }
0xb: {  	[smem:$0x3F9B] =	sst s3  }
0xc: {  	[smem:$0x3F9C] =	sst s4  }
0xd: {  	[smem:$0x3F9D] =	sst s5  }
0xe: {  	[smem:$0x3F9E] =	sst s6  }
0xf: {  	[smem:$0x3F9F] =	sst s7  }
0x10: {  	[smem:$0x3FA0] =	sst s8  }
0x11: {  	[smem:$0x3FA1] =	sst s9;
	s0 =	simm.s32 @!p0 $0x0  }
0x12: {  	s1 =	sld [smem:$0x3F87];
	s0 =	simm.s32 @p0 $0x1  }
0x13: {  	[smem:$0x3FA2] =	sst s0;
	s0 =	simm.s32 @!p1 $0x0  }
0x14: {  	s2 =	sld [smem:$0x3F86];
	s0 =	simm.s32 @p1 $0x1  }
0x15: {  	[smem:$0x3FA3] =	sst s0;
	s0 =	simm.s32 @!p2 $0x0  }
0x16: {  	s3 =	sld [smem:$0x3FDB];
	s0 =	simm.s32 @p2 $0x1  }
0x17: {  	s4 =	simm.s32 $0x1BF5;
	[smem:$0x3FA5] =	sst s0  }
0x18: {  	s0 =	sld [smem:$0x3F88];
	_ =	swait.ge [sflag:s4], $0x0  }
0x19: {  	s7 =	sld [smem:$0x3F89]  }
0x1a: {  	s8 =	sadd.s32 $0xFFFFE003, lr  }
0x1b: {  	s9 =	sadd.s32 $0xFFFFFEF7, lr;
	s5 =	simm.s32 $0xFFFFFFFF;
	p2 =	slt.u32 s8, $0xFFFFF086  }
0x1c: {  	p1 =	slt.u32 s9, $0xF7A;
	s5 =	simm.s32 @!p2 $0x0  }
0x1d: {  	s5 =	simm.s32 @p1 $0x1;
	p0 =	seq.s32 s7, s2  }
0x1e: {  	s7 =	smul.u32 @!p0 $0xF7A, s2;
	p2 =	seq.s32 @!p0 s5, $0x0  }
0x1f: {  	s9 =	smul.u32 $0xF7A, s1;
	s8 =	simm.s32 @!p0 $0x1BF5;
	p2 =	por !p2, p0  }
0x20: {  	[sflag:s8] =	ssyncset.s32 @!p0 $0xFFFFF086;
	s6 =	sadd.s32 @!p0 s3, s7;
	s7 =	simm.s32 @!p0 $0x108  }
0x21: {  	s3 =	sadd.s32 s3, s9;
	s6 =	sadd.s32 @!p0 $0x88, s6;
	s7 =	simm.s32 @p2 $0x1082  }
0x22: {  	[simem:s7], [sflag:s8] =	dma.local @!p0 [hbm:s6], $0xF7A  }
0x23: {  	s9 =	sor.u32 $0xD0000000, s2;
	s6 =	simm.s32 $0x108;
	_ =	swait.ge @!p0 [sflag:s8], $0x0  }
0x24: {  	s3 =	sadd.s32 $0x88, s3;
	s6 =	simm.s32 @!p1 $0x1082;
	[sflag:s4] =	ssyncset.s32 $0xFFFFF086  }
0x25: {  	[simem:s6], [sflag:s4] =	dma.local [hbm:s3], $0xF7A  }
0x26: {  	[smem:$0x3F89] =	sst s1;
	(tag) =	ssettag s2;
	_ =	strace s9  }
0x27: {  	s1 =	sld [smem:$0x3F99]  }
0x28: {  	s2 =	sld [smem:$0x3F9A]  }
0x29: {  	s4 =	sld [smem:$0x3F9C]  }
0x2a: {  	p0 =	seq.s32 s5, $0x0;
	s5 =	sld [smem:$0x3F9D]  }
0x2b: {  	s6 =	sld [smem:$0x3F9E]  }
0x2c: {  	s7 =	sld [smem:$0x3F9F]  }
0x2d: {  	s3 =	simm.s32 $0x108;
	s8 =	sld [smem:$0x3FA0]  }
0x2e: {  	s3 =	simm.s32 @!p0 $0x1082;
	s9 =	sld [smem:$0x3FA1]  }
0x2f: {  	lr =	sadd.s32 s0, s3;
	s0 =	sld [smem:$0x3F98]  }
0x30: {  	s3 =	sld [smem:$0x3F9B]  }
0x31: {  	[smem:$0x3FA4] =	sst s10  }
0x32: {  	s10 =	sld [smem:$0x3FA2];
	_ =	sdelay $0x3  }
0x33: {  	p0 =	seq.s32 s10, $0x1;
	s10 =	sld [smem:$0x3FA4];
	_ =	sdelay $0x3  }
0x34: {  	[smem:$0x3FA4] =	sst s10  }
0x35: {  	s10 =	sld [smem:$0x3FA3];
	_ =	sdelay $0x3  }
0x36: {  	p1 =	seq.s32 s10, $0x1;
	s10 =	sld [smem:$0x3FA4];
	_ =	sdelay $0x3  }
0x37: {  	[smem:$0x3FA4] =	sst s10  }
0x38: {  	s10 =	sld [smem:$0x3FA5]  }
0x39: {  	_ = 	snop;
	(pc) =	sbr.ind lr, $3  }
0x3a: {  	_ = 	snop  }
0x3b: {  	_ = 	snop  }
0x3c: {  	p2 =	seq.s32 s10, $0x1;
	s10 =	sld [smem:$0x3FA4]  }
0x3d: {  	_ =	shalt  }
0x3e: {  	_ =	shalt  }
0x3f: {  	_ =	shalt  }
0x40: {  	_ =	shalt  }
0x41: {  	_ =	shalt  }
0x42: {  	_ =	shalt  }
0x43: {  	_ =	shalt  }
0x44: {  	_ =	shalt  }
0x45: {  	_ =	shalt  }
0x46: {  	_ =	shalt  }
0x47: {  	_ =	shalt  }
0x48: {  	_ =	shalt  }
0x49: {  	_ =	shalt  }
0x4a: {  	_ =	shalt  }
0x4b: {  	_ =	shalt  }
0x4c: {  	_ =	shalt  }
0x4d: {  	_ =	shalt  }
0x4e: {  	_ =	shalt  }
0x4f: {  	_ =	shalt  }
0x50: {  	_ =	shalt  }
0x51: {  	_ =	shalt  }
0x52: {  	_ =	shalt  }
0x53: {  	_ =	shalt  }
0x54: {  	_ =	shalt  }
0x55: {  	_ =	shalt  }
0x56: {  	_ =	shalt  }
0x57: {  	_ =	shalt  }
0x58: {  	_ =	shalt  }
0x59: {  	_ =	shalt  }
0x5a: {  	_ =	shalt  }
0x5b: {  	_ =	shalt  }
0x5c: {  	_ =	shalt  }
0x5d: {  	_ =	shalt  }
0x5e: {  	_ =	shalt  }
0x5f: {  	_ =	shalt  }
0x60: {  	_ =	shalt  }
0x61: {  	_ =	shalt  }
0x62: {  	_ =	shalt  }
0x63: {  	_ =	shalt  }
0x64: {  	_ =	shalt  }
0x65: {  	_ =	shalt  }
0x66: {  	_ =	shalt  }
0x67: {  	_ =	shalt  }
0x68: {  	_ =	shalt  }
0x69: {  	_ =	shalt  }
0x6a: {  	_ =	shalt  }
0x6b: {  	_ =	shalt  }
0x6c: {  	_ =	shalt  }
0x6d: {  	_ =	shalt  }
0x6e: {  	_ =	shalt  }
0x6f: {  	_ =	shalt  }
0x70: {  	_ =	shalt  }
0x71: {  	_ =	shalt  }
0x72: {  	_ =	shalt  }
0x73: {  	_ =	shalt  }
0x74: {  	_ =	shalt  }
0x75: {  	_ =	shalt  }
0x76: {  	_ =	shalt  }
0x77: {  	_ =	shalt  }
0x78: {  	_ =	shalt  }
0x79: {  	_ =	shalt  }
0x7a: {  	_ =	shalt  }
0x7b: {  	_ =	shalt  }
0x7c: {  	_ =	shalt  }
0x7d: {  	_ =	shalt  }
0x7e: {  	_ =	shalt  }
0x7f: {  	_ =	shalt  }
0x80: {  	_ =	shalt  }
0x81: {  	_ =	shalt  }
0x82: {  	_ =	shalt  }
0x83: {  	_ =	shalt  }
0x84: {  	_ =	shalt  }
0x85: {  	_ =	shalt  }
0x86: {  	_ =	shalt  }
0x87: {  	_ =	shalt  }
.Lfunc_end0:
.L_simem_size_0:
called_computation.2_lowered:
.L_overlay_start_0:
0x88: {  	s2 =	sld [smem:$0x3FD9]  }
0x89: {  	s3 =	sld [smem:$0x3FFE];
	_ =	sdelay $0x1  }
0x8a: {  	s1 =	srdreg.scid  }
0x8b: {  	s0 =	sand.u32 $0x1, s1  }
0x8c: {  	s16 =	sshll.u32 s0, $0xA;
	s2 =	sadd.s32 s3, s2  }
0x8d: {  	s2 =	sadd.s32 s2, s16  }
0x8e: {  	[smem:$0x3FB0] =	sst s2  }
0x8f: {  	_ = 	snop  }
0x90: {  	(tm) =	ssettm $0x1  }
0x91: {  	s17 =	sld [smem:$0x3FFB];
	_ =	sdelay $0x3  }
0x92: {  	_ =	strace s17  }
0x93: {  	s2 =	sld [smem:$0x3FFC];
	_ =	sdelay $0x3  }
0x94: {  	_ =	strace s2  }
0x95: {  	s2 =	sld [smem:$0x3FFD];
	_ =	sdelay $0x3  }
0x96: {  	_ =	strace s2  }
0x97: {  	_ =	strace $0x8FFFFFFF  }
0x98: {  	s18 =	sld [smem:$0x3FDB];
	_ =	sdelay $0x1  }
0x99: {  	s19 =	simm.s32 $_scs_section_size  }
0x9a: {  	s4 =	simm.s32 $_size__tile_overlayer_lowered;
	s5 =	simm.s32 $_tile_overlayer_lowered  }
0x9b: {  	s22 =	simm.s32 $0x1BFF;
	s21 =	sshll.u32 s5, $0x1;
	s2 =	sadd.s32 s19, s18  }
0x9c: {  	s6 =	simm.s32 $0x0;
	s20 =	sshll.u32 s4, $0x1;
	s4 =	sadd.s32 s21, s2  }
0x9d: {  	[timem:s6], [sflag:s22] =	dma.local [hbm:s4], s20  }
0x9e: {  	_ =	swait.ge [sflag:s22], s20  }
0x9f: {  	s3 =	ssub.s32 $0x0, s20;
	[sflag:s22] =	ssyncset.done $0x0  }
0xa0: {  	[sflag:s22] =	ssyncadd.s32 s3;
	_ =	sdelay $0x1  }
0xa1: {  	s23 =	simm.s32 $0x1B8B  }
0xa2: {  	_ =	swait.ge [sflag:s23], $0x1  }
0xa3: {  	[sflag:s23] =	ssyncset.done $0x0  }
0xa4: {  	s25 =	simm.s32 $0x1B8E;
	s24 =	sld [smem:$0x3FFE];
	[sflag:s23] =	ssyncadd.s32 $0xFFFFFFFF  }
0xa5: {  	s26 =	simm.s32 $execute0_lowered;
	[smem:$0x3FD2] =	sst s25  }
0xa6: {  	s4 =	sshll.u32 s26, $0x1;
	_ =	strace $0x8000004C;
	[dreg:$0x1] =	wrdreg $0xFFFFFFFF  }
0xa7: {  	s28 =	simm.s32 $_size_execute0_lowered;
	s2 =	sadd.s32 s2, s4;
	[dreg:$0x0] =	wrdreg $0x0  }
0xa8: {  	s4 =	sshll.u32 s28, $0x1;
	[dreg:$0x2] =	wrdreg s2  }
0xa9: {  	[dreg:$0x3] =	wrdreg s4  }
0xaa: {  	[dreg:$0x4] =	wrdreg $0xC0  }
0xab: {  	_ =	task [dreg:s6], $0x5FFFF  }
0xac: {  	[dreg:$0x1] =	wrdreg $0xFFFFFFFF  }
0xad: {  	[dreg:$0x0] =	wrdreg $0x60  }
0xae: {  	[dreg:$0x2] =	wrdreg s24  }
0xaf: {  	[dreg:$0x3] =	wrdreg $0x9  }
0xb0: {  	_ =	task.clear_ibuf [dreg:s6], $0x4FFFF;
	_ =	strace $0x9000004C  }
0xb1: {  	s29 =	simm.s32 $0x9;
	_ =	strace $0x8000004E  }
0xb2: {  	_ =	swait.ge [sflag:s29], $0x1  }
0xb3: {  	[sflag:s29] =	ssyncadd.s32 $0xFFFFFFFF  }
0xb4: {  	_ =	strace $0x9000004E  }
0xb5: {  	_ =	sfence  }
0xb6: {  	s30 =	sld [smem:$0x0];
	_ =	sdelay $0x2  }
0xb7: {  	s31 =	sshll.u32 s1, $0xD;
	s1 =	sshrl.u32 s1, $0x2  }
0xb8: {  	s3 =	sand.u32 $0x4000, s31;
	s1 =	sadd.s32 s1, s30  }
0xb9: {  	s0 =	sor.u32 s3, s0;
	s1 =	sshll.u32 s1, $0x11  }
0xba: {  	s0 =	sor.u32 s1, s0  }
0xbb: {  	s0 =	sadd.s32 $0x8F2B, s0  }
0xbc: {  	[sflag:s0] =	ssyncadd.remote.s32 $0x1  }
0xbd: {  	_ =	sfence.sel $0xFFFF  }
0xbe: {  	[dreg:$0x0] =	wrdreg $0xFFFFFFFF;
	(pc) =	sbr.abs _section_cstart, $3  }
0xbf: {  	[dreg:$0x1] =	wrdreg $0xFFFFFFFF  }
0xc0: {  	_ =	task.clear_ibuf [dreg:s6], $0x2FFFF;
	_ =	strace $0x9FFFFFFF  }
0xc1: {  	(tm) =	ssettm $0x7FFFFFFF  }
tec
execute0_lowered:
.L_overlay_start_1:
0x0: {  	(tag) =	ssettag $0x1  }
0x1: {  	s8 =	rddreg [dreg:$0x0];
	s1 =	stileid.u32  }
0x2: {  	s2 =	srdreg.scid;
	s0 =	rddreg [dreg:$0x1]  }
0x3: {  	_ =	strace $0x8000004D;
	s5 =	simm.s32 $0x1;
	s9 =	simm.s32 $0x1  }
0x4: {  	s10 =	simm.s32 $0x3;
	s2 =	sand.u32 $0x1, s2;
	s3 =	sshll.u32 s1, $0x1  }
0x5: {  	s13 =	simm.s32 $0x0;
	s12 =	simm.s32 $0x0;
	s6 =	sor.u32 s3, s2  }
0x6: {  	[sflag:s5] =	ssyncpa.u1 $0x0;
	s2 =	sadd.s32 $0xC1E00, s8;
	s4 =	smul.u32 $0x4B0, s6  }
0x7: {  	s3 =	sadd.s32 $0xCBA00, s8;
	p0 =	slt.u32 s6, $0x9;
	s6 =	simm.s32 $0x9600  }
.Ltmp0:
0x8: {  	s6 =	simm.s32 @!p0 $0x0;
	s7 =	ssub.s32 $0xBB80, s4;
	(pc) =	sbr.rel .LBB2_1-.Ltmp0, $4  }
0x9: {  	s9 =	simm.s32 @!p0 $0x0;
	p0 =	sne.s32 s7, s6;
	s7 =	simm.s32 $0x1  }
0xa: {  	s8 =	sadd.s32 $0xDC600, s8;
	s6 =	simm.s32 $0x2;
	s7 =	simm.s32 @!p0 $0x0  }
0xb: {  	s11 =	smov.u32 s4;
	[sflag:s6] =	ssyncpa.u1 $0x0;
	s7 =	sadd.s32 s9, s7  }
0xc: {  	vm0 =	vmmov $0xffff;
	[sflag:s10] =	ssyncpa.u1 $0x0;
	s10 =	simm.s32 $0x0;
	s9 =	sadd.s32 $0x1, s7  }
.LBB2_4:
0xd: {  	vm1 =	veq.s32 v4, $0x80000000;
	v56 =	vand.u32 $0x3, v4;
	v6 =	vand.u32 $0x1FFFF, v6  }
0xe: {  	v2 =	vor.u32 v2, v5;
	v59 =	vshrl.u32 v1, $0x2;
	v60 =	vand.u32 $0x3, v1  }
0xf: {  	v4 =	vsel vm1, $0xFFFFFFFF, v56;
	v6 =	vsel vm1, $0xFFFFFFFF, v6;
	v2 =	vor.u32 v3, v2  }
0x10: {  	vm1 =	veq.s32 v1, $0x80000000;
	v5 =	vand.u32 $0x1FFFF, v59;
	v7 =	vshrl.u32 v4, $0x2  }
0x11: {  	v57 =	vshll.u32 v6, $0x2;
	v4 =	vshll.u32 v4, $0x7;
	v1 =	vsel vm1, $0xFFFFFFFF, v60  }
0x12: {  	v5 =	vsel vm1, $0xFFFFFFFF, v5;
	v6 =	vand.u32 $0x7F, v6;
	v7 =	vmul.u32 $0x4DC00, v7  }
0x13: {  	v58 =	vand.u32 $0xFFFFFE00, v57;
	v4 =	vand.u32 $0x180, v4;
	v61 =	vshrl.u32 v1, $0x2  }
0x14: {  	v62 =	vshll.u32 v5, $0x2;
	v3 =	vadd.s32 v7, v58;
	v7 =	vmul.u32 $0x4DC00, v61  }
0x15: {  	v1 =	vshll.u32 v1, $0x7;
	v3 =	vor.u32 v4, v3;
	v4 =	vand.u32 $0xFFFFFE00, v62  }
0x16: {  	v1 =	vand.u32 $0x180, v1;
	v3 =	vor.u32 v6, v3;
	v4 =	vadd.s32 v7, v4  }
0x17: {  	[tilespmem:s16], [sflag:$0x1] =	stream.indirect_vreg.gather [hbm4b:s2+s10], $0x1, v0, vm0, $0x4038;
	v63 =	vand.u32 $0x7F, v5;
	v1 =	vor.u32 v1, v4;
	[tilespmem:$0x12C0] =	vst v63  }
0x18: {  	s15 =	sadd.s32 $0x10, s15;
	(ifvalue) =	ssetifvalue $0x7FFFFFFF;
	v0 =	vor.u32 v63, v1  }
0x19: {  	[tilespmem:s15], [sflag:$0x1] =	stream.indirect_vreg.gather [hbm4b:s2+s10], $0x1, v2, vm0, $0x4038;
	[tilespmem:$0x12C0] =	vst v63  }
0x1a: {  	s15 =	sadd.s32 $0x10, s15;
	(ifvalue) =	ssetifvalue $0x7FFFFFFF  }
0x1b: {  	[tilespmem:s15], [sflag:$0x1] =	stream.indirect_vreg.gather [hbm4b:s2+s10], $0x1, v3, vm0, $0x4038;
	[tilespmem:$0x12C0] =	vst v63  }
0x1c: {  	s15 =	sadd.s32 $0x10, s15;
	(ifvalue) =	ssetifvalue $0x7FFFFFFF  }
0x1d: {  	[tilespmem:s15], [sflag:$0x1] =	stream.indirect_vreg.gather [hbm4b:s2+s10], $0x1, v0, vm0, $0x4038;
	[tilespmem:$0x12C0] =	vst v63  }
0x1e: {  	_ =	swait.ge [sflag:s5], $0x4B0  }
0x1f: {  	s30 =	sshrl.u32 s13, $0x3;
	[sflag:s5] =	ssyncset.done $0x0  }
0x20: {  	s31 =	sand.u32 $0x7, s13;
	s15 =	sadd.s32 s8, s30;
	[sflag:s5] =	ssyncadd.s32 $0xFFFFFB50  }
0x21: {  	[hbm4b:s15+s31] =	stream.linear.scatter [tilespmem:s14], [sflag:$0x3], $0x4B0, $0x38;
	[tilespmem:$0x12C0] =	vst v63  }
.LBB2_5:
0x22: {  	s15 =	sadd.s32 $0x9600, s11  }
0x23: {  	p1 =	sgt.s32 s15, $0xBB7F  }
0x24: {  	s15 =	smov.u32 @p1 s4;
	p1 =	sne.s32 s12, s9  }
.Ltmp1:
0x25: {  	p0 =	slt.u32 s12, $0x2;
	(pc) =	sbr.rel @!p1 .LBB2_6-.Ltmp1, $4  }
0x26: {  	s14 =	simm.s32 @!p0 $0x3  }
0x27: {  	_ =	swait.ge @!p0 [sflag:s14], $0x4B0  }
0x28: {  	s16 =	sadd.s32 $0x1, s12;
	s13 =	smov.u32 s11;
	[sflag:s14] =	ssyncset.done @!p0 $0x0  }
0x29: {  	s12 =	smov.u32 s16;
	s11 =	smov.u32 s15;
	[sflag:s14] =	ssyncadd.s32 @!p0 $0xFFFFFB50  }
.LBB2_1:
0x2a: {  	p0 =	sge.u32 s12, s7  }
0x2b: {  	s14 =	sxor.u32 @!p0 $0x1, s12  }
0x2c: {  	s14 =	smul.u32 @!p0 $0x12C0, s14  }
0x2d: {  	s31 =	sadd.s32 $0xFFFFFFFF, s12;
	s15 =	sshrl.u32 @!p0 s11, $0x3  }
0x2e: {  	s16 =	sand.u32 @!p0 $0x7, s11;
	s15 =	sadd.s32 @!p0 s3, s15;
	s14 =	sshra.s32 @!p0 s14, $0x2  }
0x2f: {  	[tilespmem:s14], [sflag:$0x2] =	stream.linear.gather @!p0 [hbm4b:s15+s16], $0x4B0, $0x38;
	[tilespmem:$0x12C0] =	vst v63  }
0x30: {  	p0 =	sge.u32 s31, s7  }
.Ltmp2:
0x31: {  	_ = 	snop;
	(pc) =	sbr.rel @p0 .LBB2_5-.Ltmp2, $1  }
0x32: {  	_ =	sdelay $0x3  }
0x33: {  	s14 =	sand.u32 $0x1, s12  }
0x34: {  	_ =	swait.ge [sflag:s6], $0x4B0;
	p0 =	seq.s32 s14, $0x1;
	s14 =	simm.s32 $0x4B0  }
0x35: {  	[sflag:s6] =	ssyncset.done $0x0;
	s14 =	simm.s32 @!p0 $0x0  }
0x36: {  	[sflag:s6] =	ssyncadd.s32 $0xFFFFFB50;
	(ifvalue) =	ssetifvalue $0x7FFFFFFF;
	v0 =	vld.msk [tilespmem:s14+$0x0 ss:$0x1], $0xffff  }
0x37: {  	s15 =	sadd.s32 $0x10, s14  }
0x38: {  	v1 =	vld.msk [tilespmem:s15+$0x0 ss:$0x1], $0xffff;
	_ =	sdelay $0x2  }
0x39: {  	v2 =	vshrl.u32 v0, $0x2  }
0x3a: {  	vm1 =	veq.s32 v0, $0x80000000;
	v0 =	vand.u32 $0x3, v0;
	v2 =	vand.u32 $0x1FFFF, v2  }
0x3b: {  	v0 =	vsel vm1, $0xFFFFFFFF, v0;
	v6 =	vshrl.u32 v1, $0x2;
	v2 =	vsel vm1, $0xFFFFFFFF, v2  }
0x3c: {  	v3 =	vshrl.u32 v0, $0x2;
	v0 =	vshll.u32 v0, $0x7;
	vm1 =	veq.s32 v1, $0x80000000  }
0x3d: {  	s15 =	sadd.s32 $0x10, s15;
	v1 =	vand.u32 $0x3, v1;
	v4 =	vshll.u32 v2, $0x2;
	v3 =	vmul.u32 $0x4DC00, v3  }
0x3e: {  	v0 =	vand.u32 $0x180, v0;
	v7 =	vand.u32 $0x7F, v2;
	v5 =	vand.u32 $0xFFFFFE00, v4;
	v4 =	vld.msk [tilespmem:s15+$0x0 ss:$0x1], $0xffff  }
0x3f: {  	v1 =	vsel vm1, $0xFFFFFFFF, v1;
	v2 =	vadd.s32 v3, v5;
	v3 =	vand.u32 $0x1FFFF, v6  }
0x40: {  	v3 =	vsel vm1, $0xFFFFFFFF, v3;
	v0 =	vor.u32 v0, v2;
	v2 =	vshrl.u32 v1, $0x2  }
0x41: {  	v1 =	vshll.u32 v1, $0x7;
	v5 =	vshll.u32 v3, $0x2;
	v8 =	vmul.u32 $0x4DC00, v2  }
0x42: {  	s18 =	simm.s32 $0x30;
	s14 =	sadd.s32 $0x960, s14;
	s17 =	sadd.s32 $0x10, s15;
	v2 =	vand.u32 $0x180, v1;
	v0 =	vor.u32 v7, v0;
	v5 =	vand.u32 $0xFFFFFE00, v5  }
0x43: {  	s16 =	smov.u32 s14;
	s15 =	smov.u32 s14;
	v1 =	vld.msk [tilespmem:s17+$0x0 ss:$0x1], $0xffff;
	v3 =	vand.u32 $0x7F, v3;
	(ifvalue) =	ssetifvalue $0x7FFFFFFF;
	v6 =	vshrl.u32 v4, $0x2;
	v5 =	vadd.s32 v8, v5  }
.LBB2_3:
0x44: {  	s18 =	sadd.s32 $0x10, s18  }
0x45: {  	vm1 =	veq.s32 v4, $0x80000000;
	v4 =	vand.u32 $0x3, v4;
	v6 =	vand.u32 $0x1FFFF, v6;
	s15 =	sadd.s32 $0x10, s15;
	p0 =	slt.u32 s18, $0x4A0  }
.Ltmp3:
0x46: {  	v5 =	vor.u32 v2, v5;
	v4 =	vsel vm1, $0xFFFFFFFF, v4;
	v7 =	vsel vm1, $0xFFFFFFFF, v6;
	(pc) =	sbr.rel @p0 .LBB2_3-.Ltmp3, $4  }
0x47: {  	v2 =	vshrl.u32 v4, $0x2;
	v6 =	vshll.u32 v7, $0x2;
	v4 =	vshll.u32 v4, $0x7;
	[tilespmem:s16], [sflag:$0x1] =	stream.indirect_vreg.gather [hbm4b:s2+s10], $0x1, v0, vm0, $0x4038;
	[tilespmem:$0x12C0] =	vst v63  }
0x48: {  	v0 =	vor.u32 v3, v5;
	s16 =	smov.u32 s15;
	v8 =	vmul.u32 $0x4DC00, v2;
	v2 =	vand.u32 $0x180, v4  }
0x49: {  	s17 =	sadd.s32 $0x10, s17;
	v9 =	vand.u32 $0xFFFFFE00, v6  }
0x4a: {  	v3 =	vand.u32 $0x7F, v7;
	v6 =	vshrl.u32 v1, $0x2;
	v5 =	vadd.s32 v8, v9;
	(ifvalue) =	ssetifvalue $0x7FFFFFFF;
	v4 =	vmovc v1;
	v1 =	vld.msk [tilespmem:s17+$0x0 ss:$0x1], $0xffff  }
.Ltmp4:
0x4b: {  	_ = 	snop;
	(pc) =	sbr.rel .LBB2_4-.Ltmp4, $1  }
0x4c: {  	_ =	sdelay $0x3  }
.LBB2_6:
0x4d: {  	_ =	sfence.sel $0x180000  }
0x4e: {  	s2 =	simm.s32 $0x2;
	[bflag:$0x0] =	sbarrier.arrive $0xFFFF  }
0x4f: {  	s30 =	simm.s32 $0x3;
	[sflag:s2] =	ssyncpa.u1 $0x1  }
0x50: {  	s31 =	simm.s32 $0x1;
	[sflag:s30] =	ssyncpa.u1 $0x1  }
0x51: {  	[sflag:s31] =	ssyncpa.u1 $0x1  }
0x52: {  	p0 =	sne.s32 s1, $0x0;
	_ =	strace $0x9000004D  }
0x53: {  	s0 =	sadd.s32 @!p0 $0x100000, s0;
	[bflag:$0x2] =	sbarrier.arrive $0xFFFF  }
0x54: {  	[sflag:s0] =	ssyncadd.tile.s32 @!p0 $0x1;
	_ =	shalt  }
.Lfunc_end2:
_tile_overlayer_lowered:
.L_overlay_start_2:
0x55: {  	(tag) =	ssettag $0x2  }
0x56: {  	s0 =	rddreg [dreg:$0x0];
	s2 =	stileid.u32  }
0x57: {  	s1 =	rddreg [dreg:$0x1];
	p0 =	sne.s32 s2, $0x0  }
0x58: {  	s3 =	rddreg [dreg:$0x2];
	[bflag:$0x3] =	sbarrier.arrive $0xFFFF;
	s2 =	simm.s32 @!p0 $0x1C01  }
0x59: {  	[timem:s3], [sflag:s2] =	dma.local @!p0 [hbm:s0], s1  }
0x5a: {  	s0 =	simm.s32 @!p0 $0x1  }
0x5b: {  	_ =	swait.ge @!p0 [sflag:s0], s1  }
0x5c: {  	s1 =	ssub.s32 @!p0 $0x0, s1;
	[sflag:s0] =	ssyncset.done @!p0 $0x0  }
0x5d: {  	[sflag:s0] =	ssyncadd.s32 @!p0 s1  }
0x5e: {  	[bflag:$0x3] =	sbarrier.arrive $0xFFFF  }
0x5f: {  	_ =	shalt  }

// kernel: kernel.12.cloned.1.call-start
scs
__scs_entry_jumppad:
0x0: {  	(pc) =	sbr.rel $0x88, $3  }
0x1: {  	(tag) =	ssettag $0x0;
	lr =	simm.s32 $0x1  }
0x2: {  	[smem:$0x3F89] =	sst lr;
	_ =	strace $0xD0000000  }
0x3: {  	_ = 	snop  }
0x4: {  	_ = 	snop  }
0x5: {  	_ = 	snop  }
0x6: {  	_ = 	snop  }
0x7: {  	_ = 	snop  }
__scs_overlays_trampoline_lowered:
0x8: {  	[smem:$0x3F98] =	sst s0  }
0x9: {  	[smem:$0x3F99] =	sst s1  }
0xa: {  	[smem:$0x3F9A] =	sst s2  }
0xb: {  	[smem:$0x3F9B] =	sst s3  }
0xc: {  	[smem:$0x3F9C] =	sst s4  }
0xd: {  	[smem:$0x3F9D] =	sst s5  }
0xe: {  	[smem:$0x3F9E] =	sst s6  }
0xf: {  	[smem:$0x3F9F] =	sst s7  }
0x10: {  	[smem:$0x3FA0] =	sst s8  }
0x11: {  	[smem:$0x3FA1] =	sst s9;
	s0 =	simm.s32 @!p0 $0x0  }
0x12: {  	s1 =	sld [smem:$0x3F87];
	s0 =	simm.s32 @p0 $0x1  }
0x13: {  	[smem:$0x3FA2] =	sst s0;
	s0 =	simm.s32 @!p1 $0x0  }
0x14: {  	s2 =	sld [smem:$0x3F86];
	s0 =	simm.s32 @p1 $0x1  }
0x15: {  	[smem:$0x3FA3] =	sst s0;
	s0 =	simm.s32 @!p2 $0x0  }
0x16: {  	s3 =	sld [smem:$0x3FDB];
	s0 =	simm.s32 @p2 $0x1  }
0x17: {  	s4 =	simm.s32 $0x1BF5;
	[smem:$0x3FA5] =	sst s0  }
0x18: {  	s0 =	sld [smem:$0x3F88];
	_ =	swait.ge [sflag:s4], $0x0  }
0x19: {  	s7 =	sld [smem:$0x3F89]  }
0x1a: {  	s8 =	sadd.s32 $0xFFFFE003, lr  }
0x1b: {  	s9 =	sadd.s32 $0xFFFFFEF7, lr;
	s5 =	simm.s32 $0xFFFFFFFF;
	p2 =	slt.u32 s8, $0xFFFFF086  }
0x1c: {  	p1 =	slt.u32 s9, $0xF7A;
	s5 =	simm.s32 @!p2 $0x0  }
0x1d: {  	s5 =	simm.s32 @p1 $0x1;
	p0 =	seq.s32 s7, s2  }
0x1e: {  	s7 =	smul.u32 @!p0 $0xF7A, s2;
	p2 =	seq.s32 @!p0 s5, $0x0  }
0x1f: {  	s9 =	smul.u32 $0xF7A, s1;
	s8 =	simm.s32 @!p0 $0x1BF5;
	p2 =	por !p2, p0  }
0x20: {  	[sflag:s8] =	ssyncset.s32 @!p0 $0xFFFFF086;
	s6 =	sadd.s32 @!p0 s3, s7;
	s7 =	simm.s32 @!p0 $0x108  }
0x21: {  	s3 =	sadd.s32 s3, s9;
	s6 =	sadd.s32 @!p0 $0x88, s6;
	s7 =	simm.s32 @p2 $0x1082  }
0x22: {  	[simem:s7], [sflag:s8] =	dma.local @!p0 [hbm:s6], $0xF7A  }
0x23: {  	s9 =	sor.u32 $0xD0000000, s2;
	s6 =	simm.s32 $0x108;
	_ =	swait.ge @!p0 [sflag:s8], $0x0  }
0x24: {  	s3 =	sadd.s32 $0x88, s3;
	s6 =	simm.s32 @!p1 $0x1082;
	[sflag:s4] =	ssyncset.s32 $0xFFFFF086  }
0x25: {  	[simem:s6], [sflag:s4] =	dma.local [hbm:s3], $0xF7A  }
0x26: {  	[smem:$0x3F89] =	sst s1;
	(tag) =	ssettag s2;
	_ =	strace s9  }
0x27: {  	s1 =	sld [smem:$0x3F99]  }
0x28: {  	s2 =	sld [smem:$0x3F9A]  }
0x29: {  	s4 =	sld [smem:$0x3F9C]  }
0x2a: {  	p0 =	seq.s32 s5, $0x0;
	s5 =	sld [smem:$0x3F9D]  }
0x2b: {  	s6 =	sld [smem:$0x3F9E]  }
0x2c: {  	s7 =	sld [smem:$0x3F9F]  }
0x2d: {  	s3 =	simm.s32 $0x108;
	s8 =	sld [smem:$0x3FA0]  }
0x2e: {  	s3 =	simm.s32 @!p0 $0x1082;
	s9 =	sld [smem:$0x3FA1]  }
0x2f: {  	lr =	sadd.s32 s0, s3;
	s0 =	sld [smem:$0x3F98]  }
0x30: {  	s3 =	sld [smem:$0x3F9B]  }
0x31: {  	[smem:$0x3FA4] =	sst s10  }
0x32: {  	s10 =	sld [smem:$0x3FA2];
	_ =	sdelay $0x3  }
0x33: {  	p0 =	seq.s32 s10, $0x1;
	s10 =	sld [smem:$0x3FA4];
	_ =	sdelay $0x3  }
0x34: {  	[smem:$0x3FA4] =	sst s10  }
0x35: {  	s10 =	sld [smem:$0x3FA3];
	_ =	sdelay $0x3  }
0x36: {  	p1 =	seq.s32 s10, $0x1;
	s10 =	sld [smem:$0x3FA4];
	_ =	sdelay $0x3  }
0x37: {  	[smem:$0x3FA4] =	sst s10  }
0x38: {  	s10 =	sld [smem:$0x3FA5]  }
0x39: {  	_ = 	snop;
	(pc) =	sbr.ind lr, $3  }
0x3a: {  	_ = 	snop  }
0x3b: {  	_ = 	snop  }
0x3c: {  	p2 =	seq.s32 s10, $0x1;
	s10 =	sld [smem:$0x3FA4]  }
0x3d: {  	_ =	shalt  }
0x3e: {  	_ =	shalt  }
0x3f: {  	_ =	shalt  }
0x40: {  	_ =	shalt  }
0x41: {  	_ =	shalt  }
0x42: {  	_ =	shalt  }
0x43: {  	_ =	shalt  }
0x44: {  	_ =	shalt  }
0x45: {  	_ =	shalt  }
0x46: {  	_ =	shalt  }
0x47: {  	_ =	shalt  }
0x48: {  	_ =	shalt  }
0x49: {  	_ =	shalt  }
0x4a: {  	_ =	shalt  }
0x4b: {  	_ =	shalt  }
0x4c: {  	_ =	shalt  }
0x4d: {  	_ =	shalt  }
0x4e: {  	_ =	shalt  }
0x4f: {  	_ =	shalt  }
0x50: {  	_ =	shalt  }
0x51: {  	_ =	shalt  }
0x52: {  	_ =	shalt  }
0x53: {  	_ =	shalt  }
0x54: {  	_ =	shalt  }
0x55: {  	_ =	shalt  }
0x56: {  	_ =	shalt  }
0x57: {  	_ =	shalt  }
0x58: {  	_ =	shalt  }
0x59: {  	_ =	shalt  }
0x5a: {  	_ =	shalt  }
0x5b: {  	_ =	shalt  }
0x5c: {  	_ =	shalt  }
0x5d: {  	_ =	shalt  }
0x5e: {  	_ =	shalt  }
0x5f: {  	_ =	shalt  }
0x60: {  	_ =	shalt  }
0x61: {  	_ =	shalt  }
0x62: {  	_ =	shalt  }
0x63: {  	_ =	shalt  }
0x64: {  	_ =	shalt  }
0x65: {  	_ =	shalt  }
0x66: {  	_ =	shalt  }
0x67: {  	_ =	shalt  }
0x68: {  	_ =	shalt  }
0x69: {  	_ =	shalt  }
0x6a: {  	_ =	shalt  }
0x6b: {  	_ =	shalt  }
0x6c: {  	_ =	shalt  }
0x6d: {  	_ =	shalt  }
0x6e: {  	_ =	shalt  }
0x6f: {  	_ =	shalt  }
0x70: {  	_ =	shalt  }
0x71: {  	_ =	shalt  }
0x72: {  	_ =	shalt  }
0x73: {  	_ =	shalt  }
0x74: {  	_ =	shalt  }
0x75: {  	_ =	shalt  }
0x76: {  	_ =	shalt  }
0x77: {  	_ =	shalt  }
0x78: {  	_ =	shalt  }
0x79: {  	_ =	shalt  }
0x7a: {  	_ =	shalt  }
0x7b: {  	_ =	shalt  }
0x7c: {  	_ =	shalt  }
0x7d: {  	_ =	shalt  }
0x7e: {  	_ =	shalt  }
0x7f: {  	_ =	shalt  }
0x80: {  	_ =	shalt  }
0x81: {  	_ =	shalt  }
0x82: {  	_ =	shalt  }
0x83: {  	_ =	shalt  }
0x84: {  	_ =	shalt  }
0x85: {  	_ =	shalt  }
0x86: {  	_ =	shalt  }
0x87: {  	_ =	shalt  }
.Lfunc_end0:
.L_simem_size_0:
called_computation.4_lowered:
.L_overlay_start_0:
0x88: {  	s2 =	sld [smem:$0x3FD9]  }
0x89: {  	s3 =	sld [smem:$0x3FFE];
	_ =	sdelay $0x1  }
0x8a: {  	s1 =	srdreg.scid  }
0x8b: {  	s0 =	sand.u32 $0x1, s1  }
0x8c: {  	s16 =	sshll.u32 s0, $0xA;
	s2 =	sadd.s32 s3, s2  }
0x8d: {  	s2 =	sadd.s32 s2, s16  }
0x8e: {  	[smem:$0x3FB0] =	sst s2  }
0x8f: {  	_ = 	snop  }
0x90: {  	(tm) =	ssettm $0x1  }
0x91: {  	s17 =	sld [smem:$0x3FFB];
	_ =	sdelay $0x3  }
0x92: {  	_ =	strace s17  }
0x93: {  	s2 =	sld [smem:$0x3FFC];
	_ =	sdelay $0x3  }
0x94: {  	_ =	strace s2  }
0x95: {  	s2 =	sld [smem:$0x3FFD];
	_ =	sdelay $0x3  }
0x96: {  	_ =	strace s2  }
0x97: {  	_ =	strace $0x8FFFFFFF  }
0x98: {  	s18 =	sld [smem:$0x3FDB];
	_ =	sdelay $0x1  }
0x99: {  	s19 =	simm.s32 $_scs_section_size  }
0x9a: {  	s4 =	simm.s32 $_size__tile_overlayer_lowered;
	s5 =	simm.s32 $_tile_overlayer_lowered  }
0x9b: {  	s22 =	simm.s32 $0x1BFF;
	s21 =	sshll.u32 s5, $0x1;
	s2 =	sadd.s32 s19, s18  }
0x9c: {  	s6 =	simm.s32 $0x0;
	s20 =	sshll.u32 s4, $0x1;
	s4 =	sadd.s32 s21, s2  }
0x9d: {  	[timem:s6], [sflag:s22] =	dma.local [hbm:s4], s20  }
0x9e: {  	_ =	swait.ge [sflag:s22], s20  }
0x9f: {  	s3 =	ssub.s32 $0x0, s20;
	[sflag:s22] =	ssyncset.done $0x0  }
0xa0: {  	[sflag:s22] =	ssyncadd.s32 s3;
	_ =	sdelay $0x1  }
0xa1: {  	s23 =	simm.s32 $0x1B8B  }
0xa2: {  	_ =	swait.ge [sflag:s23], $0x1  }
0xa3: {  	[sflag:s23] =	ssyncset.done $0x0  }
0xa4: {  	s25 =	simm.s32 $0x1B8E;
	s24 =	sld [smem:$0x3FFE];
	[sflag:s23] =	ssyncadd.s32 $0xFFFFFFFF  }
0xa5: {  	s26 =	simm.s32 $execute0_lowered;
	[smem:$0x3FD2] =	sst s25  }
0xa6: {  	s4 =	sshll.u32 s26, $0x1;
	_ =	strace $0x80000052;
	[dreg:$0x1] =	wrdreg $0xFFFFFFFF  }
0xa7: {  	s28 =	simm.s32 $_size_execute0_lowered;
	s2 =	sadd.s32 s2, s4;
	[dreg:$0x0] =	wrdreg $0x0  }
0xa8: {  	s4 =	sshll.u32 s28, $0x1;
	[dreg:$0x2] =	wrdreg s2  }
0xa9: {  	[dreg:$0x3] =	wrdreg s4  }
0xaa: {  	[dreg:$0x4] =	wrdreg $0xC0  }
0xab: {  	_ =	task [dreg:s6], $0x5FFFF  }
0xac: {  	[dreg:$0x1] =	wrdreg $0xFFFFFFFF  }
0xad: {  	[dreg:$0x0] =	wrdreg $0x60  }
0xae: {  	[dreg:$0x2] =	wrdreg s24  }
0xaf: {  	[dreg:$0x3] =	wrdreg $0x9  }
0xb0: {  	_ =	task.clear_ibuf [dreg:s6], $0x4FFFF;
	_ =	strace $0x90000052  }
0xb1: {  	s29 =	simm.s32 $0x9;
	_ =	strace $0x80000054  }
0xb2: {  	_ =	swait.ge [sflag:s29], $0x1  }
0xb3: {  	[sflag:s29] =	ssyncadd.s32 $0xFFFFFFFF  }
0xb4: {  	_ =	strace $0x90000054  }
0xb5: {  	_ =	sfence  }
0xb6: {  	s30 =	sld [smem:$0x0];
	_ =	sdelay $0x2  }
0xb7: {  	s31 =	sshll.u32 s1, $0xD;
	s1 =	sshrl.u32 s1, $0x2  }
0xb8: {  	s3 =	sand.u32 $0x4000, s31;
	s1 =	sadd.s32 s1, s30  }
0xb9: {  	s0 =	sor.u32 s3, s0;
	s1 =	sshll.u32 s1, $0x11  }
0xba: {  	s0 =	sor.u32 s1, s0  }
0xbb: {  	s0 =	sadd.s32 $0x8F2B, s0  }
0xbc: {  	[sflag:s0] =	ssyncadd.remote.s32 $0x1  }
0xbd: {  	_ =	sfence.sel $0xFFFF  }
0xbe: {  	[dreg:$0x0] =	wrdreg $0xFFFFFFFF;
	(pc) =	sbr.abs _section_cstart, $3  }
0xbf: {  	[dreg:$0x1] =	wrdreg $0xFFFFFFFF  }
0xc0: {  	_ =	task.clear_ibuf [dreg:s6], $0x2FFFF;
	_ =	strace $0x9FFFFFFF  }
0xc1: {  	(tm) =	ssettm $0x7FFFFFFF  }
tec
execute0_lowered:
.L_overlay_start_1:
0x0: {  	(tag) =	ssettag $0x1  }
0x1: {  	s4 =	rddreg [dreg:$0x0]  }
0x2: {  	s1 =	stileid.u32;
	s0 =	rddreg [dreg:$0x1];
	s2 =	simm.s32 $0x0  }
0x3: {  	s7 =	srdreg.scid;
	s17 =	simm.s32 $0x60;
	s18 =	simm.s32 $0x2  }
0x4: {  	s19 =	simm.s32 $0x0;
	s5 =	sshrl.u32 s1, $0x2;
	[smem:$0x7FF] =	sst s2  }
0x5: {  	s9 =	sadd.s32 $0xDF600, s4;
	s10 =	sadd.s32 $0x5D4600, s4;
	s3 =	smul.u32 $0x2EE00, s5  }
0x6: {  	s13 =	sand.u32 $0x1, s7;
	_ =	strace $0x80000053;
	s30 =	smul.u32 $0x9EA000, s5  }
0x7: {  	s11 =	sand.u32 $0x3, s1;
	s6 =	sshll.u32 s5, $0xB;
	s14 =	smul.u32 $0x13D400, s5  }
0x8: {  	s29 =	ssub.s32 $0x2, s13;
	p0 =	seq.s32 s13, $0x1;
	s15 =	smul.u32 $0x27A800, s11  }
0x9: {  	p1 =	seq.s32 s11, $0x0;
	s16 =	sor.u32 s13, s11;
	p2 =	sne.s32 s13, $0x0  }
0xa: {  	s13 =	simm.s32 $0x3;
	s6 =	sadd.s32 s6, s4;
	s8 =	sshrl.u32 s29, $0x1  }
0xb: {  	p1 =	por !p1, !p0;
	p3 =	sne.s32 s16, $0x0;
	s16 =	simm.s32 $0x11800  }
0xc: {  	s12 =	sadd.s32 s3, s4;
	s3 =	sadd.s32 $0xC5E00, s4;
	s8 =	ssub.s32 s29, s8  }
.Ltmp0:
0xd: {  	s4 =	sadd.s32 $0xC3E00, s6;
	s5 =	sadd.s32 s9, s14;
	(pc) =	sbr.rel .LBB2_1-.Ltmp0, $4  }
0xe: {  	s7 =	sadd.s32 s15, s30;
	p1 =	por !p1, !p1;
	s6 =	sadd.s32 $0xC1E00, s6  }
0xf: {  	s15 =	simm.s32 $0xD800;
	s31 =	sshrl.u32 s7, $0x3;
	s7 =	sadd.s32 s10, s14  }
0x10: {  	s8 =	smax.u32 s8, $0x1;
	s11 =	sadd.s32 $0x2EEB600, s12;
	s12 =	sadd.s32 $0x3200, s12  }
0x11: {  	s14 =	simm.s32 $0x1;
	s9 =	sadd.s32 s31, s9;
	s10 =	sadd.s32 s31, s10  }
.LBB2_16:
0x12: {  	[sflag:s18] =	ssyncadd.s32 $0xFFFFD000  }
.LBB2_17:
0x13: {  	s19 =	sadd.s32 $0x1, s19  }
0x14: {  	p4 =	sne.s32 s19, s8  }
.Ltmp1:
0x15: {  	_ = 	snop;
	(pc) =	sbr.rel @!p4 .LBB2_18-.Ltmp1, $1  }
0x16: {  	_ =	sdelay $0x3  }
.LBB2_1:
.Ltmp2:
0x17: {  	(pc) =	sbr.rel @p2 .LBB2_5-.Ltmp2, $4  }
0x18: {  	[tilespmem:s2], [sflag:$0x3] =	stream.linear.gather [hbm4b:s3+s2], $0xD800, $0x38;
	[tilespmem:$0x14800] =	vst v63  }
0x19: {  	_ =	swait.ge [sflag:s13], $0xD800  }
0x1a: {  	[sflag:s13] =	ssyncset.done $0x0  }
0x1b: {  	[sflag:s13] =	ssyncadd.s32 $0xFFFF2800  }
0x1c: {  	s20 =	sadd.s32 s2, s9  }
0x1d: {  	[hbm4b:s20+s2] =	stream.linear.scatter [tilespmem:s2], [sflag:$0x1], $0xD800, $0x38;
	[tilespmem:$0x14800] =	vst v63  }
0x1e: {  	_ =	swait.ge [sflag:s14], $0xD800  }
0x1f: {  	s20 =	sadd.s32 $0x1B00, s2;
	[sflag:s14] =	ssyncset.done $0x0  }
.LBB2_3:
0x20: {  	s21 =	sadd.s32 s20, s9;
	[sflag:s14] =	ssyncadd.s32 $0xFFFF2800;
	p4 =	sne.s32 s20, $0x4DA00  }
0x21: {  	[hbm4b:s21+s2] =	stream.linear.scatter [tilespmem:s2], [sflag:$0x1], $0xD800, $0x38;
	[tilespmem:$0x14800] =	vst v63  }
.Ltmp3:
0x22: {  	_ = 	snop;
	(pc) =	sbr.rel @p4 .LBB2_3-.Ltmp3, $4  }
0x23: {  	_ = 	snop  }
0x24: {  	s20 =	sadd.s32 $0x1B00, s20  }
0x25: {  	_ =	swait.ge [sflag:s14], $0xD800  }
0x26: {  	[sflag:s14] =	ssyncset.done $0x0  }
0x27: {  	[sflag:s14] =	ssyncadd.s32 $0xFFFF2800  }
.LBB2_5:
.Ltmp4:
0x28: {  	(pc) =	sbr.rel @!p0 .LBB2_9-.Ltmp4, $2  }
0x29: {  	_ =	sdelay $0x2  }
0x2a: {  	s20 =	simm.s32 $0x0  }
0x2b: {  	s21 =	sadd.s32 s20, s10  }
0x2c: {  	[hbm4b:s21+s2] =	stream.linear.scatter [tilespmem:s2], [sflag:$0x1], $0xD800, $0x38;
	[tilespmem:$0x14800] =	vst v63  }
0x2d: {  	_ =	swait.ge [sflag:s14], $0xD800  }
0x2e: {  	s20 =	sadd.s32 $0x1B00, s20;
	[sflag:s14] =	ssyncset.done $0x0  }
.LBB2_7:
0x2f: {  	s21 =	sadd.s32 s20, s10;
	[sflag:s14] =	ssyncadd.s32 $0xFFFF2800;
	p4 =	sne.s32 s20, $0x4DA00  }
0x30: {  	[hbm4b:s21+s2] =	stream.linear.scatter [tilespmem:s2], [sflag:$0x1], $0xD800, $0x38;
	[tilespmem:$0x14800] =	vst v63  }
.Ltmp5:
0x31: {  	_ = 	snop;
	(pc) =	sbr.rel @p4 .LBB2_7-.Ltmp5, $4  }
0x32: {  	_ = 	snop  }
0x33: {  	s20 =	sadd.s32 $0x1B00, s20  }
0x34: {  	_ =	swait.ge [sflag:s14], $0xD800  }
0x35: {  	[sflag:s14] =	ssyncset.done $0x0  }
0x36: {  	[sflag:s14] =	ssyncadd.s32 $0xFFFF2800  }
.LBB2_9:
.Ltmp6:
0x37: {  	(pc) =	sbr.rel @p3 .LBB2_13-.Ltmp6, $2  }
0x38: {  	_ =	sdelay $0x1  }
0x39: {  	[bflag:$0x0] =	sbarrier.arrive $0xFFFF;
	_ =	sdelay $0x1  }
0x3a: {  	s20 =	simm.s32 $0x0  }
0x3b: {  	[tilespmem:s15], [sflag:$0x3] =	stream.linear.gather [hbm4b:s4+s20], $0x3E80, $0x38;
	[tilespmem:$0x14800] =	vst v63  }
0x3c: {  	_ =	swait.ge [sflag:s13], $0x3E80  }
0x3d: {  	[sflag:s13] =	ssyncset.done $0x0  }
0x3e: {  	[sflag:s13] =	ssyncadd.s32 $0xFFFFC180  }
0x3f: {  	[tilespmem:s16], [sflag:$0x3] =	stream.linear.gather [hbm4b:s11+s2], $0x3000, $0x38;
	[tilespmem:$0x14800] =	vst v63  }
0x40: {  	_ =	swait.ge [sflag:s13], $0x3000  }
0x41: {  	[sflag:s13] =	ssyncset.done $0x0  }
0x42: {  	s31 =	simm.s32 $0xD800;
	[sflag:s13] =	ssyncadd.s32 $0xFFFFD000  }
0x43: {  	[hbm4b:s5+s17] =	stream.indirect.scatter [tilespmem:s16], [sflag:$0x2], $0x80, s31, s17, $0xb8;
	[tilespmem:$0x14800] =	vst v63  }
0x44: {  	_ =	swait.ge [sflag:s18], $0x3000  }
0x45: {  	s21 =	smov.u32 s11;
	s20 =	simm.s32 $0x200;
	[sflag:s18] =	ssyncset.done $0x0  }
.LBB2_11:
0x46: {  	p4 =	sne.s32 s20, $0xF800;
	[sflag:s18] =	ssyncadd.s32 $0xFFFFD000;
	s21 =	sadd.s32 $0x600, s21  }
0x47: {  	[tilespmem:s16], [sflag:$0x3] =	stream.linear.gather [hbm4b:s21+s2], $0x3000, $0x38;
	[tilespmem:$0x14800] =	vst v63  }
0x48: {  	s22 =	smov.u32 s20;
	s20 =	sadd.s32 $0x200, s20;
	_ =	swait.ge [sflag:s13], $0x3000  }
.Ltmp7:
0x49: {  	s22 =	sshra.s32 s22, $0x2;
	[sflag:s13] =	ssyncset.done $0x0;
	(pc) =	sbr.rel @p4 .LBB2_11-.Ltmp7, $4  }
0x4a: {  	s22 =	sadd.s32 $0xD800, s22;
	[sflag:s13] =	ssyncadd.s32 $0xFFFFD000  }
0x4b: {  	[hbm4b:s5+s17] =	stream.indirect.scatter [tilespmem:s16], [sflag:$0x2], $0x80, s22, s17, $0xb8;
	[tilespmem:$0x14800] =	vst v63  }
0x4c: {  	_ =	swait.ge [sflag:s18], $0x3000  }
0x4d: {  	[sflag:s18] =	ssyncset.done $0x0  }
0x4e: {  	[sflag:s18] =	ssyncadd.s32 $0xFFFFD000  }
.LBB2_13:
.Ltmp8:
0x4f: {  	(pc) =	sbr.rel @!p1 .LBB2_17-.Ltmp8, $1  }
0x50: {  	_ =	sdelay $0x3  }
0x51: {  	s20 =	simm.s32 $0x0  }
0x52: {  	[tilespmem:s15], [sflag:$0x3] =	stream.linear.gather [hbm4b:s6+s20], $0x3E80, $0x38;
	[tilespmem:$0x14800] =	vst v63  }
0x53: {  	_ =	swait.ge [sflag:s13], $0x3E80  }
0x54: {  	[sflag:s13] =	ssyncset.done $0x0  }
0x55: {  	[sflag:s13] =	ssyncadd.s32 $0xFFFFC180  }
0x56: {  	[tilespmem:s16], [sflag:$0x3] =	stream.linear.gather [hbm4b:s12+s2], $0x3000, $0x38;
	[tilespmem:$0x14800] =	vst v63  }
0x57: {  	_ =	swait.ge [sflag:s13], $0x3000  }
0x58: {  	[sflag:s13] =	ssyncset.done $0x0  }
0x59: {  	s31 =	simm.s32 $0xD800;
	[sflag:s13] =	ssyncadd.s32 $0xFFFFD000  }
0x5a: {  	[hbm4b:s7+s17] =	stream.indirect.scatter [tilespmem:s16], [sflag:$0x2], $0x80, s31, s17, $0xb8;
	[tilespmem:$0x14800] =	vst v63  }
0x5b: {  	_ =	swait.ge [sflag:s18], $0x3000  }
0x5c: {  	s21 =	smov.u32 s12;
	s20 =	simm.s32 $0x200;
	[sflag:s18] =	ssyncset.done $0x0  }
.LBB2_15:
0x5d: {  	p4 =	sne.s32 s20, $0xF800;
	[sflag:s18] =	ssyncadd.s32 $0xFFFFD000;
	s21 =	sadd.s32 $0x600, s21  }
0x5e: {  	[tilespmem:s16], [sflag:$0x3] =	stream.linear.gather [hbm4b:s21+s2], $0x3000, $0x38;
	[tilespmem:$0x14800] =	vst v63  }
0x5f: {  	s22 =	smov.u32 s20;
	s20 =	sadd.s32 $0x200, s20;
	_ =	swait.ge [sflag:s13], $0x3000  }
.Ltmp9:
0x60: {  	s22 =	sshra.s32 s22, $0x2;
	[sflag:s13] =	ssyncset.done $0x0;
	(pc) =	sbr.rel @p4 .LBB2_15-.Ltmp9, $4  }
0x61: {  	s22 =	sadd.s32 $0xD800, s22;
	[sflag:s13] =	ssyncadd.s32 $0xFFFFD000  }
0x62: {  	[hbm4b:s7+s17] =	stream.indirect.scatter [tilespmem:s16], [sflag:$0x2], $0x80, s22, s17, $0xb8;
	[tilespmem:$0x14800] =	vst v63  }
0x63: {  	_ =	swait.ge [sflag:s18], $0x3000  }
0x64: {  	[sflag:s18] =	ssyncset.done $0x0  }
.Ltmp10:
0x65: {  	_ = 	snop;
	(pc) =	sbr.rel .LBB2_16-.Ltmp10, $1  }
0x66: {  	_ =	sdelay $0x3  }
.LBB2_18:
0x67: {  	_ =	sfence.sel $0x180000  }
0x68: {  	[bflag:$0x0] =	sbarrier.arrive $0xFFFF  }
0x69: {  	p0 =	sne.s32 s1, $0x0;
	_ =	strace $0x90000053  }
0x6a: {  	s0 =	sadd.s32 @!p0 $0x100000, s0;
	[bflag:$0x2] =	sbarrier.arrive $0xFFFF  }
0x6b: {  	[sflag:s0] =	ssyncadd.tile.s32 @!p0 $0x1;
	_ =	shalt  }
.Lfunc_end2:
_tile_overlayer_lowered:
.L_overlay_start_2:
0x6c: {  	(tag) =	ssettag $0x2  }
0x6d: {  	s0 =	rddreg [dreg:$0x0];
	s2 =	stileid.u32  }
0x6e: {  	s1 =	rddreg [dreg:$0x1];
	p0 =	sne.s32 s2, $0x0  }
0x6f: {  	s3 =	rddreg [dreg:$0x2];
	[bflag:$0x3] =	sbarrier.arrive $0xFFFF;
	s2 =	simm.s32 @!p0 $0x1C03  }
0x70: {  	[timem:s3], [sflag:s2] =	dma.local @!p0 [hbm:s0], s1  }
0x71: {  	s0 =	simm.s32 @!p0 $0x3  }
0x72: {  	_ =	swait.ge @!p0 [sflag:s0], s1  }
0x73: {  	s1 =	ssub.s32 @!p0 $0x0, s1;
	[sflag:s0] =	ssyncset.done @!p0 $0x0  }
0x74: {  	[sflag:s0] =	ssyncadd.s32 @!p0 s1  }
0x75: {  	[bflag:$0x3] =	sbarrier.arrive $0xFFFF  }
0x76: {  	_ =	shalt  }

// kernel: sparse-core-data-format-call.1.cloned.1.call-start
scs
called_computation.1_lowered:
.L_overlay_start_0:
0x0: {  	s2 =	sld [smem:$0x3FD9]  }
0x1: {  	s3 =	sld [smem:$0x3FFE];
	_ =	sdelay $0x1  }
0x2: {  	s1 =	srdreg.scid  }
0x3: {  	s0 =	sand.u32 $0x1, s1  }
0x4: {  	s18 =	sshll.u32 s0, $0xA;
	s2 =	sadd.s32 s3, s2  }
0x5: {  	s2 =	sadd.s32 s2, s18  }
0x6: {  	[smem:$0x3FB0] =	sst s2  }
0x7: {  	_ = 	snop  }
0x8: {  	s19 =	sld [smem:$0x3FC8];
	(tm) =	ssettm $0x1  }
0x9: {  	s20 =	sld [smem:$0x3FFB];
	_ =	sdelay $0x3  }
0xa: {  	_ =	strace s20  }
0xb: {  	s2 =	sld [smem:$0x3FFC];
	_ =	sdelay $0x3  }
0xc: {  	_ =	strace s2  }
0xd: {  	s2 =	sld [smem:$0x3FFD];
	_ =	sdelay $0x3  }
0xe: {  	_ =	strace s2  }
0xf: {  	_ =	strace $0x8FFFFFFF  }
0x10: {  	s21 =	sld [smem:$0x3FDB];
	_ =	sdelay $0x1  }
0x11: {  	s4 =	simm.s32 $_scs_section_size  }
0x12: {  	s5 =	simm.s32 $_size__tile_overlayer_lowered;
	s6 =	simm.s32 $_tile_overlayer_lowered  }
0x13: {  	s7 =	simm.s32 $0x1BFF;
	s22 =	sshll.u32 s6, $0x1;
	s4 =	sadd.s32 s4, s21  }
0x14: {  	s23 =	simm.s32 $0x0;
	s5 =	sshll.u32 s5, $0x1;
	s6 =	sadd.s32 s22, s4  }
0x15: {  	[timem:s23], [sflag:s7] =	dma.local [hbm:s6], s5  }
0x16: {  	_ =	swait.ge [sflag:s7], s5  }
0x17: {  	s5 =	ssub.s32 $0x0, s5;
	[sflag:s7] =	ssyncset.done $0x0  }
0x18: {  	[sflag:s7] =	ssyncadd.s32 s5;
	_ =	sdelay $0x1  }
0x19: {  	s24 =	simm.s32 $0x1B8B  }
0x1a: {  	_ =	swait.ge [sflag:s24], $0x1  }
0x1b: {  	[sflag:s24] =	ssyncset.done $0x0  }
0x1c: {  	[sflag:s24] =	ssyncadd.s32 $0xFFFFFFFF  }
0x1d: {  	s5 =	sld [smem:$0x0]  }
0x1e: {  	s6 =	sand.u32 $0xFFFFFFFE, s1  }
0x1f: {  	p0 =	sne.s32 s1, s6  }
0x20: {  	s6 =	sshll.u32 @p0 s6, $0xE  }
0x21: {  	s6 =	sadd.s32 @p0 $0x11B8D, s6;
	s7 =	sshll.u32 @p0 s5, $0x11  }
0x22: {  	s6 =	sor.u32 @p0 s7, s6  }
0x23: {  	[sflag:s6] =	ssyncadd.remote.s32 @p0 $0x1;
	_ =	sdelay $0x1  }
0x24: {  	s6 =	simm.s32 @p0 $0x1B8D  }
0x25: {  	_ =	swait.eq @p0 [sflag:s6], $0x1  }
0x26: {  	[sflag:s6] =	ssyncadd.s32 @p0 $0xFFFFFFFF  }
0x27: {  	s7 =	sshll.u32 @!p0 s1, $0xE  }
0x28: {  	s7 =	sor.u32 @!p0 $0x4000, s7;
	s6 =	simm.s32 @!p0 $0x1B8D  }
0x29: {  	s5 =	sshll.u32 @!p0 s5, $0x11;
	s7 =	sadd.s32 @!p0 $0x11B8D, s7;
	_ =	swait.eq @!p0 [sflag:s6], $0x1  }
0x2a: {  	s5 =	sor.u32 @!p0 s5, s7;
	[sflag:s6] =	ssyncadd.s32 @!p0 $0xFFFFFFFF  }
0x2b: {  	s26 =	simm.s32 $0x1B8E;
	s25 =	sld [smem:$0x3FFE];
	[sflag:s5] =	ssyncadd.remote.s32 @!p0 $0x1  }
0x2c: {  	s27 =	simm.s32 $execute0_lowered;
	[smem:$0x3FD2] =	sst s26  }
0x2d: {  	s6 =	sshll.u32 s27, $0x1;
	_ =	strace $0x80000049;
	[dreg:$0x1] =	wrdreg $0xFFFFFFFF  }
0x2e: {  	s28 =	simm.s32 $_size_execute0_lowered;
	s4 =	sadd.s32 s4, s6;
	[dreg:$0x0] =	wrdreg $0x0  }
0x2f: {  	s6 =	sshll.u32 s28, $0x1;
	[dreg:$0x2] =	wrdreg s4  }
0x30: {  	[dreg:$0x3] =	wrdreg s6  }
0x31: {  	[dreg:$0x4] =	wrdreg $0xC0  }
0x32: {  	_ =	task [dreg:s23], $0x5FFFF  }
0x33: {  	[dreg:$0x1] =	wrdreg $0xFFFFFFFF  }
0x34: {  	[dreg:$0x0] =	wrdreg $0x60  }
0x35: {  	[dreg:$0x2] =	wrdreg s19  }
0x36: {  	[dreg:$0x3] =	wrdreg s25  }
0x37: {  	[dreg:$0x4] =	wrdreg $0xA  }
0x38: {  	_ =	task.clear_ibuf [dreg:s23], $0x5FFFF;
	_ =	strace $0x90000049  }
0x39: {  	s29 =	simm.s32 $0xA;
	_ =	strace $0x8000004B  }
0x3a: {  	_ =	swait.ge [sflag:s29], $0x1  }
0x3b: {  	[sflag:s29] =	ssyncadd.s32 $0xFFFFFFFF  }
0x3c: {  	_ =	strace $0x9000004B  }
0x3d: {  	_ =	sfence  }
0x3e: {  	s30 =	sld [smem:$0x0];
	_ =	sdelay $0x2  }
0x3f: {  	s31 =	sshll.u32 s1, $0xD;
	s1 =	sshrl.u32 s1, $0x2  }
0x40: {  	s4 =	sand.u32 $0x4000, s31;
	s1 =	sadd.s32 s1, s30  }
0x41: {  	s0 =	sor.u32 s4, s0;
	s1 =	sshll.u32 s1, $0x11  }
0x42: {  	s0 =	sor.u32 s1, s0  }
0x43: {  	s0 =	sadd.s32 $0x8F2B, s0  }
0x44: {  	[sflag:s0] =	ssyncadd.remote.s32 $0x1  }
0x45: {  	_ =	sfence.sel $0xFFFF  }
0x46: {  	[dreg:$0x0] =	wrdreg $0xFFFFFFFF;
	(pc) =	sbr.abs _section_cstart, $3  }
0x47: {  	[dreg:$0x1] =	wrdreg $0xFFFFFFFF  }
0x48: {  	_ =	task.clear_ibuf [dreg:s23], $0x2FFFF;
	_ =	strace $0x9FFFFFFF  }
0x49: {  	(tm) =	ssettm $0x7FFFFFFF  }
tec
execute0_lowered:
.L_overlay_start_1:
0x0: {  	(tag) =	ssettag $0x1  }
0x1: {  	s2 =	rddreg [dreg:$0x0]  }
0x2: {  	s3 =	rddreg [dreg:$0x1]  }
0x3: {  	s1 =	srdreg.scid;
	s0 =	rddreg [dreg:$0x2];
	_ =	strace $0x8000004A  }
0x4: {  	s7 =	simm.s32 $0x2;
	s19 =	simm.s32 $0x0;
	p0 =	por $0x0, $0x0  }
0x5: {  	s17 =	simm.s32 $0x0;
	s18 =	simm.s32 $0x0;
	s20 =	simm.s32 $0x0  }
0x6: {  	s8 =	simm.s32 $0x0;
	s9 =	simm.s32 $0x0;
	s11 =	simm.s32 $0x0  }
0x7: {  	s12 =	simm.s32 $0x0;
	s13 =	simm.s32 $0x0;
	s15 =	simm.s32 $0x0  }
.Ltmp0:
0x8: {  	s10 =	simm.s32 $0x0;
	s4 =	sshll.u32 s1, $0x4;
	(pc) =	sbr.rel .LBB1_1-.Ltmp0, $4  }
0x9: {  	s1 =	stileid.u32;
	s3 =	sadd.s32 $0x1773200, s3;
	s4 =	sand.u32 $0x10, s4  }
0xa: {  	s5 =	sand.u32 $0x3, s1;
	s6 =	sor.u32 s1, s4;
	s4 =	simm.s32 $0x1  }
0xb: {  	s16 =	smov.u32 s5;
	[sflag:s4] =	ssyncpa.u1 $0x0;
	s6 =	sshrl.u32 s6, $0x2  }
0xc: {  	[sflag:s7] =	ssyncpa.u1 $0x0;
	s7 =	simm.s32 $0x1000;
	s14 =	smov.u32 s6  }
.LBB1_5:
0xd: {  	p1 =	slt.u32 s10, $0x2;
	s21 =	smov.u32 s20  }
0xe: {  	s24 =	smov.u32 s16;
	s10 =	sadd.s32 $0x1, s10;
	p2 =	sgt.s32 @!p1 s20, $0x3  }
0xf: {  	p0 =	por !p0, !p0;
	s22 =	sshra.s32 @!p1 s20, $0x1F;
	p2 =	por !p2, p1  }
0x10: {  	s23 =	sshra.s32 @!p1 s19, $0x1F;
	s20 =	sand.u32 @!p1 s22, s20;
	s21 =	simm.s32 @p2 $0x3  }
0x11: {  	s22 =	smov.u32 s19;
	p2 =	sgt.s32 @!p1 s19, $0x2E60;
	s20 =	ssub.s32 @!p1 s21, s20  }
0x12: {  	s19 =	sand.u32 @!p1 s23, s19;
	p2 =	por !p2, p1;
	s21 =	sadd.s32 @!p1 $0xFFFFFFFD, s20  }
0x13: {  	s22 =	simm.s32 @p2 $0x2E60;
	s20 =	ssub.s32 @!p1 $0x4, s20;
	p3 =	sgt.s32 @!p1 s21, $0x0  }
0x14: {  	s19 =	ssub.s32 @!p1 s22, s19;
	s22 =	sshra.s32 @!p1 s18, $0x1F;
	p2 =	por !p3, p1  }
0x15: {  	s21 =	sadd.s32 @!p1 $0xFFFFD1A0, s19;
	p3 =	sgt.s32 @!p1 s18, $0x78;
	s19 =	ssub.s32 @!p1 $0x2EE0, s19  }
0x16: {  	s20 =	simm.s32 @!p2 $0x0;
	p2 =	sgt.s32 @!p1 s21, $0x7F;
	p3 =	por !p3, p1  }
0x17: {  	s21 =	smov.u32 s18;
	s18 =	sand.u32 @!p1 s22, s18;
	s22 =	smov.u32 s17  }
0x18: {  	s21 =	simm.s32 @p3 $0x78;
	p3 =	sgt.s32 @!p1 s17, $0x1F;
	p2 =	por !p2, p1  }
0x19: {  	p3 =	por !p3, p1;
	s18 =	ssub.s32 @!p1 s21, s18;
	s21 =	sshra.s32 @!p1 s17, $0x1F  }
0x1a: {  	s22 =	simm.s32 @p3 $0x1F;
	s17 =	sand.u32 @!p1 s21, s17;
	s21 =	sadd.s32 @!p1 $0xFFFFFF88, s18  }
0x1b: {  	s18 =	ssub.s32 @!p1 $0x80, s18;
	s17 =	ssub.s32 @!p1 s22, s17;
	p3 =	sgt.s32 @!p1 s21, $0x7  }
0x1c: {  	s22 =	smov.u32 s14;
	s21 =	sadd.s32 @!p1 $0xFFFFFFE1, s17;
	p3 =	por !p3, p1  }
0x1d: {  	s17 =	ssub.s32 @!p1 $0x20, s17;
	s18 =	simm.s32 @!p3 $0x0;
	p3 =	sgt.s32 @!p1 s21, $0x0  }
0x1e: {  	s21 =	sadd.s32 $0x80, s13;
	p3 =	por !p3, p1;
	s18 =	smul.u32 @!p1 s20, s18  }
0x1f: {  	s20 =	sadd.s32 $0x8, s14;
	s17 =	simm.s32 @!p3 $0x0;
	p3 =	sgt.s32 s21, $0x2EDF  }
0x20: {  	s23 =	smov.u32 s15;
	s19 =	simm.s32 @!p2 $0x0;
	s22 =	smov.u32 @p3 s20  }
0x21: {  	s17 =	smul.u32 @!p1 s17, s18;
	s18 =	sadd.s32 $0x8, s15;
	p2 =	sgt.s32 s22, $0x1F  }
0x22: {  	s25 =	simm.s32 @!p1 $0x2;
	s21 =	simm.s32 @p3 $0x0;
	s23 =	smov.u32 @p2 s18  }
0x23: {  	s20 =	smov.u32 s12;
	s18 =	sadd.s32 $0x4, s16;
	p3 =	sgt.s32 s23, $0x7  }
0x24: {  	s12 =	smov.u32 s16;
	s17 =	smul.u32 @!p1 s19, s17;
	s24 =	smov.u32 @p3 s18  }
0x25: {  	s22 =	smov.u32 @p2 s6;
	s19 =	smov.u32 s8;
	p2 =	sgt.s32 s24, $0x3  }
0x26: {  	s8 =	smov.u32 s13;
	s24 =	smov.u32 @p2 s5;
	p2 =	sne.s32 s10, $0x17A  }
.Ltmp1:
0x27: {  	s13 =	smov.u32 s21;
	s17 =	sand.u32 @!p1 $0x3FFFFFFF, s17;
	(pc) =	sbr.rel @!p2 .LBB1_6-.Ltmp1, $4  }
0x28: {  	s23 =	simm.s32 @p3 $0x0;
	s18 =	smov.u32 s11;
	s11 =	smov.u32 s15  }
0x29: {  	_ =	swait.ge @!p1 [sflag:s25], s17;
	s26 =	ssub.s32 @!p1 $0x0, s17;
	s17 =	smov.u32 s9  }
0x2a: {  	s9 =	smov.u32 s14;
	s14 =	smov.u32 s22;
	[sflag:s25] =	ssyncset.done @!p1 $0x0  }
0x2b: {  	s15 =	smov.u32 s23;
	[sflag:s25] =	ssyncadd.s32 @!p1 s26;
	s16 =	smov.u32 s24  }
.LBB1_1:
0x2c: {  	p1 =	sgt.u32 s10, $0x177  }
0x2d: {  	s21 =	sshrl.u32 @!p1 s14, $0x3  }
0x2e: {  	s22 =	sshll.u32 @!p1 s13, $0x3;
	s21 =	smul.u32 @!p1 $0x17800, s21  }
0x2f: {  	s23 =	sshll.u32 @!p1 s14, $0x7;
	s22 =	sand.u32 @!p1 $0xFFFFFC00, s22  }
0x30: {  	s21 =	sadd.s32 @!p1 s21, s22;
	s22 =	sand.u32 @!p1 $0x380, s23  }
0x31: {  	s23 =	sand.u32 @!p1 $0x7F, s13;
	s21 =	sor.u32 @!p1 s22, s21  }
0x32: {  	s22 =	sor.u32 @!p1 s23, s21  }
0x33: {  	s23 =	smulhi.u32 @!p1 $0xAE4C415D, s22  }
0x34: {  	s21 =	smulhi.u32 @!p1 $0xAE4C415D, s21  }
0x35: {  	s25 =	smul.u32 @!p1 $0x5E000, s16;
	s23 =	sshrl.u32 @!p1 s23, $0xD  }
0x36: {  	s24 =	sxor.u32 @!p1 $0xFFFFFFFF, s10;
	s21 =	sshrl.u32 @!p1 s21, $0xD;
	s23 =	smul.u32 @!p1 $0x2F00, s23  }
0x37: {  	s26 =	smul.u32 @!p1 $0xBC00, s15;
	s24 =	sshll.u32 @!p1 s24, $0xA;
	s21 =	sand.u32 @!p1 $0x1F, s21  }
0x38: {  	s21 =	smul.u32 @!p1 $0x5E0, s21;
	s22 =	ssub.s32 @!p1 s22, s23;
	s23 =	sadd.s32 @!p1 s2, s25  }
0x39: {  	s24 =	sand.u32 @!p1 $0x400, s24;
	s23 =	sadd.s32 @!p1 s26, s23;
	s25 =	sand.u32 @!p1 $0x7, s22  }
0x3a: {  	s22 =	sshrl.u32 @!p1 s22, $0x3;
	s21 =	sadd.s32 @!p1 s21, s23;
	s23 =	sshll.u32 @!p1 s25, $0x12  }
0x3b: {  	s21 =	sadd.s32 @!p1 s22, s21;
	s22 =	sor.u32 @!p1 $0x80, s23;
	s23 =	simm.s32 @!p1 $0x5E000  }
0x3c: {  	[tilespmem:s24], [sflag:$0x1] =	stream.strided.gather @!p1 [hbm4b:s21+s22], $0x400, s23, s22, $0x38;
	[tilespmem:$0x1100] =	vst v63  }
0x3d: {  	p1 =	seq.s32 s10, $0x0  }
0x3e: {  	p2 =	seq.s32 @!p1 s10, $0x179  }
0x3f: {  	p1 =	por p1, p2  }
.Ltmp2:
0x40: {  	_ = 	snop;
	(pc) =	sbr.rel @p1 .LBB1_5-.Ltmp2, $1  }
0x41: {  	_ =	sdelay $0x3  }
0x42: {  	s21 =	simm.s32 $0x1  }
0x43: {  	_ =	swait.ge [sflag:s4], $0x400;
	s21 =	simm.s32 @!p0 $0x0  }
0x44: {  	[sflag:s4] =	ssyncset.done $0x0;
	s22 =	sshll.u32 s21, $0xA  }
0x45: {  	[sflag:s4] =	ssyncadd.s32 $0xFFFFFC00;
	s22 =	sor.u32 $0x40, s22  }
0x46: {  	s21 =	smul.u32 $0x1200, s21;
	v0 =	vld [tilespmem:s22+$0x30]  }
0x47: {  	v1 =	vld [tilespmem:s22+$0xFFFFFFD0]  }
0x48: {  	s21 =	sshrl.u32 s21, $0x2;
	v5 =	vld [tilespmem:s22+$0xFFFFFFE0]  }
0x49: {  	v6 =	vld [tilespmem:s22+$0xFFFFFFF0];
	s24 =	sor.u32 $0x800, s21  }
0x4a: {  	s31 =	sand.u32 $0x1, s10;
	v4 =	vld [tilespmem:s22+$0x0];
	s23 =	sadd.s32 $0x0, s24  }
0x4b: {  	v3 =	vld [tilespmem:s22+$0x10];
	s21 =	smul.u32 $0x1200, s31;
	[tilespmem:s23+$0x3F0 ss:$0x9] =	vst.msk $0xffff, v0  }
0x4c: {  	v2 =	vld [tilespmem:s22+$0x20];
	[tilespmem:s23+$0x90 ss:$0x9] =	vst.msk $0xffff, v1  }
0x4d: {  	s21 =	sshrl.u32 s21, $0x2;
	v1 =	vld [tilespmem:s22+$0xFFFFFFC0];
	[tilespmem:s23+$0x120 ss:$0x9] =	vst.msk $0xffff, v5;
	s22 =	sadd.s32 $0x80, s22  }
0x4e: {  	s25 =	simm.s32 $0x4;
	s26 =	simm.s32 $0x8;
	s21 =	sor.u32 $0x800, s21;
	[tilespmem:s23+$0x1B0 ss:$0x9] =	vst.msk $0xffff, v6;
	v0 =	vld [tilespmem:s22+$0x30]  }
.LBB1_3:
0x4f: {  	p1 =	sne.s32 s26, $0x1C;
	v5 =	vld [tilespmem:s22+$0xFFFFFFD0];
	[tilespmem:s23+$0x240 ss:$0x9] =	vst.msk $0xffff, v4  }
0x50: {  	v6 =	vld [tilespmem:s22+$0xFFFFFFE0];
	[tilespmem:s23+$0x2D0 ss:$0x9] =	vst.msk $0xffff, v3  }
0x51: {  	s27 =	sshra.s32 s25, $0x2;
	s25 =	smov.u32 s26;
	v7 =	vld [tilespmem:s22+$0xFFFFFFF0];
	[tilespmem:s23+$0x360 ss:$0x9] =	vst.msk $0xffff, v2  }
.Ltmp3:
0x52: {  	v4 =	vld [tilespmem:s22+$0x0];
	[tilespmem:s23+$0x0 ss:$0x9] =	vst.msk $0xffff, v1;
	s23 =	sadd.s32 s27, s24;
	(pc) =	sbr.rel @p1 .LBB1_3-.Ltmp3, $4  }
0x53: {  	v3 =	vld [tilespmem:s22+$0x10];
	[tilespmem:s23+$0x3F0 ss:$0x9] =	vst.msk $0xffff, v0  }
0x54: {  	[tilespmem:s23+$0x90 ss:$0x9] =	vst.msk $0xffff, v5;
	v2 =	vld [tilespmem:s22+$0x20]  }
0x55: {  	v1 =	vld [tilespmem:s22+$0xFFFFFFC0];
	[tilespmem:s23+$0x120 ss:$0x9] =	vst.msk $0xffff, v6;
	s22 =	sadd.s32 $0x80, s22  }
0x56: {  	s26 =	sadd.s32 $0x4, s26;
	v0 =	vld [tilespmem:s22+$0x30];
	[tilespmem:s23+$0x1B0 ss:$0x9] =	vst.msk $0xffff, v7  }
0x57: {  	s25 =	sshra.s32 s25, $0x2  }
0x58: {  	p1 =	sgt.s32 s12, $0x3;
	s26 =	smov.u32 s12;
	s27 =	sshra.s32 s12, $0x1F  }
0x59: {  	s28 =	sshll.u32 s11, $0x3;
	p2 =	sgt.s32 s11, $0x78;
	s31 =	sshra.s32 s9, $0x1F  }
0x5a: {  	s24 =	sadd.s32 s25, s24;
	s25 =	sshll.u32 s9, $0x7;
	s26 =	simm.s32 @!p1 $0x3  }
0x5b: {  	s27 =	sand.u32 s27, s12;
	s28 =	sand.u32 $0xC00, s28;
	s31 =	sand.u32 s31, s9  }
0x5c: {  	s29 =	sand.u32 $0xC00, s25;
	s26 =	ssub.s32 s26, s27;
	s25 =	sand.u32 $0x380, s25  }
0x5d: {  	s27 =	sadd.s32 s28, s29;
	s30 =	sadd.s32 $0xFFFFFFFD, s26;
	s29 =	smov.u32 s11  }
0x5e: {  	s28 =	sshra.s32 s11, $0x1F;
	s26 =	ssub.s32 $0x4, s26;
	p1 =	sgt.s32 s30, $0x0  }
0x5f: {  	s29 =	simm.s32 @!p2 $0x78;
	p2 =	sgt.s32 s9, $0x1F;
	s28 =	sand.u32 s28, s11  }
0x60: {  	s30 =	smov.u32 s9;
	s25 =	sor.u32 s25, s27;
	s28 =	ssub.s32 s29, s28  }
0x61: {  	s30 =	simm.s32 @!p2 $0x1F;
	s26 =	simm.s32 @p1 $0x0;
	p2 =	sgt.s32 s8, $0x2E60  }
0x62: {  	v5 =	vld [tilespmem:s22+$0xFFFFFFD0];
	[tilespmem:s23+$0x240 ss:$0x9] =	vst.msk $0xffff, v4;
	s29 =	ssub.s32 s30, s31;
	s31 =	sadd.s32 $0xFFFFFF88, s28;
	s28 =	ssub.s32 $0x80, s28  }
0x63: {  	v58 =	vld [tilespmem:s22+$0xFFFFFFE0];
	[tilespmem:s23+$0x2D0 ss:$0x9] =	vst.msk $0xffff, v3;
	s30 =	smov.u32 s8;
	p1 =	sgt.s32 s31, $0x7;
	s31 =	sadd.s32 $0xFFFFFFE1, s29  }
0x64: {  	v59 =	vld [tilespmem:s22+$0xFFFFFFF0];
	[tilespmem:s23+$0x360 ss:$0x9] =	vst.msk $0xffff, v2;
	s28 =	simm.s32 @p1 $0x0;
	p1 =	sgt.s32 s31, $0x0;
	s31 =	sshra.s32 s8, $0x1F  }
0x65: {  	v60 =	vld [tilespmem:s22+$0x0];
	[tilespmem:s23+$0x0 ss:$0x9] =	vst.msk $0xffff, v1;
	s25 =	sshrl.u32 s25, $0x3;
	s30 =	simm.s32 @!p2 $0x2E60;
	s31 =	sand.u32 s31, s8  }
0x66: {  	v61 =	vld [tilespmem:s22+$0x10];
	[tilespmem:s24+$0x3F0 ss:$0x9] =	vst.msk $0xffff, v0;
	s26 =	smul.u32 s26, s28;
	s28 =	ssub.s32 $0x20, s29;
	s23 =	ssub.s32 s30, s31  }
0x67: {  	v62 =	vld [tilespmem:s22+$0x20];
	[tilespmem:s24+$0x90 ss:$0x9] =	vst.msk $0xffff, v5;
	s28 =	simm.s32 @p1 $0x0;
	s30 =	smul.u32 $0x5DC000, s12;
	s31 =	sshrl.u32 s11, $0x3  }
0x68: {  	v63 =	vld [tilespmem:s22+$0xFFFFFFC0];
	[tilespmem:s24+$0x120 ss:$0x9] =	vst.msk $0xffff, v58;
	s26 =	smul.u32 s28, s26;
	s29 =	sadd.s32 $0xFFFFD1A0, s23;
	s22 =	ssub.s32 $0x2EE0, s23  }
0x69: {  	[tilespmem:s24+$0x1B0 ss:$0x9] =	vst.msk $0xffff, v59;
	s28 =	sand.u32 $0xF, s31;
	p1 =	sgt.s32 s29, $0x7F;
	s23 =	sadd.s32 s3, s30  }
.Ltmp4:
0x6a: {  	[tilespmem:s24+$0x240 ss:$0x9] =	vst.msk $0xffff, v60;
	s29 =	sshll.u32 s8, $0x9;
	s22 =	simm.s32 @p1 $0x0;
	(pc) =	sbr.rel .LBB1_5-.Ltmp4, $4  }
0x6b: {  	[tilespmem:s24+$0x2D0 ss:$0x9] =	vst.msk $0xffff, v61;
	s30 =	sand.u32 $0x7, s11;
	s23 =	sadd.s32 s28, s23;
	s22 =	smul.u32 s22, s26  }
0x6c: {  	[tilespmem:s24+$0x360 ss:$0x9] =	vst.msk $0xffff, v62;
	s25 =	sand.u32 $0x1F0, s25;
	s23 =	sadd.s32 s29, s23;
	s26 =	sshll.u32 s30, $0x12  }
0x6d: {  	[tilespmem:s24+$0x0 ss:$0x9] =	vst.msk $0xffff, v63;
	s23 =	sadd.s32 s25, s23;
	s31 =	sor.u32 $0x8, s26;
	s22 =	sand.u32 $0x3FFFFFFF, s22  }
0x6e: {  	[hbm4b:s23+s31] =	stream.strided.scatter [tilespmem:s21], [sflag:$0x2], s22, s7, s31, $0x0;
	[tilespmem:$0x1100] =	vst v63  }
.LBB1_6:
0x6f: {  	_ =	sfence.sel $0x180000  }
0x70: {  	s2 =	simm.s32 $0x1;
	[bflag:$0x0] =	sbarrier.arrive $0xFFFF  }
0x71: {  	s31 =	simm.s32 $0x2;
	[sflag:s2] =	ssyncpa.u1 $0x1  }
0x72: {  	[sflag:s31] =	ssyncpa.u1 $0x1  }
0x73: {  	p0 =	sne.s32 s1, $0x0;
	_ =	strace $0x9000004A  }
0x74: {  	s0 =	sadd.s32 @!p0 $0x100000, s0;
	[bflag:$0x2] =	sbarrier.arrive $0xFFFF  }
0x75: {  	[sflag:s0] =	ssyncadd.tile.s32 @!p0 $0x1;
	_ =	shalt  }
.Lfunc_end1:
_tile_overlayer_lowered:
.L_overlay_start_2:
0x76: {  	(tag) =	ssettag $0x2  }
0x77: {  	s0 =	rddreg [dreg:$0x0];
	s2 =	stileid.u32  }
0x78: {  	s1 =	rddreg [dreg:$0x1];
	p0 =	sne.s32 s2, $0x0  }
0x79: {  	s3 =	rddreg [dreg:$0x2];
	[bflag:$0x3] =	sbarrier.arrive $0xFFFF;
	s2 =	simm.s32 @!p0 $0x1C01  }
0x7a: {  	[timem:s3], [sflag:s2] =	dma.local @!p0 [hbm:s0], s1  }
0x7b: {  	s0 =	simm.s32 @!p0 $0x1  }
0x7c: {  	_ =	swait.ge @!p0 [sflag:s0], s1  }
0x7d: {  	s1 =	ssub.s32 @!p0 $0x0, s1;
	[sflag:s0] =	ssyncset.done @!p0 $0x0  }
0x7e: {  	[sflag:s0] =	ssyncadd.s32 @!p0 s1  }
0x7f: {  	[bflag:$0x3] =	sbarrier.arrive $0xFFFF  }
0x80: {  	_ =	shalt  }

// kernel: sparse-core-data-format-call.cloned.1.call-start
scs
called_computation_lowered:
.L_overlay_start_0:
0x0: {  	s2 =	sld [smem:$0x3FD9]  }
0x1: {  	s3 =	sld [smem:$0x3FFE];
	_ =	sdelay $0x1  }
0x2: {  	s1 =	srdreg.scid  }
0x3: {  	s0 =	sand.u32 $0x1, s1  }
0x4: {  	s18 =	sshll.u32 s0, $0xA;
	s2 =	sadd.s32 s3, s2  }
0x5: {  	s2 =	sadd.s32 s2, s18  }
0x6: {  	[smem:$0x3FB0] =	sst s2  }
0x7: {  	_ = 	snop  }
0x8: {  	s2 =	sld [smem:$0x3FC9];
	(tm) =	ssettm $0x1  }
0x9: {  	s19 =	sld [smem:$0x3FFB];
	_ =	sdelay $0x3  }
0xa: {  	_ =	strace s19  }
0xb: {  	s3 =	sld [smem:$0x3FFC];
	_ =	sdelay $0x3  }
0xc: {  	_ =	strace s3  }
0xd: {  	s3 =	sld [smem:$0x3FFD];
	_ =	sdelay $0x3  }
0xe: {  	_ =	strace s3  }
0xf: {  	_ =	strace $0x8FFFFFFF  }
0x10: {  	s20 =	sld [smem:$0x3FDB];
	_ =	sdelay $0x1  }
0x11: {  	s4 =	simm.s32 $_scs_section_size  }
0x12: {  	s5 =	simm.s32 $_size__tile_overlayer_lowered;
	s6 =	simm.s32 $_tile_overlayer_lowered  }
0x13: {  	s23 =	simm.s32 $0x1BFF;
	s22 =	sshll.u32 s6, $0x1;
	s3 =	sadd.s32 s4, s20  }
0x14: {  	s7 =	simm.s32 $0x0;
	s21 =	sshll.u32 s5, $0x1;
	s5 =	sadd.s32 s22, s3  }
0x15: {  	[timem:s7], [sflag:s23] =	dma.local [hbm:s5], s21  }
0x16: {  	_ =	swait.ge [sflag:s23], s21  }
0x17: {  	s4 =	ssub.s32 $0x0, s21;
	[sflag:s23] =	ssyncset.done $0x0  }
0x18: {  	[sflag:s23] =	ssyncadd.s32 s4;
	_ =	sdelay $0x1  }
0x19: {  	s24 =	simm.s32 $0x1B8B  }
0x1a: {  	_ =	swait.ge [sflag:s24], $0x1  }
0x1b: {  	[sflag:s24] =	ssyncset.done $0x0  }
0x1c: {  	s26 =	simm.s32 $0x1B8E;
	s25 =	sld [smem:$0x3FFE];
	[sflag:s24] =	ssyncadd.s32 $0xFFFFFFFF  }
0x1d: {  	s27 =	simm.s32 $execute0_lowered;
	[smem:$0x3FD2] =	sst s26  }
0x1e: {  	s5 =	sshll.u32 s27, $0x1;
	_ =	strace $0x80000046;
	[dreg:$0x1] =	wrdreg $0xFFFFFFFF  }
0x1f: {  	s28 =	simm.s32 $_size_execute0_lowered;
	s3 =	sadd.s32 s3, s5;
	[dreg:$0x0] =	wrdreg $0x0  }
0x20: {  	s5 =	sshll.u32 s28, $0x1;
	[dreg:$0x2] =	wrdreg s3  }
0x21: {  	[dreg:$0x3] =	wrdreg s5  }
0x22: {  	[dreg:$0x4] =	wrdreg $0xC0  }
0x23: {  	_ =	task [dreg:s7], $0x5FFFF  }
0x24: {  	[dreg:$0x1] =	wrdreg $0xFFFFFFFF  }
0x25: {  	[dreg:$0x0] =	wrdreg $0x60  }
0x26: {  	[dreg:$0x2] =	wrdreg s2  }
0x27: {  	[dreg:$0x3] =	wrdreg s25  }
0x28: {  	[dreg:$0x4] =	wrdreg $0x9  }
0x29: {  	_ =	task.clear_ibuf [dreg:s7], $0x5FFFF;
	_ =	strace $0x90000046  }
0x2a: {  	s29 =	simm.s32 $0x9;
	_ =	strace $0x80000048  }
0x2b: {  	_ =	swait.ge [sflag:s29], $0x1  }
0x2c: {  	[sflag:s29] =	ssyncadd.s32 $0xFFFFFFFF  }
0x2d: {  	_ =	strace $0x90000048  }
0x2e: {  	_ =	sfence  }
0x2f: {  	s30 =	sld [smem:$0x0];
	_ =	sdelay $0x2  }
0x30: {  	s31 =	sshll.u32 s1, $0xD;
	s1 =	sshrl.u32 s1, $0x2  }
0x31: {  	s3 =	sand.u32 $0x4000, s31;
	s1 =	sadd.s32 s1, s30  }
0x32: {  	s0 =	sor.u32 s3, s0;
	s1 =	sshll.u32 s1, $0x11  }
0x33: {  	s0 =	sor.u32 s1, s0  }
0x34: {  	s0 =	sadd.s32 $0x8F2B, s0  }
0x35: {  	[sflag:s0] =	ssyncadd.remote.s32 $0x1  }
0x36: {  	_ =	sfence.sel $0xFFFF  }
0x37: {  	[dreg:$0x0] =	wrdreg $0xFFFFFFFF;
	(pc) =	sbr.abs _section_cstart, $3  }
0x38: {  	[dreg:$0x1] =	wrdreg $0xFFFFFFFF  }
0x39: {  	_ =	task.clear_ibuf [dreg:s7], $0x2FFFF;
	_ =	strace $0x9FFFFFFF  }
0x3a: {  	(tm) =	ssettm $0x7FFFFFFF  }
0x3b: {  	_ =	shalt  }
tec
execute0_lowered:
.L_overlay_start_1:
0x0: {  	(tag) =	ssettag $0x1  }
0x1: {  	s2 =	rddreg [dreg:$0x0]  }
0x2: {  	s3 =	rddreg [dreg:$0x1]  }
0x3: {  	s1 =	srdreg.scid;
	s0 =	rddreg [dreg:$0x2];
	_ =	strace $0x80000047  }
0x4: {  	s7 =	simm.s32 $0x2;
	s19 =	simm.s32 $0x0;
	p0 =	por $0x0, $0x0  }
0x5: {  	s17 =	simm.s32 $0x0;
	s18 =	simm.s32 $0x0;
	s20 =	simm.s32 $0x0  }
0x6: {  	s8 =	simm.s32 $0x0;
	s9 =	simm.s32 $0x0;
	s11 =	simm.s32 $0x0  }
0x7: {  	s12 =	simm.s32 $0x0;
	s13 =	simm.s32 $0x0;
	s15 =	simm.s32 $0x0  }
.Ltmp0:
0x8: {  	s10 =	simm.s32 $0x0;
	s4 =	sshll.u32 s1, $0x4;
	(pc) =	sbr.rel .LBB1_1-.Ltmp0, $4  }
0x9: {  	s1 =	stileid.u32;
	s3 =	sadd.s32 $0x3200, s3;
	s4 =	sand.u32 $0x10, s4  }
0xa: {  	s5 =	sand.u32 $0x3, s1;
	s6 =	sor.u32 s1, s4;
	s4 =	simm.s32 $0x1  }
0xb: {  	s16 =	smov.u32 s5;
	[sflag:s4] =	ssyncpa.u1 $0x0;
	s6 =	sshrl.u32 s6, $0x2  }
0xc: {  	[sflag:s7] =	ssyncpa.u1 $0x0;
	s7 =	simm.s32 $0x1000;
	s14 =	smov.u32 s6  }
.LBB1_5:
0xd: {  	p1 =	slt.u32 s10, $0x2;
	s21 =	smov.u32 s20  }
0xe: {  	s24 =	smov.u32 s16;
	s10 =	sadd.s32 $0x1, s10;
	p2 =	sgt.s32 @!p1 s20, $0x3  }
0xf: {  	p0 =	por !p0, !p0;
	s22 =	sshra.s32 @!p1 s20, $0x1F;
	p2 =	por !p2, p1  }
0x10: {  	s23 =	sshra.s32 @!p1 s19, $0x1F;
	s20 =	sand.u32 @!p1 s22, s20;
	s21 =	simm.s32 @p2 $0x3  }
0x11: {  	s22 =	smov.u32 s19;
	p2 =	sgt.s32 @!p1 s19, $0x2E60;
	s20 =	ssub.s32 @!p1 s21, s20  }
0x12: {  	s19 =	sand.u32 @!p1 s23, s19;
	p2 =	por !p2, p1;
	s21 =	sadd.s32 @!p1 $0xFFFFFFFD, s20  }
0x13: {  	s22 =	simm.s32 @p2 $0x2E60;
	s20 =	ssub.s32 @!p1 $0x4, s20;
	p3 =	sgt.s32 @!p1 s21, $0x0  }
0x14: {  	s19 =	ssub.s32 @!p1 s22, s19;
	s22 =	sshra.s32 @!p1 s18, $0x1F;
	p2 =	por !p3, p1  }
0x15: {  	s21 =	sadd.s32 @!p1 $0xFFFFD1A0, s19;
	p3 =	sgt.s32 @!p1 s18, $0x78;
	s19 =	ssub.s32 @!p1 $0x2EE0, s19  }
0x16: {  	s20 =	simm.s32 @!p2 $0x0;
	p2 =	sgt.s32 @!p1 s21, $0x7F;
	p3 =	por !p3, p1  }
0x17: {  	s21 =	smov.u32 s18;
	s18 =	sand.u32 @!p1 s22, s18;
	s22 =	smov.u32 s17  }
0x18: {  	s21 =	simm.s32 @p3 $0x78;
	p3 =	sgt.s32 @!p1 s17, $0x1F;
	p2 =	por !p2, p1  }
0x19: {  	p3 =	por !p3, p1;
	s18 =	ssub.s32 @!p1 s21, s18;
	s21 =	sshra.s32 @!p1 s17, $0x1F  }
0x1a: {  	s22 =	simm.s32 @p3 $0x1F;
	s17 =	sand.u32 @!p1 s21, s17;
	s21 =	sadd.s32 @!p1 $0xFFFFFF88, s18  }
0x1b: {  	s18 =	ssub.s32 @!p1 $0x80, s18;
	s17 =	ssub.s32 @!p1 s22, s17;
	p3 =	sgt.s32 @!p1 s21, $0x7  }
0x1c: {  	s22 =	smov.u32 s14;
	s21 =	sadd.s32 @!p1 $0xFFFFFFE1, s17;
	p3 =	por !p3, p1  }
0x1d: {  	s17 =	ssub.s32 @!p1 $0x20, s17;
	s18 =	simm.s32 @!p3 $0x0;
	p3 =	sgt.s32 @!p1 s21, $0x0  }
0x1e: {  	s21 =	sadd.s32 $0x80, s13;
	p3 =	por !p3, p1;
	s18 =	smul.u32 @!p1 s20, s18  }
0x1f: {  	s20 =	sadd.s32 $0x8, s14;
	s17 =	simm.s32 @!p3 $0x0;
	p3 =	sgt.s32 s21, $0x2EDF  }
0x20: {  	s23 =	smov.u32 s15;
	s19 =	simm.s32 @!p2 $0x0;
	s22 =	smov.u32 @p3 s20  }
0x21: {  	s17 =	smul.u32 @!p1 s17, s18;
	s18 =	sadd.s32 $0x8, s15;
	p2 =	sgt.s32 s22, $0x1F  }
0x22: {  	s25 =	simm.s32 @!p1 $0x2;
	s21 =	simm.s32 @p3 $0x0;
	s23 =	smov.u32 @p2 s18  }
0x23: {  	s20 =	smov.u32 s12;
	s18 =	sadd.s32 $0x4, s16;
	p3 =	sgt.s32 s23, $0x7  }
0x24: {  	s12 =	smov.u32 s16;
	s17 =	smul.u32 @!p1 s19, s17;
	s24 =	smov.u32 @p3 s18  }
0x25: {  	s22 =	smov.u32 @p2 s6;
	s19 =	smov.u32 s8;
	p2 =	sgt.s32 s24, $0x3  }
0x26: {  	s8 =	smov.u32 s13;
	s24 =	smov.u32 @p2 s5;
	p2 =	sne.s32 s10, $0x17A  }
.Ltmp1:
0x27: {  	s13 =	smov.u32 s21;
	s17 =	sand.u32 @!p1 $0x3FFFFFFF, s17;
	(pc) =	sbr.rel @!p2 .LBB1_6-.Ltmp1, $4  }
0x28: {  	s23 =	simm.s32 @p3 $0x0;
	s18 =	smov.u32 s11;
	s11 =	smov.u32 s15  }
0x29: {  	_ =	swait.ge @!p1 [sflag:s25], s17;
	s26 =	ssub.s32 @!p1 $0x0, s17;
	s17 =	smov.u32 s9  }
0x2a: {  	s9 =	smov.u32 s14;
	s14 =	smov.u32 s22;
	[sflag:s25] =	ssyncset.done @!p1 $0x0  }
0x2b: {  	s15 =	smov.u32 s23;
	[sflag:s25] =	ssyncadd.s32 @!p1 s26;
	s16 =	smov.u32 s24  }
.LBB1_1:
0x2c: {  	p1 =	sgt.u32 s10, $0x177  }
0x2d: {  	s21 =	sshrl.u32 @!p1 s14, $0x3  }
0x2e: {  	s22 =	sshll.u32 @!p1 s13, $0x3;
	s21 =	smul.u32 @!p1 $0x17800, s21  }
0x2f: {  	s23 =	sshll.u32 @!p1 s14, $0x7;
	s22 =	sand.u32 @!p1 $0xFFFFFC00, s22  }
0x30: {  	s21 =	sadd.s32 @!p1 s21, s22;
	s22 =	sand.u32 @!p1 $0x380, s23  }
0x31: {  	s23 =	sand.u32 @!p1 $0x7F, s13;
	s21 =	sor.u32 @!p1 s22, s21  }
0x32: {  	s22 =	sor.u32 @!p1 s23, s21  }
0x33: {  	s23 =	smulhi.u32 @!p1 $0xAE4C415D, s22  }
0x34: {  	s21 =	smulhi.u32 @!p1 $0xAE4C415D, s21  }
0x35: {  	s25 =	smul.u32 @!p1 $0x5E000, s16;
	s23 =	sshrl.u32 @!p1 s23, $0xD  }
0x36: {  	s24 =	sxor.u32 @!p1 $0xFFFFFFFF, s10;
	s21 =	sshrl.u32 @!p1 s21, $0xD;
	s23 =	smul.u32 @!p1 $0x2F00, s23  }
0x37: {  	s26 =	smul.u32 @!p1 $0xBC00, s15;
	s24 =	sshll.u32 @!p1 s24, $0xA;
	s21 =	sand.u32 @!p1 $0x1F, s21  }
0x38: {  	s21 =	smul.u32 @!p1 $0x5E0, s21;
	s22 =	ssub.s32 @!p1 s22, s23;
	s23 =	sadd.s32 @!p1 s2, s25  }
0x39: {  	s24 =	sand.u32 @!p1 $0x400, s24;
	s23 =	sadd.s32 @!p1 s26, s23;
	s25 =	sand.u32 @!p1 $0x7, s22  }
0x3a: {  	s22 =	sshrl.u32 @!p1 s22, $0x3;
	s21 =	sadd.s32 @!p1 s21, s23;
	s23 =	sshll.u32 @!p1 s25, $0x12  }
0x3b: {  	s21 =	sadd.s32 @!p1 s22, s21;
	s22 =	sor.u32 @!p1 $0x80, s23;
	s23 =	simm.s32 @!p1 $0x5E000  }
0x3c: {  	[tilespmem:s24], [sflag:$0x1] =	stream.strided.gather @!p1 [hbm4b:s21+s22], $0x400, s23, s22, $0x38;
	[tilespmem:$0x1100] =	vst v63  }
0x3d: {  	p1 =	seq.s32 s10, $0x0  }
0x3e: {  	p2 =	seq.s32 @!p1 s10, $0x179  }
0x3f: {  	p1 =	por p1, p2  }
.Ltmp2:
0x40: {  	_ = 	snop;
	(pc) =	sbr.rel @p1 .LBB1_5-.Ltmp2, $1  }
0x41: {  	_ =	sdelay $0x3  }
0x42: {  	s21 =	simm.s32 $0x1  }
0x43: {  	_ =	swait.ge [sflag:s4], $0x400;
	s21 =	simm.s32 @!p0 $0x0  }
0x44: {  	[sflag:s4] =	ssyncset.done $0x0;
	s22 =	sshll.u32 s21, $0xA  }
0x45: {  	[sflag:s4] =	ssyncadd.s32 $0xFFFFFC00;
	s22 =	sor.u32 $0x40, s22  }
0x46: {  	s21 =	smul.u32 $0x1200, s21;
	v0 =	vld [tilespmem:s22+$0x30]  }
0x47: {  	v1 =	vld [tilespmem:s22+$0xFFFFFFD0]  }
0x48: {  	s21 =	sshrl.u32 s21, $0x2;
	v5 =	vld [tilespmem:s22+$0xFFFFFFE0]  }
0x49: {  	v6 =	vld [tilespmem:s22+$0xFFFFFFF0];
	s24 =	sor.u32 $0x800, s21  }
0x4a: {  	s31 =	sand.u32 $0x1, s10;
	v4 =	vld [tilespmem:s22+$0x0];
	s23 =	sadd.s32 $0x0, s24  }
0x4b: {  	v3 =	vld [tilespmem:s22+$0x10];
	s21 =	smul.u32 $0x1200, s31;
	[tilespmem:s23+$0x3F0 ss:$0x9] =	vst.msk $0xffff, v0  }
0x4c: {  	v2 =	vld [tilespmem:s22+$0x20];
	[tilespmem:s23+$0x90 ss:$0x9] =	vst.msk $0xffff, v1  }
0x4d: {  	s21 =	sshrl.u32 s21, $0x2;
	v1 =	vld [tilespmem:s22+$0xFFFFFFC0];
	[tilespmem:s23+$0x120 ss:$0x9] =	vst.msk $0xffff, v5;
	s22 =	sadd.s32 $0x80, s22  }
0x4e: {  	s25 =	simm.s32 $0x4;
	s26 =	simm.s32 $0x8;
	s21 =	sor.u32 $0x800, s21;
	[tilespmem:s23+$0x1B0 ss:$0x9] =	vst.msk $0xffff, v6;
	v0 =	vld [tilespmem:s22+$0x30]  }
.LBB1_3:
0x4f: {  	p1 =	sne.s32 s26, $0x1C;
	v5 =	vld [tilespmem:s22+$0xFFFFFFD0];
	[tilespmem:s23+$0x240 ss:$0x9] =	vst.msk $0xffff, v4  }
0x50: {  	v6 =	vld [tilespmem:s22+$0xFFFFFFE0];
	[tilespmem:s23+$0x2D0 ss:$0x9] =	vst.msk $0xffff, v3  }
0x51: {  	s27 =	sshra.s32 s25, $0x2;
	s25 =	smov.u32 s26;
	v7 =	vld [tilespmem:s22+$0xFFFFFFF0];
	[tilespmem:s23+$0x360 ss:$0x9] =	vst.msk $0xffff, v2  }
.Ltmp3:
0x52: {  	v4 =	vld [tilespmem:s22+$0x0];
	[tilespmem:s23+$0x0 ss:$0x9] =	vst.msk $0xffff, v1;
	s23 =	sadd.s32 s27, s24;
	(pc) =	sbr.rel @p1 .LBB1_3-.Ltmp3, $4  }
0x53: {  	v3 =	vld [tilespmem:s22+$0x10];
	[tilespmem:s23+$0x3F0 ss:$0x9] =	vst.msk $0xffff, v0  }
0x54: {  	[tilespmem:s23+$0x90 ss:$0x9] =	vst.msk $0xffff, v5;
	v2 =	vld [tilespmem:s22+$0x20]  }
0x55: {  	v1 =	vld [tilespmem:s22+$0xFFFFFFC0];
	[tilespmem:s23+$0x120 ss:$0x9] =	vst.msk $0xffff, v6;
	s22 =	sadd.s32 $0x80, s22  }
0x56: {  	s26 =	sadd.s32 $0x4, s26;
	v0 =	vld [tilespmem:s22+$0x30];
	[tilespmem:s23+$0x1B0 ss:$0x9] =	vst.msk $0xffff, v7  }
0x57: {  	s25 =	sshra.s32 s25, $0x2  }
0x58: {  	p1 =	sgt.s32 s12, $0x3;
	s26 =	smov.u32 s12;
	s27 =	sshra.s32 s12, $0x1F  }
0x59: {  	s28 =	sshll.u32 s11, $0x3;
	p2 =	sgt.s32 s11, $0x78;
	s31 =	sshra.s32 s9, $0x1F  }
0x5a: {  	s24 =	sadd.s32 s25, s24;
	s25 =	sshll.u32 s9, $0x7;
	s26 =	simm.s32 @!p1 $0x3  }
0x5b: {  	s27 =	sand.u32 s27, s12;
	s28 =	sand.u32 $0xC00, s28;
	s31 =	sand.u32 s31, s9  }
0x5c: {  	s29 =	sand.u32 $0xC00, s25;
	s26 =	ssub.s32 s26, s27;
	s25 =	sand.u32 $0x380, s25  }
0x5d: {  	s27 =	sadd.s32 s28, s29;
	s30 =	sadd.s32 $0xFFFFFFFD, s26;
	s29 =	smov.u32 s11  }
0x5e: {  	s28 =	sshra.s32 s11, $0x1F;
	s26 =	ssub.s32 $0x4, s26;
	p1 =	sgt.s32 s30, $0x0  }
0x5f: {  	s29 =	simm.s32 @!p2 $0x78;
	p2 =	sgt.s32 s9, $0x1F;
	s28 =	sand.u32 s28, s11  }
0x60: {  	s30 =	smov.u32 s9;
	s25 =	sor.u32 s25, s27;
	s28 =	ssub.s32 s29, s28  }
0x61: {  	s30 =	simm.s32 @!p2 $0x1F;
	s26 =	simm.s32 @p1 $0x0;
	p2 =	sgt.s32 s8, $0x2E60  }
0x62: {  	v5 =	vld [tilespmem:s22+$0xFFFFFFD0];
	[tilespmem:s23+$0x240 ss:$0x9] =	vst.msk $0xffff, v4;
	s29 =	ssub.s32 s30, s31;
	s31 =	sadd.s32 $0xFFFFFF88, s28;
	s28 =	ssub.s32 $0x80, s28  }
0x63: {  	v58 =	vld [tilespmem:s22+$0xFFFFFFE0];
	[tilespmem:s23+$0x2D0 ss:$0x9] =	vst.msk $0xffff, v3;
	s30 =	smov.u32 s8;
	p1 =	sgt.s32 s31, $0x7;
	s31 =	sadd.s32 $0xFFFFFFE1, s29  }
0x64: {  	v59 =	vld [tilespmem:s22+$0xFFFFFFF0];
	[tilespmem:s23+$0x360 ss:$0x9] =	vst.msk $0xffff, v2;
	s28 =	simm.s32 @p1 $0x0;
	p1 =	sgt.s32 s31, $0x0;
	s31 =	sshra.s32 s8, $0x1F  }
0x65: {  	v60 =	vld [tilespmem:s22+$0x0];
	[tilespmem:s23+$0x0 ss:$0x9] =	vst.msk $0xffff, v1;
	s25 =	sshrl.u32 s25, $0x3;
	s30 =	simm.s32 @!p2 $0x2E60;
	s31 =	sand.u32 s31, s8  }
0x66: {  	v61 =	vld [tilespmem:s22+$0x10];
	[tilespmem:s24+$0x3F0 ss:$0x9] =	vst.msk $0xffff, v0;
	s26 =	smul.u32 s26, s28;
	s28 =	ssub.s32 $0x20, s29;
	s23 =	ssub.s32 s30, s31  }
0x67: {  	v62 =	vld [tilespmem:s22+$0x20];
	[tilespmem:s24+$0x90 ss:$0x9] =	vst.msk $0xffff, v5;
	s28 =	simm.s32 @p1 $0x0;
	s30 =	smul.u32 $0x5DC000, s12;
	s31 =	sshrl.u32 s11, $0x3  }
0x68: {  	v63 =	vld [tilespmem:s22+$0xFFFFFFC0];
	[tilespmem:s24+$0x120 ss:$0x9] =	vst.msk $0xffff, v58;
	s26 =	smul.u32 s28, s26;
	s29 =	sadd.s32 $0xFFFFD1A0, s23;
	s22 =	ssub.s32 $0x2EE0, s23  }
0x69: {  	[tilespmem:s24+$0x1B0 ss:$0x9] =	vst.msk $0xffff, v59;
	s28 =	sand.u32 $0xF, s31;
	p1 =	sgt.s32 s29, $0x7F;
	s23 =	sadd.s32 s3, s30  }
.Ltmp4:
0x6a: {  	[tilespmem:s24+$0x240 ss:$0x9] =	vst.msk $0xffff, v60;
	s29 =	sshll.u32 s8, $0x9;
	s22 =	simm.s32 @p1 $0x0;
	(pc) =	sbr.rel .LBB1_5-.Ltmp4, $4  }
0x6b: {  	[tilespmem:s24+$0x2D0 ss:$0x9] =	vst.msk $0xffff, v61;
	s30 =	sand.u32 $0x7, s11;
	s23 =	sadd.s32 s28, s23;
	s22 =	smul.u32 s22, s26  }
0x6c: {  	[tilespmem:s24+$0x360 ss:$0x9] =	vst.msk $0xffff, v62;
	s25 =	sand.u32 $0x1F0, s25;
	s23 =	sadd.s32 s29, s23;
	s26 =	sshll.u32 s30, $0x12  }
0x6d: {  	[tilespmem:s24+$0x0 ss:$0x9] =	vst.msk $0xffff, v63;
	s23 =	sadd.s32 s25, s23;
	s31 =	sor.u32 $0x8, s26;
	s22 =	sand.u32 $0x3FFFFFFF, s22  }
0x6e: {  	[hbm4b:s23+s31] =	stream.strided.scatter [tilespmem:s21], [sflag:$0x2], s22, s7, s31, $0x0;
	[tilespmem:$0x1100] =	vst v63  }
.LBB1_6:
0x6f: {  	_ =	sfence.sel $0x180000  }
0x70: {  	s2 =	simm.s32 $0x1;
	[bflag:$0x0] =	sbarrier.arrive $0xFFFF  }
0x71: {  	s31 =	simm.s32 $0x2;
	[sflag:s2] =	ssyncpa.u1 $0x1  }
0x72: {  	[sflag:s31] =	ssyncpa.u1 $0x1  }
0x73: {  	p0 =	sne.s32 s1, $0x0;
	_ =	strace $0x90000047  }
0x74: {  	s0 =	sadd.s32 @!p0 $0x100000, s0;
	[bflag:$0x2] =	sbarrier.arrive $0xFFFF  }
0x75: {  	[sflag:s0] =	ssyncadd.tile.s32 @!p0 $0x1;
	_ =	shalt  }
.Lfunc_end1:
_tile_overlayer_lowered:
.L_overlay_start_2:
0x76: {  	(tag) =	ssettag $0x2  }
0x77: {  	s0 =	rddreg [dreg:$0x0];
	s2 =	stileid.u32  }
0x78: {  	s1 =	rddreg [dreg:$0x1];
	p0 =	sne.s32 s2, $0x0  }
0x79: {  	s3 =	rddreg [dreg:$0x2];
	[bflag:$0x3] =	sbarrier.arrive $0xFFFF;
	s2 =	simm.s32 @!p0 $0x1C01  }
0x7a: {  	[timem:s3], [sflag:s2] =	dma.local @!p0 [hbm:s0], s1  }
0x7b: {  	s0 =	simm.s32 @!p0 $0x1  }
0x7c: {  	_ =	swait.ge @!p0 [sflag:s0], s1  }
0x7d: {  	s1 =	ssub.s32 @!p0 $0x0, s1;
	[sflag:s0] =	ssyncset.done @!p0 $0x0  }
0x7e: {  	[sflag:s0] =	ssyncadd.s32 @!p0 s1  }
0x7f: {  	[bflag:$0x3] =	sbarrier.arrive $0xFFFF  }
0x80: {  	_ =	shalt  }

</sc_bundles>
